<compile_context>
chip_gen: v7x
topology: tpu7x:2x2x1
jax: 0.10.2.dev20260603
libtpu: 0.0.44.dev20260713+nightly
codegen_flags: <defaults>
</compile_context>

<pallas_src>
import functools

import jax
import jax.numpy as jnp
from jax import lax
from jax.experimental import pallas as pl
from jax.experimental.pallas import tpu as pltpu
from jax.experimental.pallas import tpu_sc as plsc

_BETA = 0.5
_N = 4096
_B = 2048
_NE = 2 * _B
_NC = 2
_NS = 16
_NW = _NC * _NS
_EPW = _NE // _NW
_GB = 2
_NB = _EPW // _GB
_LANES = 16
_CH = _N // _LANES
_UNROLL = 4


def _sc_partials(A0v, A1v, idx, w0, w1):
    mesh = plsc.VectorSubcoreMesh(core_axis_name="c", subcore_axis_name="s")

    @functools.partial(
        pl.kernel,
        out_type=jax.ShapeDtypeStruct((_NE, _LANES), jnp.float32),
        mesh=mesh,
        scratch_types=[
            pltpu.VMEM((_GB * 2, _N), jnp.float32),
            pltpu.VMEM((_GB * 2, _N), jnp.float32),
            pltpu.VMEM((_GB * 2, _N), jnp.float32),
            pltpu.VMEM((_GB * 2, _N), jnp.float32),
            pltpu.VMEM((_N,), jnp.float32),
            pltpu.VMEM((_N,), jnp.float32),
            pltpu.VMEM((_NB, 2 * _GB), jnp.int32),
            pltpu.VMEM((_EPW, _LANES), jnp.float32),
            pltpu.SemaphoreType.DMA,
            pltpu.SemaphoreType.DMA,
        ],
    )
    def body(A0h, A1h, idxh, w0h, w1h, out_h,
             a0b0, a0b1, a1b0, a1b1, wv0, wv1, idx_v, res_v, sem0, sem1):
        wid = lax.axis_index("s") * _NC + lax.axis_index("c")
        bufs = ((a0b0, a1b0, sem0), (a0b1, a1b1, sem1))

        pltpu.sync_copy(idxh.at[wid], idx_v)
        pltpu.sync_copy(w0h, wv0)
        pltpu.sync_copy(w1h, wv1)

        def gathers(p, b):
            b0, b1, sem = bufs[p]
            return (pltpu.make_async_copy(A0h.at[idx_v.at[b]], b0, sem),
                    pltpu.make_async_copy(A1h.at[idx_v.at[b]], b1, sem))

        def start(p, b):
            g0, g1 = gathers(p, b)
            g0.start()
            g1.start()

        def wait(p, b):
            g0, g1 = gathers(p, b)
            g0.wait()
            g1.wait()

        start(0, 0)
        start(1, 1)

        zeros = jnp.zeros((_LANES,), jnp.float32)

        def edge_accs(b0, b1, i):
            def chunk(k, accs):
                f, r, s0s, s1s, s0d, s1d = accs
                for u in range(_UNROLL):
                    csl = pl.ds((k * _UNROLL + u) * _LANES, _LANES)
                    w0c = wv0[csl]
                    w1c = wv1[csl]
                    b0s = b0[2 * i, csl] * w0c
                    b1s = b1[2 * i, csl] * w1c
                    b0d = b0[2 * i + 1, csl] * w0c
                    b1d = b1[2 * i + 1, csl] * w1c
                    f = f + b0s * b1d
                    r = r + b1s * b0d
                    s0s = s0s + b0s * b0s
                    s1s = s1s + b1s * b1s
                    s0d = s0d + b0d * b0d
                    s1d = s1d + b1d * b1d
                return (f, r, s0s, s1s, s0d, s1d)
            return lax.fori_loop(0, _CH // _UNROLL, chunk, (zeros,) * 6)

        def run_batch(p, b):
            wait(p, b)
            b0, b1, _ = bufs[p][:3]
            lanes = lax.iota(jnp.int32, _LANES)

            def allsum(x):
                for s in (8, 4, 2, 1):
                    x = x + x.at[jnp.bitwise_xor(lanes, s)].get(
                        mode="promise_in_bounds")
                return x

            for i in range(_GB):
                accs = edge_accs(b0, b1, i)
                e_loc = b * _GB + i
                vec = zeros
                for q in range(6):
                    vec = jnp.where(lanes == q, allsum(accs[q]), vec)
                res_v[e_loc, :] = vec
            nb = b + 2

            @pl.when(nb < _NB)
            def _():
                start(p, nb)

        def g_body(g, carry):
            run_batch(0, 2 * g)
            run_batch(1, 2 * g + 1)
            return carry

        lax.fori_loop(0, _NB // 2, g_body, 0)
        pltpu.sync_copy(res_v, out_h.at[pl.ds(wid * _EPW, _EPW)])

    return body(A0v, A1v, idx, w0, w1)


def _finisher(P, mw):

    def body(p_ref, w10_ref, b10_ref, w20_ref, b20_ref,
             v10_ref, c10_ref, v20_ref, c20_ref,
             w11_ref, b11_ref, w21_ref, b21_ref,
             v11_ref, c11_ref, v21_ref, c21_ref, o_ref):
        p = p_ref[...]
        f, r, s0s, s1s, s0d, s1d = [p[:, q:q + 1] for q in range(6)]
        df = jnp.sqrt(s0s) * jnp.sqrt(s1d) + 1e-30
        dr = jnp.sqrt(s1s) * jnp.sqrt(s0d) + 1e-30
        on = f / df + r / dr

        def bf(x):
            return x.astype(jnp.bfloat16).astype(jnp.float32)

        def mlp(x, w1, b1, w2, b2, keepdims):
            h = jnp.maximum(x * w1[...] + b1[...], 0.0)
            s = jnp.sum(bf(h) * bf(w2[...]), axis=1, keepdims=keepdims)
            return s + (b2[...] if keepdims else b2[0, 0])

        on0 = on[:_B]
        on1 = on[_B:]
        sl0 = _BETA * mlp(on0, w10_ref, b10_ref, w20_ref, b20_ref, True)
        o_ref[pl.ds(0, _B)] = mlp(sl0, v10_ref, c10_ref, v20_ref, c20_ref,
                                  False)
        sl1 = _BETA * mlp(on1, w11_ref, b11_ref, w21_ref, b21_ref, True)
        o_ref[pl.ds(_B, _B)] = mlp(sl1, v11_ref, c11_ref, v21_ref, c21_ref,
                                   False)

    out = pl.pallas_call(
        body,
        out_shape=jax.ShapeDtypeStruct((_NE,), jnp.float32),
    )(P, *mw)
    return out


def kernel(A0, A1, feats0, feats1, out0, out1, src0, dst0, src1, dst1,
           p1w1_0, p1b1_0, p1w2_0, p1b2_0, p2w1_0, p2b1_0, p2w2_0, p2b2_0,
           p1w1_1, p1b1_1, p1w2_1, p1b2_1, p2w1_1, p2b1_1, p2w2_1, p2b2_1):
    src = jnp.concatenate([src0, src1])
    dst = jnp.concatenate([dst0, dst1])
    idx = jnp.stack([src, dst], axis=1)
    idx = idx.reshape(_NW, _NB, 2 * _GB).astype(jnp.int32)
    w0 = feats0.reshape(_N)
    w1 = feats1.reshape(_N)

    P = _sc_partials(A0, A1, idx, w0, w1)

    mw = (p1w1_0, p1b1_0.reshape(1, 64), p1w2_0.reshape(1, 64),
          p1b2_0.reshape(1, 1),
          p2w1_0, p2b1_0.reshape(1, 64), p2w2_0.reshape(1, 64),
          p2b2_0.reshape(1, 1),
          p1w1_1, p1b1_1.reshape(1, 64), p1w2_1.reshape(1, 64),
          p1b2_1.reshape(1, 1),
          p2w1_1, p2b1_1.reshape(1, 64), p2w2_1.reshape(1, 64),
          p2b2_1.reshape(1, 1))
    out = _finisher(P, mw)
    return out.reshape(2, _B, 1)

# --- scband reference (transcript-rebuilt; emitter-appended) ---
"""Pipeline reference for scband-maa-89000312308386 (READ-ONLY COPY).

The authoritative reference and input builder live on the scoring server;
editing this copy changes nothing except your own understanding.
"""

import jax, jax.numpy as jnp
import numpy as np

EPS = 1e-16
BETA = 0.5
N = 4096
B = 2048
PHI = 64

def setup_inputs(seed: int = 0):
    key = jax.random.key(seed)
    ks = jax.random.split(key, 24)
    inp = {}
    inp["A0"] = jax.random.uniform(ks[0], (N, N), dtype=jnp.float32)
    inp["A1"] = jax.random.uniform(ks[1], (N, N), dtype=jnp.float32)
    inp["feats0"] = jax.random.uniform(ks[2], (N, 1), dtype=jnp.float32)
    inp["feats1"] = jax.random.uniform(ks[3], (N, 1), dtype=jnp.float32)
    inp["out0"] = jnp.zeros((B, 1), dtype=jnp.float32)
    inp["out1"] = jnp.zeros((B, 1), dtype=jnp.float32)
    inp["src0"] = jax.random.randint(ks[4], (B,), 0, N, dtype=jnp.int32)
    inp["dst0"] = jax.random.randint(ks[5], (B,), 0, N, dtype=jnp.int32)
    inp["src1"] = jax.random.randint(ks[6], (B,), 0, N, dtype=jnp.int32)
    inp["dst1"] = jax.random.randint(ks[7], (B,), 0, N, dtype=jnp.int32)
    i = 8
    for l in range(2):
        for m in ("p1", "p2"):
            inp[m + "w1_" + str(l)] = jax.random.normal(ks[i], (1, PHI), dtype=jnp.float32) * 0.5; i += 1
            inp[m + "b1_" + str(l)] = jnp.zeros((PHI,), dtype=jnp.float32)
            inp[m + "w2_" + str(l)] = jax.random.normal(ks[i], (PHI, 1), dtype=jnp.float32) * 0.2; i += 1
            inp[m + "b2_" + str(l)] = jnp.zeros((1,), dtype=jnp.float32)
    return inp

def _mlp(x, w1, b1, w2, b2):
    return jax.nn.relu(x @ w1 + b1) @ w2 + b2

def _pair(Aa, fa, Ab, fb, src, dst):
    # mat_* are the row-gathered, column-feature-weighted dense adjacency slices
    # (equivalent to SparseTensor.from_edge_index(...).to_dense() in the original)
    wa = fa[:, 0][None, :]
    wb = fb[:, 0][None, :]
    mat_src = Aa[src] * wa
    mat_dst = Ab[dst] * wb
    mat_src_rev = Ab[src] * wb
    mat_dst_rev = Aa[dst] * wa
    # diag(mat_src @ mat_dst.T) == rowwise dot product
    out_struct = jnp.sum(mat_src * mat_dst, axis=1)
    out_struct_rev = jnp.sum(mat_src_rev * mat_dst_rev, axis=1)
    # random_fill with f_dropout=0.0 adds a constant eps to every entry
    d_src = jnp.linalg.norm(mat_src + EPS, axis=-1)
    d_dst = jnp.linalg.norm(mat_dst + EPS, axis=-1)
    d_src_rev = jnp.linalg.norm(mat_src_rev + EPS, axis=-1)
    d_dst_rev = jnp.linalg.norm(mat_dst_rev + EPS, axis=-1)
    D = d_src * d_dst
    D_rev = d_src_rev * d_dst_rev
    return (out_struct / D + out_struct_rev / D_rev)[:, None]

def reference(A0, A1, feats0, feats1, out0, out1, src0, dst0, src1, dst1,
              p1w1_0, p1b1_0, p1w2_0, p1b2_0, p2w1_0, p2b1_0, p2w2_0, p2b2_0,
              p1w1_1, p1b1_1, p1w2_1, p1b2_1, p2w1_1, p2b1_1, p2w2_1, p2b2_1):
    # layer 0, policy p[0] = [1]  (lid2 = 1, lm = 1)
    on0 = _pair(A0, feats0, A1, feats1, src0, dst0)
    sl0 = jnp.zeros_like(out0) + BETA * _mlp(on0, p1w1_0, p1b1_0, p1w2_0, p1b2_0) / 1.0
    o0 = _mlp(sl0, p2w1_0, p2b1_0, p2w2_0, p2b2_0)
    # layer 1, policy p[1] = [0]  (lid2 = 0, lm = 1)
    on1 = _pair(A1, feats1, A0, feats0, src1, dst1)
    sl1 = jnp.zeros_like(out1) + BETA * _mlp(on1, p1w1_1, p1b1_1, p1w2_1, p1b2_1) / 1.0
    o1 = _mlp(sl1, p2w1_1, p2b1_1, p2w2_1, p2b2_1)
    return jnp.stack([o0, o1], axis=0)

if __name__ == "__main__":
    import jax
    _d = setup_inputs()
    print(jax.jit(kernel)(*tuple(_d.values())))

</pallas_src>

<mosaic_0001>
#map = affine_map<(d0, d1) -> (0, 0)>
#map1 = affine_map<(d0, d1) -> (0, 0, 0)>
#map2 = affine_map<(d0, d1) -> (0)>
module attributes {stable_mosaic.version = 14 : i64} {
  func.func @body(%arg0: i32, %arg1: i32, %arg2: memref<4096x4096xf32, #tpu.memory_space<hbm>>, %arg3: memref<4096x4096xf32, #tpu.memory_space<hbm>>, %arg4: memref<32x64x4xi32, #tpu.memory_space<hbm>>, %arg5: memref<4096xf32, #tpu.memory_space<hbm>>, %arg6: memref<4096xf32, #tpu.memory_space<hbm>>, %arg7: memref<4096x16xf32, #tpu.memory_space<hbm>>, %arg8: memref<4x4096xf32, #tpu.memory_space<vmem>>, %arg9: memref<4x4096xf32, #tpu.memory_space<vmem>>, %arg10: memref<4x4096xf32, #tpu.memory_space<vmem>>, %arg11: memref<4x4096xf32, #tpu.memory_space<vmem>>, %arg12: memref<4096xf32, #tpu.memory_space<vmem>>, %arg13: memref<4096xf32, #tpu.memory_space<vmem>>, %arg14: memref<64x4xi32, #tpu.memory_space<vmem>>, %arg15: memref<128x16xf32, #tpu.memory_space<vmem>>, %arg16: memref<!tpu.dma_semaphore, #tpu.memory_space<semaphore_mem>>, %arg17: memref<!tpu.dma_semaphore, #tpu.memory_space<semaphore_mem>>) attributes {dimension_semantics = [#tpu.dimension_semantics<core_parallel>, #tpu.dimension_semantics<subcore_parallel>], iteration_bounds = array<i64: 2, 16>, scalar_prefetch = 0 : i64, scratch_operands = 10 : i64, tpu.core_type = #tpu.core_type<sc_vector_subcore>, window_params = [{transform_indices = #map}, {transform_indices = #map}, {transform_indices = #map1}, {transform_indices = #map2}, {transform_indices = #map2}, {transform_indices = #map}]} {
    %mul3A = arith.constant 2 : i32
    %mul3A_0 = arith.muli %arg1, %mul3A : i32
    %add3A = arith.addi %mul3A_0, %arg0 : i32
    "tpu.region"() ({
      %run_scoped3A = tpu.sem_alloc : memref<!tpu.dma_semaphore, #tpu.memory_space<semaphore_mem>>
      %dma_start3A_36 = arith.constant 0 : i32
      %dma_start3A_37 = arith.constant 0 : i32
      %dma_start3A_38 = tpu.memref_slice %arg4[%add3A, %dma_start3A_36, %dma_start3A_37] : memref<32x64x4xi32, #tpu.memory_space<hbm>> -> memref<1x64x4xi32, #tpu.memory_space<hbm>>
      %dma_start3A_39 = tpu.memref_squeeze %dma_start3A_38 : memref<1x64x4xi32, #tpu.memory_space<hbm>> -> memref<64x4xi32, #tpu.memory_space<hbm>>
      %dma_start3A_40 = arith.constant 0 : i32
      %dma_start3A_41 = arith.constant 0 : i32
      %dma_start3A_42 = tpu.memref_slice %arg4[%add3A, %dma_start3A_40, %dma_start3A_41] : memref<32x64x4xi32, #tpu.memory_space<hbm>> -> memref<1x64x4xi32, #tpu.memory_space<hbm>>
      %dma_start3A_43 = tpu.memref_squeeze %dma_start3A_42 : memref<1x64x4xi32, #tpu.memory_space<hbm>> -> memref<64x4xi32, #tpu.memory_space<hbm>>
      tpu.enqueue_dma source(%dma_start3A_43 : memref<64x4xi32, #tpu.memory_space<hbm>>) target(%arg14 : memref<64x4xi32, #tpu.memory_space<vmem>>) target_semaphore(%run_scoped3A : memref<!tpu.dma_semaphore, #tpu.memory_space<semaphore_mem>>)
      %dma_wait3A = arith.constant 0 : i32
      %dma_wait3A_44 = arith.constant 0 : i32
      %dma_wait3A_45 = tpu.memref_slice %arg4[%add3A, %dma_wait3A, %dma_wait3A_44] : memref<32x64x4xi32, #tpu.memory_space<hbm>> -> memref<1x64x4xi32, #tpu.memory_space<hbm>>
      %dma_wait3A_46 = tpu.memref_squeeze %dma_wait3A_45 : memref<1x64x4xi32, #tpu.memory_space<hbm>> -> memref<64x4xi32, #tpu.memory_space<hbm>>
      %dma_wait3A_47 = arith.constant 0 : i32
      %dma_wait3A_48 = arith.constant 0 : i32
      %dma_wait3A_49 = tpu.memref_slice %arg4[%add3A, %dma_wait3A_47, %dma_wait3A_48] : memref<32x64x4xi32, #tpu.memory_space<hbm>> -> memref<1x64x4xi32, #tpu.memory_space<hbm>>
      %dma_wait3A_50 = tpu.memref_squeeze %dma_wait3A_49 : memref<1x64x4xi32, #tpu.memory_space<hbm>> -> memref<64x4xi32, #tpu.memory_space<hbm>>
      tpu.wait_dma2 semaphore(%run_scoped3A : memref<!tpu.dma_semaphore, #tpu.memory_space<semaphore_mem>>) src(%dma_wait3A_50 : memref<64x4xi32, #tpu.memory_space<hbm>>) dst(%arg14 : memref<64x4xi32, #tpu.memory_space<vmem>>)
      tpu.yield
    }) : () -> ()
    "tpu.region"() ({
      %run_scoped3A = tpu.sem_alloc : memref<!tpu.dma_semaphore, #tpu.memory_space<semaphore_mem>>
      tpu.enqueue_dma source(%arg5 : memref<4096xf32, #tpu.memory_space<hbm>>) target(%arg12 : memref<4096xf32, #tpu.memory_space<vmem>>) target_semaphore(%run_scoped3A : memref<!tpu.dma_semaphore, #tpu.memory_space<semaphore_mem>>)
      tpu.wait_dma2 semaphore(%run_scoped3A : memref<!tpu.dma_semaphore, #tpu.memory_space<semaphore_mem>>) src(%arg5 : memref<4096xf32, #tpu.memory_space<hbm>>) dst(%arg12 : memref<4096xf32, #tpu.memory_space<vmem>>)
      tpu.yield
    }) : () -> ()
    "tpu.region"() ({
      %run_scoped3A = tpu.sem_alloc : memref<!tpu.dma_semaphore, #tpu.memory_space<semaphore_mem>>
      tpu.enqueue_dma source(%arg6 : memref<4096xf32, #tpu.memory_space<hbm>>) target(%arg13 : memref<4096xf32, #tpu.memory_space<vmem>>) target_semaphore(%run_scoped3A : memref<!tpu.dma_semaphore, #tpu.memory_space<semaphore_mem>>)
      tpu.wait_dma2 semaphore(%run_scoped3A : memref<!tpu.dma_semaphore, #tpu.memory_space<semaphore_mem>>) src(%arg6 : memref<4096xf32, #tpu.memory_space<hbm>>) dst(%arg13 : memref<4096xf32, #tpu.memory_space<vmem>>)
      tpu.yield
    }) : () -> ()
    %dma_start3A = arith.constant 0 : i32
    %dma_start3A_1 = arith.constant 0 : i32
    %dma_start3A_2 = tpu.memref_slice %arg14[%dma_start3A, %dma_start3A_1] : memref<64x4xi32, #tpu.memory_space<vmem>> -> memref<1x4xi32, #tpu.memory_space<vmem>>
    %dma_start3A_3 = tpu.memref_squeeze %dma_start3A_2 : memref<1x4xi32, #tpu.memory_space<vmem>> -> memref<4xi32, #tpu.memory_space<vmem>>
    %dma_start3A_4 = arith.constant 0 : i32
    %dma_start3A_5 = arith.constant 0 : i32
    %dma_start3A_6 = tpu.memref_slice %arg2[%dma_start3A_4, %dma_start3A_5] : memref<4096x4096xf32, #tpu.memory_space<hbm>> -> memref<4096x4096xf32, #tpu.memory_space<hbm>>
    tpu.enqueue_indirect_dma source(%dma_start3A_6 : memref<4096x4096xf32, #tpu.memory_space<hbm>>) target(%arg8 : memref<4x4096xf32, #tpu.memory_space<vmem>>) offsets(%dma_start3A_3 : memref<4xi32, #tpu.memory_space<vmem>>) semaphore(%arg16 : memref<!tpu.dma_semaphore, #tpu.memory_space<semaphore_mem>>)
    %dma_start3A_7 = arith.constant 0 : i32
    %dma_start3A_8 = arith.constant 0 : i32
    %dma_start3A_9 = tpu.memref_slice %arg14[%dma_start3A_7, %dma_start3A_8] : memref<64x4xi32, #tpu.memory_space<vmem>> -> memref<1x4xi32, #tpu.memory_space<vmem>>
    %dma_start3A_10 = tpu.memref_squeeze %dma_start3A_9 : memref<1x4xi32, #tpu.memory_space<vmem>> -> memref<4xi32, #tpu.memory_space<vmem>>
    %dma_start3A_11 = arith.constant 0 : i32
    %dma_start3A_12 = arith.constant 0 : i32
    %dma_start3A_13 = tpu.memref_slice %arg3[%dma_start3A_11, %dma_start3A_12] : memref<4096x4096xf32, #tpu.memory_space<hbm>> -> memref<4096x4096xf32, #tpu.memory_space<hbm>>
    tpu.enqueue_indirect_dma source(%dma_start3A_13 : memref<4096x4096xf32, #tpu.memory_space<hbm>>) target(%arg10 : memref<4x4096xf32, #tpu.memory_space<vmem>>) offsets(%dma_start3A_10 : memref<4xi32, #tpu.memory_space<vmem>>) semaphore(%arg16 : memref<!tpu.dma_semaphore, #tpu.memory_space<semaphore_mem>>)
    %dma_start3A_14 = arith.constant 1 : i32
    %dma_start3A_15 = arith.constant 0 : i32
    %dma_start3A_16 = tpu.memref_slice %arg14[%dma_start3A_14, %dma_start3A_15] : memref<64x4xi32, #tpu.memory_space<vmem>> -> memref<1x4xi32, #tpu.memory_space<vmem>>
    %dma_start3A_17 = tpu.memref_squeeze %dma_start3A_16 : memref<1x4xi32, #tpu.memory_space<vmem>> -> memref<4xi32, #tpu.memory_space<vmem>>
    %dma_start3A_18 = arith.constant 0 : i32
    %dma_start3A_19 = arith.constant 0 : i32
    %dma_start3A_20 = tpu.memref_slice %arg2[%dma_start3A_18, %dma_start3A_19] : memref<4096x4096xf32, #tpu.memory_space<hbm>> -> memref<4096x4096xf32, #tpu.memory_space<hbm>>
    tpu.enqueue_indirect_dma source(%dma_start3A_20 : memref<4096x4096xf32, #tpu.memory_space<hbm>>) target(%arg9 : memref<4x4096xf32, #tpu.memory_space<vmem>>) offsets(%dma_start3A_17 : memref<4xi32, #tpu.memory_space<vmem>>) semaphore(%arg17 : memref<!tpu.dma_semaphore, #tpu.memory_space<semaphore_mem>>)
    %dma_start3A_21 = arith.constant 1 : i32
    %dma_start3A_22 = arith.constant 0 : i32
    %dma_start3A_23 = tpu.memref_slice %arg14[%dma_start3A_21, %dma_start3A_22] : memref<64x4xi32, #tpu.memory_space<vmem>> -> memref<1x4xi32, #tpu.memory_space<vmem>>
    %dma_start3A_24 = tpu.memref_squeeze %dma_start3A_23 : memref<1x4xi32, #tpu.memory_space<vmem>> -> memref<4xi32, #tpu.memory_space<vmem>>
    %dma_start3A_25 = arith.constant 0 : i32
    %dma_start3A_26 = arith.constant 0 : i32
    %dma_start3A_27 = tpu.memref_slice %arg3[%dma_start3A_25, %dma_start3A_26] : memref<4096x4096xf32, #tpu.memory_space<hbm>> -> memref<4096x4096xf32, #tpu.memory_space<hbm>>
    tpu.enqueue_indirect_dma source(%dma_start3A_27 : memref<4096x4096xf32, #tpu.memory_space<hbm>>) target(%arg11 : memref<4x4096xf32, #tpu.memory_space<vmem>>) offsets(%dma_start3A_24 : memref<4xi32, #tpu.memory_space<vmem>>) semaphore(%arg17 : memref<!tpu.dma_semaphore, #tpu.memory_space<semaphore_mem>>)
    %broadcast_in_dim3A = arith.constant 0.000000e+00 : f32
    %broadcast_in_dim3A_28 = vector.broadcast %broadcast_in_dim3A : f32 to vector<16xf32>
    %scan3A = arith.constant 0 : i32
    %scan3A_29 = arith.constant 0 : i32
    %scan3A_30 = arith.constant 32 : i32
    %scan3A_31 = arith.addi %scan3A_29, %scan3A_30 : i32
    %scan3A_32 = arith.constant 1 : i32
    scf.for %scan3A_36 = %scan3A_29 to %scan3A_31 step %scan3A_32  : i32 {
      %mul3A_37 = arith.constant 2 : i32
      %mul3A_38 = arith.muli %mul3A_37, %scan3A_36 : i32
      %dma_wait3A = arith.constant 0 : i32
      %dma_wait3A_39 = tpu.memref_slice %arg14[%mul3A_38, %dma_wait3A] : memref<64x4xi32, #tpu.memory_space<vmem>> -> memref<1x4xi32, #tpu.memory_space<vmem>>
      %dma_wait3A_40 = tpu.memref_squeeze %dma_wait3A_39 : memref<1x4xi32, #tpu.memory_space<vmem>> -> memref<4xi32, #tpu.memory_space<vmem>>
      %dma_wait3A_41 = arith.constant 0 : i32
      %dma_wait3A_42 = arith.constant 0 : i32
      %dma_wait3A_43 = tpu.memref_slice %arg2[%dma_wait3A_41, %dma_wait3A_42] : memref<4096x4096xf32, #tpu.memory_space<hbm>> -> memref<4096x4096xf32, #tpu.memory_space<hbm>>
      tpu.wait_indirect_dma semaphore(%arg16 : memref<!tpu.dma_semaphore, #tpu.memory_space<semaphore_mem>>) src(%dma_wait3A_43 : memref<4096x4096xf32, #tpu.memory_space<hbm>>) dst(%arg8 : memref<4x4096xf32, #tpu.memory_space<vmem>>)
      %dma_wait3A_44 = arith.constant 0 : i32
      %dma_wait3A_45 = tpu.memref_slice %arg14[%mul3A_38, %dma_wait3A_44] : memref<64x4xi32, #tpu.memory_space<vmem>> -> memref<1x4xi32, #tpu.memory_space<vmem>>
      %dma_wait3A_46 = tpu.memref_squeeze %dma_wait3A_45 : memref<1x4xi32, #tpu.memory_space<vmem>> -> memref<4xi32, #tpu.memory_space<vmem>>
      %dma_wait3A_47 = arith.constant 0 : i32
      %dma_wait3A_48 = arith.constant 0 : i32
      %dma_wait3A_49 = tpu.memref_slice %arg3[%dma_wait3A_47, %dma_wait3A_48] : memref<4096x4096xf32, #tpu.memory_space<hbm>> -> memref<4096x4096xf32, #tpu.memory_space<hbm>>
      tpu.wait_indirect_dma semaphore(%arg16 : memref<!tpu.dma_semaphore, #tpu.memory_space<semaphore_mem>>) src(%dma_wait3A_49 : memref<4096x4096xf32, #tpu.memory_space<hbm>>) dst(%arg10 : memref<4x4096xf32, #tpu.memory_space<vmem>>)
      %iota3A = tpu.iota {dimensions = array<i32: 0>} : vector<16xi32>
      %scan3A_50 = arith.constant 0 : i32
      %scan3A_51 = arith.constant 64 : i32
      %scan3A_52 = arith.addi %scan3A_50, %scan3A_51 : i32
      %scan3A_53 = arith.constant 1 : i32
      %scan3A_54:6 = scf.for %scan3A_1573 = %scan3A_50 to %scan3A_52 step %scan3A_53 iter_args(%scan3A_1574 = %broadcast_in_dim3A_28, %scan3A_1575 = %broadcast_in_dim3A_28, %scan3A_1576 = %broadcast_in_dim3A_28, %scan3A_1577 = %broadcast_in_dim3A_28, %scan3A_1578 = %broadcast_in_dim3A_28, %scan3A_1579 = %broadcast_in_dim3A_28) -> (vector<16xf32>, vector<16xf32>, vector<16xf32>, vector<16xf32>, vector<16xf32>, vector<16xf32>)  : i32 {
        %mul3A_1580 = arith.constant 4 : i32
        %mul3A_1581 = arith.muli %scan3A_1573, %mul3A_1580 : i32
        %add3A_1582 = arith.constant 0 : i32
        %add3A_1583 = arith.addi %mul3A_1581, %add3A_1582 : i32
        %mul3A_1584 = arith.constant 16 : i32
        %mul3A_1585 = arith.muli %add3A_1583, %mul3A_1584 : i32
        %get3A = arith.index_cast %mul3A_1585 : i32 to index
        %get3A_1586 = tpu.vector_load %arg12[%get3A] {strides = array<i32>} : memref<4096xf32, #tpu.memory_space<vmem>>, vector<16xf32>,
        %get3A_1587 = vector.shape_cast %get3A_1586 : vector<16xf32> to vector<16xf32>
        %get3A_1588 = arith.index_cast %mul3A_1585 : i32 to index
        %get3A_1589 = tpu.vector_load %arg13[%get3A_1588] {strides = array<i32>} : memref<4096xf32, #tpu.memory_space<vmem>>, vector<16xf32>,
        %get3A_1590 = vector.shape_cast %get3A_1589 : vector<16xf32> to vector<16xf32>
        %get3A_1591 = arith.constant 0 : i32
        %get3A_1592 = arith.index_cast %get3A_1591 : i32 to index
        %get3A_1593 = arith.index_cast %mul3A_1585 : i32 to index
        %get3A_1594 = tpu.vector_load %arg8[%get3A_1592, %get3A_1593] {strides = array<i32>} : memref<4x4096xf32, #tpu.memory_space<vmem>>, vector<1x16xf32>,
        %get3A_1595 = vector.shape_cast %get3A_1594 : vector<1x16xf32> to vector<16xf32>
        %mul3A_1596 = arith.mulf %get3A_1595, %get3A_1587 : vector<16xf32>
        %get3A_1597 = arith.constant 0 : i32
        %get3A_1598 = arith.index_cast %get3A_1597 : i32 to index
        %get3A_1599 = arith.index_cast %mul3A_1585 : i32 to index
        %get3A_1600 = tpu.vector_load %arg10[%get3A_1598, %get3A_1599] {strides = array<i32>} : memref<4x4096xf32, #tpu.memory_space<vmem>>, vector<1x16xf32>,
        %get3A_1601 = vector.shape_cast %get3A_1600 : vector<1x16xf32> to vector<16xf32>
        %mul3A_1602 = arith.mulf %get3A_1601, %get3A_1590 : vector<16xf32>
        %get3A_1603 = arith.constant 1 : i32
        %get3A_1604 = arith.index_cast %get3A_1603 : i32 to index
        %get3A_1605 = arith.index_cast %mul3A_1585 : i32 to index
        %get3A_1606 = tpu.vector_load %arg8[%get3A_1604, %get3A_1605] {strides = array<i32>} : memref<4x4096xf32, #tpu.memory_space<vmem>>, vector<1x16xf32>,
        %get3A_1607 = vector.shape_cast %get3A_1606 : vector<1x16xf32> to vector<16xf32>
        %mul3A_1608 = arith.mulf %get3A_1607, %get3A_1587 : vector<16xf32>
        %get3A_1609 = arith.constant 1 : i32
        %get3A_1610 = arith.index_cast %get3A_1609 : i32 to index
        %get3A_1611 = arith.index_cast %mul3A_1585 : i32 to index
        %get3A_1612 = tpu.vector_load %arg10[%get3A_1610, %get3A_1611] {strides = array<i32>} : memref<4x4096xf32, #tpu.memory_space<vmem>>, vector<1x16xf32>,
        %get3A_1613 = vector.shape_cast %get3A_1612 : vector<1x16xf32> to vector<16xf32>
        %mul3A_1614 = arith.mulf %get3A_1613, %get3A_1590 : vector<16xf32>
        %mul3A_1615 = arith.mulf %mul3A_1596, %mul3A_1614 : vector<16xf32>
        %add3A_1616 = arith.addf %scan3A_1574, %mul3A_1615 : vector<16xf32>
        %mul3A_1617 = arith.mulf %mul3A_1602, %mul3A_1608 : vector<16xf32>
        %add3A_1618 = arith.addf %scan3A_1575, %mul3A_1617 : vector<16xf32>
        %mul3A_1619 = arith.mulf %mul3A_1596, %mul3A_1596 : vector<16xf32>
        %add3A_1620 = arith.addf %scan3A_1576, %mul3A_1619 : vector<16xf32>
        %mul3A_1621 = arith.mulf %mul3A_1602, %mul3A_1602 : vector<16xf32>
        %add3A_1622 = arith.addf %scan3A_1577, %mul3A_1621 : vector<16xf32>
        %mul3A_1623 = arith.mulf %mul3A_1608, %mul3A_1608 : vector<16xf32>
        %add3A_1624 = arith.addf %scan3A_1578, %mul3A_1623 : vector<16xf32>
        %mul3A_1625 = arith.mulf %mul3A_1614, %mul3A_1614 : vector<16xf32>
        %add3A_1626 = arith.addf %scan3A_1579, %mul3A_1625 : vector<16xf32>
        %mul3A_1627 = arith.constant 4 : i32
        %mul3A_1628 = arith.muli %scan3A_1573, %mul3A_1627 : i32
        %add3A_1629 = arith.constant 1 : i32
        %add3A_1630 = arith.addi %mul3A_1628, %add3A_1629 : i32
        %mul3A_1631 = arith.constant 16 : i32
        %mul3A_1632 = arith.muli %add3A_1630, %mul3A_1631 : i32
        %get3A_1633 = arith.index_cast %mul3A_1632 : i32 to index
        %get3A_1634 = tpu.vector_load %arg12[%get3A_1633] {strides = array<i32>} : memref<4096xf32, #tpu.memory_space<vmem>>, vector<16xf32>,
        %get3A_1635 = vector.shape_cast %get3A_1634 : vector<16xf32> to vector<16xf32>
        %get3A_1636 = arith.index_cast %mul3A_1632 : i32 to index
        %get3A_1637 = tpu.vector_load %arg13[%get3A_1636] {strides = array<i32>} : memref<4096xf32, #tpu.memory_space<vmem>>, vector<16xf32>,
        %get3A_1638 = vector.shape_cast %get3A_1637 : vector<16xf32> to vector<16xf32>
        %get3A_1639 = arith.constant 0 : i32
        %get3A_1640 = arith.index_cast %get3A_1639 : i32 to index
        %get3A_1641 = arith.index_cast %mul3A_1632 : i32 to index
        %get3A_1642 = tpu.vector_load %arg8[%get3A_1640, %get3A_1641] {strides = array<i32>} : memref<4x4096xf32, #tpu.memory_space<vmem>>, vector<1x16xf32>,
        %get3A_1643 = vector.shape_cast %get3A_1642 : vector<1x16xf32> to vector<16xf32>
        %mul3A_1644 = arith.mulf %get3A_1643, %get3A_1635 : vector<16xf32>
        %get3A_1645 = arith.constant 0 : i32
        %get3A_1646 = arith.index_cast %get3A_1645 : i32 to index
        %get3A_1647 = arith.index_cast %mul3A_1632 : i32 to index
        %get3A_1648 = tpu.vector_load %arg10[%get3A_1646, %get3A_1647] {strides = array<i32>} : memref<4x4096xf32, #tpu.memory_space<vmem>>, vector<1x16xf32>,
        %get3A_1649 = vector.shape_cast %get3A_1648 : vector<1x16xf32> to vector<16xf32>
        %mul3A_1650 = arith.mulf %get3A_1649, %get3A_1638 : vector<16xf32>
        %get3A_1651 = arith.constant 1 : i32
        %get3A_1652 = arith.index_cast %get3A_1651 : i32 to index
        %get3A_1653 = arith.index_cast %mul3A_1632 : i32 to index
        %get3A_1654 = tpu.vector_load %arg8[%get3A_1652, %get3A_1653] {strides = array<i32>} : memref<4x4096xf32, #tpu.memory_space<vmem>>, vector<1x16xf32>,
        %get3A_1655 = vector.shape_cast %get3A_1654 : vector<1x16xf32> to vector<16xf32>
        %mul3A_1656 = arith.mulf %get3A_1655, %get3A_1635 : vector<16xf32>
        %get3A_1657 = arith.constant 1 : i32
        %get3A_1658 = arith.index_cast %get3A_1657 : i32 to index
        %get3A_1659 = arith.index_cast %mul3A_1632 : i32 to index
        %get3A_1660 = tpu.vector_load %arg10[%get3A_1658, %get3A_1659] {strides = array<i32>} : memref<4x4096xf32, #tpu.memory_space<vmem>>, vector<1x16xf32>,
        %get3A_1661 = vector.shape_cast %get3A_1660 : vector<1x16xf32> to vector<16xf32>
        %mul3A_1662 = arith.mulf %get3A_1661, %get3A_1638 : vector<16xf32>
        %mul3A_1663 = arith.mulf %mul3A_1644, %mul3A_1662 : vector<16xf32>
        %add3A_1664 = arith.addf %add3A_1616, %mul3A_1663 : vector<16xf32>
        %mul3A_1665 = arith.mulf %mul3A_1650, %mul3A_1656 : vector<16xf32>
        %add3A_1666 = arith.addf %add3A_1618, %mul3A_1665 : vector<16xf32>
        %mul3A_1667 = arith.mulf %mul3A_1644, %mul3A_1644 : vector<16xf32>
        %add3A_1668 = arith.addf %add3A_1620, %mul3A_1667 : vector<16xf32>
        %mul3A_1669 = arith.mulf %mul3A_1650, %mul3A_1650 : vector<16xf32>
        %add3A_1670 = arith.addf %add3A_1622, %mul3A_1669 : vector<16xf32>
        %mul3A_1671 = arith.mulf %mul3A_1656, %mul3A_1656 : vector<16xf32>
        %add3A_1672 = arith.addf %add3A_1624, %mul3A_1671 : vector<16xf32>
        %mul3A_1673 = arith.mulf %mul3A_1662, %mul3A_1662 : vector<16xf32>
        %add3A_1674 = arith.addf %add3A_1626, %mul3A_1673 : vector<16xf32>
        %mul3A_1675 = arith.constant 4 : i32
        %mul3A_1676 = arith.muli %scan3A_1573, %mul3A_1675 : i32
        %add3A_1677 = arith.constant 2 : i32
        %add3A_1678 = arith.addi %mul3A_1676, %add3A_1677 : i32
        %mul3A_1679 = arith.constant 16 : i32
        %mul3A_1680 = arith.muli %add3A_1678, %mul3A_1679 : i32
        %get3A_1681 = arith.index_cast %mul3A_1680 : i32 to index
        %get3A_1682 = tpu.vector_load %arg12[%get3A_1681] {strides = array<i32>} : memref<4096xf32, #tpu.memory_space<vmem>>, vector<16xf32>,
        %get3A_1683 = vector.shape_cast %get3A_1682 : vector<16xf32> to vector<16xf32>
        %get3A_1684 = arith.index_cast %mul3A_1680 : i32 to index
        %get3A_1685 = tpu.vector_load %arg13[%get3A_1684] {strides = array<i32>} : memref<4096xf32, #tpu.memory_space<vmem>>, vector<16xf32>,
        %get3A_1686 = vector.shape_cast %get3A_1685 : vector<16xf32> to vector<16xf32>
        %get3A_1687 = arith.constant 0 : i32
        %get3A_1688 = arith.index_cast %get3A_1687 : i32 to index
        %get3A_1689 = arith.index_cast %mul3A_1680 : i32 to index
        %get3A_1690 = tpu.vector_load %arg8[%get3A_1688, %get3A_1689] {strides = array<i32>} : memref<4x4096xf32, #tpu.memory_space<vmem>>, vector<1x16xf32>,
        %get3A_1691 = vector.shape_cast %get3A_1690 : vector<1x16xf32> to vector<16xf32>
        %mul3A_1692 = arith.mulf %get3A_1691, %get3A_1683 : vector<16xf32>
        %get3A_1693 = arith.constant 0 : i32
        %get3A_1694 = arith.index_cast %get3A_1693 : i32 to index
        %get3A_1695 = arith.index_cast %mul3A_1680 : i32 to index
        %get3A_1696 = tpu.vector_load %arg10[%get3A_1694, %get3A_1695] {strides = array<i32>} : memref<4x4096xf32, #tpu.memory_space<vmem>>, vector<1x16xf32>,
        %get3A_1697 = vector.shape_cast %get3A_1696 : vector<1x16xf32> to vector<16xf32>
        %mul3A_1698 = arith.mulf %get3A_1697, %get3A_1686 : vector<16xf32>
        %get3A_1699 = arith.constant 1 : i32
        %get3A_1700 = arith.index_cast %get3A_1699 : i32 to index
        %get3A_1701 = arith.index_cast %mul3A_1680 : i32 to index
        %get3A_1702 = tpu.vector_load %arg8[%get3A_1700, %get3A_1701] {strides = array<i32>} : memref<4x4096xf32, #tpu.memory_space<vmem>>, vector<1x16xf32>,
        %get3A_1703 = vector.shape_cast %get3A_1702 : vector<1x16xf32> to vector<16xf32>
        %mul3A_1704 = arith.mulf %get3A_1703, %get3A_1683 : vector<16xf32>
        %get3A_1705 = arith.constant 1 : i32
        %get3A_1706 = arith.index_cast %get3A_1705 : i32 to index
        %get3A_1707 = arith.index_cast %mul3A_1680 : i32 to index
        %get3A_1708 = tpu.vector_load %arg10[%get3A_1706, %get3A_1707] {strides = array<i32>} : memref<4x4096xf32, #tpu.memory_space<vmem>>, vector<1x16xf32>,
        %get3A_1709 = vector.shape_cast %get3A_1708 : vector<1x16xf32> to vector<16xf32>
        %mul3A_1710 = arith.mulf %get3A_1709, %get3A_1686 : vector<16xf32>
        %mul3A_1711 = arith.mulf %mul3A_1692, %mul3A_1710 : vector<16xf32>
        %add3A_1712 = arith.addf %add3A_1664, %mul3A_1711 : vector<16xf32>
        %mul3A_1713 = arith.mulf %mul3A_1698, %mul3A_1704 : vector<16xf32>
        %add3A_1714 = arith.addf %add3A_1666, %mul3A_1713 : vector<16xf32>
        %mul3A_1715 = arith.mulf %mul3A_1692, %mul3A_1692 : vector<16xf32>
        %add3A_1716 = arith.addf %add3A_1668, %mul3A_1715 : vector<16xf32>
        %mul3A_1717 = arith.mulf %mul3A_1698, %mul3A_1698 : vector<16xf32>
        %add3A_1718 = arith.addf %add3A_1670, %mul3A_1717 : vector<16xf32>
        %mul3A_1719 = arith.mulf %mul3A_1704, %mul3A_1704 : vector<16xf32>
        %add3A_1720 = arith.addf %add3A_1672, %mul3A_1719 : vector<16xf32>
        %mul3A_1721 = arith.mulf %mul3A_1710, %mul3A_1710 : vector<16xf32>
        %add3A_1722 = arith.addf %add3A_1674, %mul3A_1721 : vector<16xf32>
        %mul3A_1723 = arith.constant 4 : i32
        %mul3A_1724 = arith.muli %scan3A_1573, %mul3A_1723 : i32
        %add3A_1725 = arith.constant 3 : i32
        %add3A_1726 = arith.addi %mul3A_1724, %add3A_1725 : i32
        %mul3A_1727 = arith.constant 16 : i32
        %mul3A_1728 = arith.muli %add3A_1726, %mul3A_1727 : i32
        %get3A_1729 = arith.index_cast %mul3A_1728 : i32 to index
        %get3A_1730 = tpu.vector_load %arg12[%get3A_1729] {strides = array<i32>} : memref<4096xf32, #tpu.memory_space<vmem>>, vector<16xf32>,
        %get3A_1731 = vector.shape_cast %get3A_1730 : vector<16xf32> to vector<16xf32>
        %get3A_1732 = arith.index_cast %mul3A_1728 : i32 to index
        %get3A_1733 = tpu.vector_load %arg13[%get3A_1732] {strides = array<i32>} : memref<4096xf32, #tpu.memory_space<vmem>>, vector<16xf32>,
        %get3A_1734 = vector.shape_cast %get3A_1733 : vector<16xf32> to vector<16xf32>
        %get3A_1735 = arith.constant 0 : i32
        %get3A_1736 = arith.index_cast %get3A_1735 : i32 to index
        %get3A_1737 = arith.index_cast %mul3A_1728 : i32 to index
        %get3A_1738 = tpu.vector_load %arg8[%get3A_1736, %get3A_1737] {strides = array<i32>} : memref<4x4096xf32, #tpu.memory_space<vmem>>, vector<1x16xf32>,
        %get3A_1739 = vector.shape_cast %get3A_1738 : vector<1x16xf32> to vector<16xf32>
        %mul3A_1740 = arith.mulf %get3A_1739, %get3A_1731 : vector<16xf32>
        %get3A_1741 = arith.constant 0 : i32
        %get3A_1742 = arith.index_cast %get3A_1741 : i32 to index
        %get3A_1743 = arith.index_cast %mul3A_1728 : i32 to index
        %get3A_1744 = tpu.vector_load %arg10[%get3A_1742, %get3A_1743] {strides = array<i32>} : memref<4x4096xf32, #tpu.memory_space<vmem>>, vector<1x16xf32>,
        %get3A_1745 = vector.shape_cast %get3A_1744 : vector<1x16xf32> to vector<16xf32>
        %mul3A_1746 = arith.mulf %get3A_1745, %get3A_1734 : vector<16xf32>
        %get3A_1747 = arith.constant 1 : i32
        %get3A_1748 = arith.index_cast %get3A_1747 : i32 to index
        %get3A_1749 = arith.index_cast %mul3A_1728 : i32 to index
        %get3A_1750 = tpu.vector_load %arg8[%get3A_1748, %get3A_1749] {strides = array<i32>} : memref<4x4096xf32, #tpu.memory_space<vmem>>, vector<1x16xf32>,
        %get3A_1751 = vector.shape_cast %get3A_1750 : vector<1x16xf32> to vector<16xf32>
        %mul3A_1752 = arith.mulf %get3A_1751, %get3A_1731 : vector<16xf32>
        %get3A_1753 = arith.constant 1 : i32
        %get3A_1754 = arith.index_cast %get3A_1753 : i32 to index
        %get3A_1755 = arith.index_cast %mul3A_1728 : i32 to index
        %get3A_1756 = tpu.vector_load %arg10[%get3A_1754, %get3A_1755] {strides = array<i32>} : memref<4x4096xf32, #tpu.memory_space<vmem>>, vector<1x16xf32>,
        %get3A_1757 = vector.shape_cast %get3A_1756 : vector<1x16xf32> to vector<16xf32>
        %mul3A_1758 = arith.mulf %get3A_1757, %get3A_1734 : vector<16xf32>
        %mul3A_1759 = arith.mulf %mul3A_1740, %mul3A_1758 : vector<16xf32>
        %add3A_1760 = arith.addf %add3A_1712, %mul3A_1759 : vector<16xf32>
        %mul3A_1761 = arith.mulf %mul3A_1746, %mul3A_1752 : vector<16xf32>
        %add3A_1762 = arith.addf %add3A_1714, %mul3A_1761 : vector<16xf32>
        %mul3A_1763 = arith.mulf %mul3A_1740, %mul3A_1740 : vector<16xf32>
        %add3A_1764 = arith.addf %add3A_1716, %mul3A_1763 : vector<16xf32>
        %mul3A_1765 = arith.mulf %mul3A_1746, %mul3A_1746 : vector<16xf32>
        %add3A_1766 = arith.addf %add3A_1718, %mul3A_1765 : vector<16xf32>
        %mul3A_1767 = arith.mulf %mul3A_1752, %mul3A_1752 : vector<16xf32>
        %add3A_1768 = arith.addf %add3A_1720, %mul3A_1767 : vector<16xf32>
        %mul3A_1769 = arith.mulf %mul3A_1758, %mul3A_1758 : vector<16xf32>
        %add3A_1770 = arith.addf %add3A_1722, %mul3A_1769 : vector<16xf32>
        scf.yield %add3A_1760, %add3A_1762, %add3A_1764, %add3A_1766, %add3A_1768, %add3A_1770 : vector<16xf32>, vector<16xf32>, vector<16xf32>, vector<16xf32>, vector<16xf32>, vector<16xf32>
      }
      %scan3A_55 = arith.constant 64 : i32
      %mul3A_56 = arith.constant 2 : i32
      %mul3A_57 = arith.muli %mul3A_38, %mul3A_56 : i32
      %add3A_58 = arith.constant 0 : i32
      %add3A_59 = arith.addi %mul3A_57, %add3A_58 : i32
      %eq3A = arith.constant 0 : i32
      %eq3A_60 = vector.broadcast %eq3A : i32 to vector<16xi32>
      %eq3A_61 = arith.cmpi eq, %iota3A, %eq3A_60 : vector<16xi32>
      %xor3A = arith.constant 8 : i32
      %xor3A_62 = vector.broadcast %xor3A : i32 to vector<16xi32>
      %xor3A_63 = arith.xori %iota3A, %xor3A_62 : vector<16xi32>
      %lt3A = arith.constant 0 : i32
      %lt3A_64 = vector.broadcast %lt3A : i32 to vector<16xi32>
      %lt3A_65 = arith.cmpi slt, %xor3A_63, %lt3A_64 : vector<16xi32>
      %add3A_66 = arith.constant 16 : i32
      %add3A_67 = vector.broadcast %add3A_66 : i32 to vector<16xi32>
      %add3A_68 = arith.addi %xor3A_63, %add3A_67 : vector<16xi32>
      %select_n3A = arith.select %lt3A_65, %add3A_68, %xor3A_63 : vector<16xi1>, vector<16xi32>
      %broadcast_in_dim3A_69 = vector.shape_cast %select_n3A : vector<16xi32> to vector<16x1xi32>
      %gather3A = vector.shape_cast %broadcast_in_dim3A_69 : vector<16x1xi32> to vector<16xi32>
      %gather3A_70 = tpu.dynamic_gather %scan3A_54#0[%gather3A] in [0] : vector<16xf32>, vector<16xi32> -> vector<16xf32>
      %add3A_71 = arith.addf %scan3A_54#0, %gather3A_70 : vector<16xf32>
      %xor3A_72 = arith.constant 4 : i32
      %xor3A_73 = vector.broadcast %xor3A_72 : i32 to vector<16xi32>
      %xor3A_74 = arith.xori %iota3A, %xor3A_73 : vector<16xi32>
      %lt3A_75 = arith.constant 0 : i32
      %lt3A_76 = vector.broadcast %lt3A_75 : i32 to vector<16xi32>
      %lt3A_77 = arith.cmpi slt, %xor3A_74, %lt3A_76 : vector<16xi32>
      %add3A_78 = arith.constant 16 : i32
      %add3A_79 = vector.broadcast %add3A_78 : i32 to vector<16xi32>
      %add3A_80 = arith.addi %xor3A_74, %add3A_79 : vector<16xi32>
      %select_n3A_81 = arith.select %lt3A_77, %add3A_80, %xor3A_74 : vector<16xi1>, vector<16xi32>
      %broadcast_in_dim3A_82 = vector.shape_cast %select_n3A_81 : vector<16xi32> to vector<16x1xi32>
      %gather3A_83 = vector.shape_cast %broadcast_in_dim3A_82 : vector<16x1xi32> to vector<16xi32>
      %gather3A_84 = tpu.dynamic_gather %add3A_71[%gather3A_83] in [0] : vector<16xf32>, vector<16xi32> -> vector<16xf32>
      %add3A_85 = arith.addf %add3A_71, %gather3A_84 : vector<16xf32>
      %xor3A_86 = arith.constant 2 : i32
      %xor3A_87 = vector.broadcast %xor3A_86 : i32 to vector<16xi32>
      %xor3A_88 = arith.xori %iota3A, %xor3A_87 : vector<16xi32>
      %lt3A_89 = arith.constant 0 : i32
      %lt3A_90 = vector.broadcast %lt3A_89 : i32 to vector<16xi32>
      %lt3A_91 = arith.cmpi slt, %xor3A_88, %lt3A_90 : vector<16xi32>
      %add3A_92 = arith.constant 16 : i32
      %add3A_93 = vector.broadcast %add3A_92 : i32 to vector<16xi32>
      %add3A_94 = arith.addi %xor3A_88, %add3A_93 : vector<16xi32>
      %select_n3A_95 = arith.select %lt3A_91, %add3A_94, %xor3A_88 : vector<16xi1>, vector<16xi32>
      %broadcast_in_dim3A_96 = vector.shape_cast %select_n3A_95 : vector<16xi32> to vector<16x1xi32>
      %gather3A_97 = vector.shape_cast %broadcast_in_dim3A_96 : vector<16x1xi32> to vector<16xi32>
      %gather3A_98 = tpu.dynamic_gather %add3A_85[%gather3A_97] in [0] : vector<16xf32>, vector<16xi32> -> vector<16xf32>
      %add3A_99 = arith.addf %add3A_85, %gather3A_98 : vector<16xf32>
      %xor3A_100 = arith.constant 1 : i32
      %xor3A_101 = vector.broadcast %xor3A_100 : i32 to vector<16xi32>
      %xor3A_102 = arith.xori %iota3A, %xor3A_101 : vector<16xi32>
      %lt3A_103 = arith.constant 0 : i32
      %lt3A_104 = vector.broadcast %lt3A_103 : i32 to vector<16xi32>
      %lt3A_105 = arith.cmpi slt, %xor3A_102, %lt3A_104 : vector<16xi32>
      %add3A_106 = arith.constant 16 : i32
      %add3A_107 = vector.broadcast %add3A_106 : i32 to vector<16xi32>
      %add3A_108 = arith.addi %xor3A_102, %add3A_107 : vector<16xi32>
      %select_n3A_109 = arith.select %lt3A_105, %add3A_108, %xor3A_102 : vector<16xi1>, vector<16xi32>
      %broadcast_in_dim3A_110 = vector.shape_cast %select_n3A_109 : vector<16xi32> to vector<16x1xi32>
      %gather3A_111 = vector.shape_cast %broadcast_in_dim3A_110 : vector<16x1xi32> to vector<16xi32>
      %gather3A_112 = tpu.dynamic_gather %add3A_99[%gather3A_111] in [0] : vector<16xf32>, vector<16xi32> -> vector<16xf32>
      %add3A_113 = arith.addf %add3A_99, %gather3A_112 : vector<16xf32>
      %select_n3A_114 = arith.select %eq3A_61, %add3A_113, %broadcast_in_dim3A_28 : vector<16xi1>, vector<16xf32>
      %eq3A_115 = arith.constant 1 : i32
      %eq3A_116 = vector.broadcast %eq3A_115 : i32 to vector<16xi32>
      %eq3A_117 = arith.cmpi eq, %iota3A, %eq3A_116 : vector<16xi32>
      %xor3A_118 = arith.constant 8 : i32
      %xor3A_119 = vector.broadcast %xor3A_118 : i32 to vector<16xi32>
      %xor3A_120 = arith.xori %iota3A, %xor3A_119 : vector<16xi32>
      %lt3A_121 = arith.constant 0 : i32
      %lt3A_122 = vector.broadcast %lt3A_121 : i32 to vector<16xi32>
      %lt3A_123 = arith.cmpi slt, %xor3A_120, %lt3A_122 : vector<16xi32>
      %add3A_124 = arith.constant 16 : i32
      %add3A_125 = vector.broadcast %add3A_124 : i32 to vector<16xi32>
      %add3A_126 = arith.addi %xor3A_120, %add3A_125 : vector<16xi32>
      %select_n3A_127 = arith.select %lt3A_123, %add3A_126, %xor3A_120 : vector<16xi1>, vector<16xi32>
      %broadcast_in_dim3A_128 = vector.shape_cast %select_n3A_127 : vector<16xi32> to vector<16x1xi32>
      %gather3A_129 = vector.shape_cast %broadcast_in_dim3A_128 : vector<16x1xi32> to vector<16xi32>
      %gather3A_130 = tpu.dynamic_gather %scan3A_54#1[%gather3A_129] in [0] : vector<16xf32>, vector<16xi32> -> vector<16xf32>
      %add3A_131 = arith.addf %scan3A_54#1, %gather3A_130 : vector<16xf32>
      %xor3A_132 = arith.constant 4 : i32
      %xor3A_133 = vector.broadcast %xor3A_132 : i32 to vector<16xi32>
      %xor3A_134 = arith.xori %iota3A, %xor3A_133 : vector<16xi32>
      %lt3A_135 = arith.constant 0 : i32
      %lt3A_136 = vector.broadcast %lt3A_135 : i32 to vector<16xi32>
      %lt3A_137 = arith.cmpi slt, %xor3A_134, %lt3A_136 : vector<16xi32>
      %add3A_138 = arith.constant 16 : i32
      %add3A_139 = vector.broadcast %add3A_138 : i32 to vector<16xi32>
      %add3A_140 = arith.addi %xor3A_134, %add3A_139 : vector<16xi32>
      %select_n3A_141 = arith.select %lt3A_137, %add3A_140, %xor3A_134 : vector<16xi1>, vector<16xi32>
      %broadcast_in_dim3A_142 = vector.shape_cast %select_n3A_141 : vector<16xi32> to vector<16x1xi32>
      %gather3A_143 = vector.shape_cast %broadcast_in_dim3A_142 : vector<16x1xi32> to vector<16xi32>
      %gather3A_144 = tpu.dynamic_gather %add3A_131[%gather3A_143] in [0] : vector<16xf32>, vector<16xi32> -> vector<16xf32>
      %add3A_145 = arith.addf %add3A_131, %gather3A_144 : vector<16xf32>
      %xor3A_146 = arith.constant 2 : i32
      %xor3A_147 = vector.broadcast %xor3A_146 : i32 to vector<16xi32>
      %xor3A_148 = arith.xori %iota3A, %xor3A_147 : vector<16xi32>
      %lt3A_149 = arith.constant 0 : i32
      %lt3A_150 = vector.broadcast %lt3A_149 : i32 to vector<16xi32>
      %lt3A_151 = arith.cmpi slt, %xor3A_148, %lt3A_150 : vector<16xi32>
      %add3A_152 = arith.constant 16 : i32
      %add3A_153 = vector.broadcast %add3A_152 : i32 to vector<16xi32>
      %add3A_154 = arith.addi %xor3A_148, %add3A_153 : vector<16xi32>
      %select_n3A_155 = arith.select %lt3A_151, %add3A_154, %xor3A_148 : vector<16xi1>, vector<16xi32>
      %broadcast_in_dim3A_156 = vector.shape_cast %select_n3A_155 : vector<16xi32> to vector<16x1xi32>
      %gather3A_157 = vector.shape_cast %broadcast_in_dim3A_156 : vector<16x1xi32> to vector<16xi32>
      %gather3A_158 = tpu.dynamic_gather %add3A_145[%gather3A_157] in [0] : vector<16xf32>, vector<16xi32> -> vector<16xf32>
      %add3A_159 = arith.addf %add3A_145, %gather3A_158 : vector<16xf32>
      %xor3A_160 = arith.constant 1 : i32
      %xor3A_161 = vector.broadcast %xor3A_160 : i32 to vector<16xi32>
      %xor3A_162 = arith.xori %iota3A, %xor3A_161 : vector<16xi32>
      %lt3A_163 = arith.constant 0 : i32
      %lt3A_164 = vector.broadcast %lt3A_163 : i32 to vector<16xi32>
      %lt3A_165 = arith.cmpi slt, %xor3A_162, %lt3A_164 : vector<16xi32>
      %add3A_166 = arith.constant 16 : i32
      %add3A_167 = vector.broadcast %add3A_166 : i32 to vector<16xi32>
      %add3A_168 = arith.addi %xor3A_162, %add3A_167 : vector<16xi32>
      %select_n3A_169 = arith.select %lt3A_165, %add3A_168, %xor3A_162 : vector<16xi1>, vector<16xi32>
      %broadcast_in_dim3A_170 = vector.shape_cast %select_n3A_169 : vector<16xi32> to vector<16x1xi32>
      %gather3A_171 = vector.shape_cast %broadcast_in_dim3A_170 : vector<16x1xi32> to vector<16xi32>
      %gather3A_172 = tpu.dynamic_gather %add3A_159[%gather3A_171] in [0] : vector<16xf32>, vector<16xi32> -> vector<16xf32>
      %add3A_173 = arith.addf %add3A_159, %gather3A_172 : vector<16xf32>
      %select_n3A_174 = arith.select %eq3A_117, %add3A_173, %select_n3A_114 : vector<16xi1>, vector<16xf32>
      %eq3A_175 = arith.constant 2 : i32
      %eq3A_176 = vector.broadcast %eq3A_175 : i32 to vector<16xi32>
      %eq3A_177 = arith.cmpi eq, %iota3A, %eq3A_176 : vector<16xi32>
      %xor3A_178 = arith.constant 8 : i32
      %xor3A_179 = vector.broadcast %xor3A_178 : i32 to vector<16xi32>
      %xor3A_180 = arith.xori %iota3A, %xor3A_179 : vector<16xi32>
      %lt3A_181 = arith.constant 0 : i32
      %lt3A_182 = vector.broadcast %lt3A_181 : i32 to vector<16xi32>
      %lt3A_183 = arith.cmpi slt, %xor3A_180, %lt3A_182 : vector<16xi32>
      %add3A_184 = arith.constant 16 : i32
      %add3A_185 = vector.broadcast %add3A_184 : i32 to vector<16xi32>
      %add3A_186 = arith.addi %xor3A_180, %add3A_185 : vector<16xi32>
      %select_n3A_187 = arith.select %lt3A_183, %add3A_186, %xor3A_180 : vector<16xi1>, vector<16xi32>
      %broadcast_in_dim3A_188 = vector.shape_cast %select_n3A_187 : vector<16xi32> to vector<16x1xi32>
      %gather3A_189 = vector.shape_cast %broadcast_in_dim3A_188 : vector<16x1xi32> to vector<16xi32>
      %gather3A_190 = tpu.dynamic_gather %scan3A_54#2[%gather3A_189] in [0] : vector<16xf32>, vector<16xi32> -> vector<16xf32>
      %add3A_191 = arith.addf %scan3A_54#2, %gather3A_190 : vector<16xf32>
      %xor3A_192 = arith.constant 4 : i32
      %xor3A_193 = vector.broadcast %xor3A_192 : i32 to vector<16xi32>
      %xor3A_194 = arith.xori %iota3A, %xor3A_193 : vector<16xi32>
      %lt3A_195 = arith.constant 0 : i32
      %lt3A_196 = vector.broadcast %lt3A_195 : i32 to vector<16xi32>
      %lt3A_197 = arith.cmpi slt, %xor3A_194, %lt3A_196 : vector<16xi32>
      %add3A_198 = arith.constant 16 : i32
      %add3A_199 = vector.broadcast %add3A_198 : i32 to vector<16xi32>
      %add3A_200 = arith.addi %xor3A_194, %add3A_199 : vector<16xi32>
      %select_n3A_201 = arith.select %lt3A_197, %add3A_200, %xor3A_194 : vector<16xi1>, vector<16xi32>
      %broadcast_in_dim3A_202 = vector.shape_cast %select_n3A_201 : vector<16xi32> to vector<16x1xi32>
      %gather3A_203 = vector.shape_cast %broadcast_in_dim3A_202 : vector<16x1xi32> to vector<16xi32>
      %gather3A_204 = tpu.dynamic_gather %add3A_191[%gather3A_203] in [0] : vector<16xf32>, vector<16xi32> -> vector<16xf32>
      %add3A_205 = arith.addf %add3A_191, %gather3A_204 : vector<16xf32>
      %xor3A_206 = arith.constant 2 : i32
      %xor3A_207 = vector.broadcast %xor3A_206 : i32 to vector<16xi32>
      %xor3A_208 = arith.xori %iota3A, %xor3A_207 : vector<16xi32>
      %lt3A_209 = arith.constant 0 : i32
      %lt3A_210 = vector.broadcast %lt3A_209 : i32 to vector<16xi32>
      %lt3A_211 = arith.cmpi slt, %xor3A_208, %lt3A_210 : vector<16xi32>
      %add3A_212 = arith.constant 16 : i32
      %add3A_213 = vector.broadcast %add3A_212 : i32 to vector<16xi32>
      %add3A_214 = arith.addi %xor3A_208, %add3A_213 : vector<16xi32>
      %select_n3A_215 = arith.select %lt3A_211, %add3A_214, %xor3A_208 : vector<16xi1>, vector<16xi32>
      %broadcast_in_dim3A_216 = vector.shape_cast %select_n3A_215 : vector<16xi32> to vector<16x1xi32>
      %gather3A_217 = vector.shape_cast %broadcast_in_dim3A_216 : vector<16x1xi32> to vector<16xi32>
      %gather3A_218 = tpu.dynamic_gather %add3A_205[%gather3A_217] in [0] : vector<16xf32>, vector<16xi32> -> vector<16xf32>
      %add3A_219 = arith.addf %add3A_205, %gather3A_218 : vector<16xf32>
      %xor3A_220 = arith.constant 1 : i32
      %xor3A_221 = vector.broadcast %xor3A_220 : i32 to vector<16xi32>
      %xor3A_222 = arith.xori %iota3A, %xor3A_221 : vector<16xi32>
      %lt3A_223 = arith.constant 0 : i32
      %lt3A_224 = vector.broadcast %lt3A_223 : i32 to vector<16xi32>
      %lt3A_225 = arith.cmpi slt, %xor3A_222, %lt3A_224 : vector<16xi32>
      %add3A_226 = arith.constant 16 : i32
      %add3A_227 = vector.broadcast %add3A_226 : i32 to vector<16xi32>
      %add3A_228 = arith.addi %xor3A_222, %add3A_227 : vector<16xi32>
      %select_n3A_229 = arith.select %lt3A_225, %add3A_228, %xor3A_222 : vector<16xi1>, vector<16xi32>
      %broadcast_in_dim3A_230 = vector.shape_cast %select_n3A_229 : vector<16xi32> to vector<16x1xi32>
      %gather3A_231 = vector.shape_cast %broadcast_in_dim3A_230 : vector<16x1xi32> to vector<16xi32>
      %gather3A_232 = tpu.dynamic_gather %add3A_219[%gather3A_231] in [0] : vector<16xf32>, vector<16xi32> -> vector<16xf32>
      %add3A_233 = arith.addf %add3A_219, %gather3A_232 : vector<16xf32>
      %select_n3A_234 = arith.select %eq3A_177, %add3A_233, %select_n3A_174 : vector<16xi1>, vector<16xf32>
      %eq3A_235 = arith.constant 3 : i32
      %eq3A_236 = vector.broadcast %eq3A_235 : i32 to vector<16xi32>
      %eq3A_237 = arith.cmpi eq, %iota3A, %eq3A_236 : vector<16xi32>
      %xor3A_238 = arith.constant 8 : i32
      %xor3A_239 = vector.broadcast %xor3A_238 : i32 to vector<16xi32>
      %xor3A_240 = arith.xori %iota3A, %xor3A_239 : vector<16xi32>
      %lt3A_241 = arith.constant 0 : i32
      %lt3A_242 = vector.broadcast %lt3A_241 : i32 to vector<16xi32>
      %lt3A_243 = arith.cmpi slt, %xor3A_240, %lt3A_242 : vector<16xi32>
      %add3A_244 = arith.constant 16 : i32
      %add3A_245 = vector.broadcast %add3A_244 : i32 to vector<16xi32>
      %add3A_246 = arith.addi %xor3A_240, %add3A_245 : vector<16xi32>
      %select_n3A_247 = arith.select %lt3A_243, %add3A_246, %xor3A_240 : vector<16xi1>, vector<16xi32>
      %broadcast_in_dim3A_248 = vector.shape_cast %select_n3A_247 : vector<16xi32> to vector<16x1xi32>
      %gather3A_249 = vector.shape_cast %broadcast_in_dim3A_248 : vector<16x1xi32> to vector<16xi32>
      %gather3A_250 = tpu.dynamic_gather %scan3A_54#3[%gather3A_249] in [0] : vector<16xf32>, vector<16xi32> -> vector<16xf32>
      %add3A_251 = arith.addf %scan3A_54#3, %gather3A_250 : vector<16xf32>
      %xor3A_252 = arith.constant 4 : i32
      %xor3A_253 = vector.broadcast %xor3A_252 : i32 to vector<16xi32>
      %xor3A_254 = arith.xori %iota3A, %xor3A_253 : vector<16xi32>
      %lt3A_255 = arith.constant 0 : i32
      %lt3A_256 = vector.broadcast %lt3A_255 : i32 to vector<16xi32>
      %lt3A_257 = arith.cmpi slt, %xor3A_254, %lt3A_256 : vector<16xi32>
      %add3A_258 = arith.constant 16 : i32
      %add3A_259 = vector.broadcast %add3A_258 : i32 to vector<16xi32>
      %add3A_260 = arith.addi %xor3A_254, %add3A_259 : vector<16xi32>
      %select_n3A_261 = arith.select %lt3A_257, %add3A_260, %xor3A_254 : vector<16xi1>, vector<16xi32>
      %broadcast_in_dim3A_262 = vector.shape_cast %select_n3A_261 : vector<16xi32> to vector<16x1xi32>
      %gather3A_263 = vector.shape_cast %broadcast_in_dim3A_262 : vector<16x1xi32> to vector<16xi32>
      %gather3A_264 = tpu.dynamic_gather %add3A_251[%gather3A_263] in [0] : vector<16xf32>, vector<16xi32> -> vector<16xf32>
      %add3A_265 = arith.addf %add3A_251, %gather3A_264 : vector<16xf32>
      %xor3A_266 = arith.constant 2 : i32
      %xor3A_267 = vector.broadcast %xor3A_266 : i32 to vector<16xi32>
      %xor3A_268 = arith.xori %iota3A, %xor3A_267 : vector<16xi32>
      %lt3A_269 = arith.constant 0 : i32
      %lt3A_270 = vector.broadcast %lt3A_269 : i32 to vector<16xi32>
      %lt3A_271 = arith.cmpi slt, %xor3A_268, %lt3A_270 : vector<16xi32>
      %add3A_272 = arith.constant 16 : i32
      %add3A_273 = vector.broadcast %add3A_272 : i32 to vector<16xi32>
      %add3A_274 = arith.addi %xor3A_268, %add3A_273 : vector<16xi32>
      %select_n3A_275 = arith.select %lt3A_271, %add3A_274, %xor3A_268 : vector<16xi1>, vector<16xi32>
      %broadcast_in_dim3A_276 = vector.shape_cast %select_n3A_275 : vector<16xi32> to vector<16x1xi32>
      %gather3A_277 = vector.shape_cast %broadcast_in_dim3A_276 : vector<16x1xi32> to vector<16xi32>
      %gather3A_278 = tpu.dynamic_gather %add3A_265[%gather3A_277] in [0] : vector<16xf32>, vector<16xi32> -> vector<16xf32>
      %add3A_279 = arith.addf %add3A_265, %gather3A_278 : vector<16xf32>
      %xor3A_280 = arith.constant 1 : i32
      %xor3A_281 = vector.broadcast %xor3A_280 : i32 to vector<16xi32>
      %xor3A_282 = arith.xori %iota3A, %xor3A_281 : vector<16xi32>
      %lt3A_283 = arith.constant 0 : i32
      %lt3A_284 = vector.broadcast %lt3A_283 : i32 to vector<16xi32>
      %lt3A_285 = arith.cmpi slt, %xor3A_282, %lt3A_284 : vector<16xi32>
      %add3A_286 = arith.constant 16 : i32
      %add3A_287 = vector.broadcast %add3A_286 : i32 to vector<16xi32>
      %add3A_288 = arith.addi %xor3A_282, %add3A_287 : vector<16xi32>
      %select_n3A_289 = arith.select %lt3A_285, %add3A_288, %xor3A_282 : vector<16xi1>, vector<16xi32>
      %broadcast_in_dim3A_290 = vector.shape_cast %select_n3A_289 : vector<16xi32> to vector<16x1xi32>
      %gather3A_291 = vector.shape_cast %broadcast_in_dim3A_290 : vector<16x1xi32> to vector<16xi32>
      %gather3A_292 = tpu.dynamic_gather %add3A_279[%gather3A_291] in [0] : vector<16xf32>, vector<16xi32> -> vector<16xf32>
      %add3A_293 = arith.addf %add3A_279, %gather3A_292 : vector<16xf32>
      %select_n3A_294 = arith.select %eq3A_237, %add3A_293, %select_n3A_234 : vector<16xi1>, vector<16xf32>
      %eq3A_295 = arith.constant 4 : i32
      %eq3A_296 = vector.broadcast %eq3A_295 : i32 to vector<16xi32>
      %eq3A_297 = arith.cmpi eq, %iota3A, %eq3A_296 : vector<16xi32>
      %xor3A_298 = arith.constant 8 : i32
      %xor3A_299 = vector.broadcast %xor3A_298 : i32 to vector<16xi32>
      %xor3A_300 = arith.xori %iota3A, %xor3A_299 : vector<16xi32>
      %lt3A_301 = arith.constant 0 : i32
      %lt3A_302 = vector.broadcast %lt3A_301 : i32 to vector<16xi32>
      %lt3A_303 = arith.cmpi slt, %xor3A_300, %lt3A_302 : vector<16xi32>
      %add3A_304 = arith.constant 16 : i32
      %add3A_305 = vector.broadcast %add3A_304 : i32 to vector<16xi32>
      %add3A_306 = arith.addi %xor3A_300, %add3A_305 : vector<16xi32>
      %select_n3A_307 = arith.select %lt3A_303, %add3A_306, %xor3A_300 : vector<16xi1>, vector<16xi32>
      %broadcast_in_dim3A_308 = vector.shape_cast %select_n3A_307 : vector<16xi32> to vector<16x1xi32>
      %gather3A_309 = vector.shape_cast %broadcast_in_dim3A_308 : vector<16x1xi32> to vector<16xi32>
      %gather3A_310 = tpu.dynamic_gather %scan3A_54#4[%gather3A_309] in [0] : vector<16xf32>, vector<16xi32> -> vector<16xf32>
      %add3A_311 = arith.addf %scan3A_54#4, %gather3A_310 : vector<16xf32>
      %xor3A_312 = arith.constant 4 : i32
      %xor3A_313 = vector.broadcast %xor3A_312 : i32 to vector<16xi32>
      %xor3A_314 = arith.xori %iota3A, %xor3A_313 : vector<16xi32>
      %lt3A_315 = arith.constant 0 : i32
      %lt3A_316 = vector.broadcast %lt3A_315 : i32 to vector<16xi32>
      %lt3A_317 = arith.cmpi slt, %xor3A_314, %lt3A_316 : vector<16xi32>
      %add3A_318 = arith.constant 16 : i32
      %add3A_319 = vector.broadcast %add3A_318 : i32 to vector<16xi32>
      %add3A_320 = arith.addi %xor3A_314, %add3A_319 : vector<16xi32>
      %select_n3A_321 = arith.select %lt3A_317, %add3A_320, %xor3A_314 : vector<16xi1>, vector<16xi32>
      %broadcast_in_dim3A_322 = vector.shape_cast %select_n3A_321 : vector<16xi32> to vector<16x1xi32>
      %gather3A_323 = vector.shape_cast %broadcast_in_dim3A_322 : vector<16x1xi32> to vector<16xi32>
      %gather3A_324 = tpu.dynamic_gather %add3A_311[%gather3A_323] in [0] : vector<16xf32>, vector<16xi32> -> vector<16xf32>
      %add3A_325 = arith.addf %add3A_311, %gather3A_324 : vector<16xf32>
      %xor3A_326 = arith.constant 2 : i32
      %xor3A_327 = vector.broadcast %xor3A_326 : i32 to vector<16xi32>
      %xor3A_328 = arith.xori %iota3A, %xor3A_327 : vector<16xi32>
      %lt3A_329 = arith.constant 0 : i32
      %lt3A_330 = vector.broadcast %lt3A_329 : i32 to vector<16xi32>
      %lt3A_331 = arith.cmpi slt, %xor3A_328, %lt3A_330 : vector<16xi32>
      %add3A_332 = arith.constant 16 : i32
      %add3A_333 = vector.broadcast %add3A_332 : i32 to vector<16xi32>
      %add3A_334 = arith.addi %xor3A_328, %add3A_333 : vector<16xi32>
      %select_n3A_335 = arith.select %lt3A_331, %add3A_334, %xor3A_328 : vector<16xi1>, vector<16xi32>
      %broadcast_in_dim3A_336 = vector.shape_cast %select_n3A_335 : vector<16xi32> to vector<16x1xi32>
      %gather3A_337 = vector.shape_cast %broadcast_in_dim3A_336 : vector<16x1xi32> to vector<16xi32>
      %gather3A_338 = tpu.dynamic_gather %add3A_325[%gather3A_337] in [0] : vector<16xf32>, vector<16xi32> -> vector<16xf32>
      %add3A_339 = arith.addf %add3A_325, %gather3A_338 : vector<16xf32>
      %xor3A_340 = arith.constant 1 : i32
      %xor3A_341 = vector.broadcast %xor3A_340 : i32 to vector<16xi32>
      %xor3A_342 = arith.xori %iota3A, %xor3A_341 : vector<16xi32>
      %lt3A_343 = arith.constant 0 : i32
      %lt3A_344 = vector.broadcast %lt3A_343 : i32 to vector<16xi32>
      %lt3A_345 = arith.cmpi slt, %xor3A_342, %lt3A_344 : vector<16xi32>
      %add3A_346 = arith.constant 16 : i32
      %add3A_347 = vector.broadcast %add3A_346 : i32 to vector<16xi32>
      %add3A_348 = arith.addi %xor3A_342, %add3A_347 : vector<16xi32>
      %select_n3A_349 = arith.select %lt3A_345, %add3A_348, %xor3A_342 : vector<16xi1>, vector<16xi32>
      %broadcast_in_dim3A_350 = vector.shape_cast %select_n3A_349 : vector<16xi32> to vector<16x1xi32>
      %gather3A_351 = vector.shape_cast %broadcast_in_dim3A_350 : vector<16x1xi32> to vector<16xi32>
      %gather3A_352 = tpu.dynamic_gather %add3A_339[%gather3A_351] in [0] : vector<16xf32>, vector<16xi32> -> vector<16xf32>
      %add3A_353 = arith.addf %add3A_339, %gather3A_352 : vector<16xf32>
      %select_n3A_354 = arith.select %eq3A_297, %add3A_353, %select_n3A_294 : vector<16xi1>, vector<16xf32>
      %eq3A_355 = arith.constant 5 : i32
      %eq3A_356 = vector.broadcast %eq3A_355 : i32 to vector<16xi32>
      %eq3A_357 = arith.cmpi eq, %iota3A, %eq3A_356 : vector<16xi32>
      %xor3A_358 = arith.constant 8 : i32
      %xor3A_359 = vector.broadcast %xor3A_358 : i32 to vector<16xi32>
      %xor3A_360 = arith.xori %iota3A, %xor3A_359 : vector<16xi32>
      %lt3A_361 = arith.constant 0 : i32
      %lt3A_362 = vector.broadcast %lt3A_361 : i32 to vector<16xi32>
      %lt3A_363 = arith.cmpi slt, %xor3A_360, %lt3A_362 : vector<16xi32>
      %add3A_364 = arith.constant 16 : i32
      %add3A_365 = vector.broadcast %add3A_364 : i32 to vector<16xi32>
      %add3A_366 = arith.addi %xor3A_360, %add3A_365 : vector<16xi32>
      %select_n3A_367 = arith.select %lt3A_363, %add3A_366, %xor3A_360 : vector<16xi1>, vector<16xi32>
      %broadcast_in_dim3A_368 = vector.shape_cast %select_n3A_367 : vector<16xi32> to vector<16x1xi32>
      %gather3A_369 = vector.shape_cast %broadcast_in_dim3A_368 : vector<16x1xi32> to vector<16xi32>
      %gather3A_370 = tpu.dynamic_gather %scan3A_54#5[%gather3A_369] in [0] : vector<16xf32>, vector<16xi32> -> vector<16xf32>
      %add3A_371 = arith.addf %scan3A_54#5, %gather3A_370 : vector<16xf32>
      %xor3A_372 = arith.constant 4 : i32
      %xor3A_373 = vector.broadcast %xor3A_372 : i32 to vector<16xi32>
      %xor3A_374 = arith.xori %iota3A, %xor3A_373 : vector<16xi32>
      %lt3A_375 = arith.constant 0 : i32
      %lt3A_376 = vector.broadcast %lt3A_375 : i32 to vector<16xi32>
      %lt3A_377 = arith.cmpi slt, %xor3A_374, %lt3A_376 : vector<16xi32>
      %add3A_378 = arith.constant 16 : i32
      %add3A_379 = vector.broadcast %add3A_378 : i32 to vector<16xi32>
      %add3A_380 = arith.addi %xor3A_374, %add3A_379 : vector<16xi32>
      %select_n3A_381 = arith.select %lt3A_377, %add3A_380, %xor3A_374 : vector<16xi1>, vector<16xi32>
      %broadcast_in_dim3A_382 = vector.shape_cast %select_n3A_381 : vector<16xi32> to vector<16x1xi32>
      %gather3A_383 = vector.shape_cast %broadcast_in_dim3A_382 : vector<16x1xi32> to vector<16xi32>
      %gather3A_384 = tpu.dynamic_gather %add3A_371[%gather3A_383] in [0] : vector<16xf32>, vector<16xi32> -> vector<16xf32>
      %add3A_385 = arith.addf %add3A_371, %gather3A_384 : vector<16xf32>
      %xor3A_386 = arith.constant 2 : i32
      %xor3A_387 = vector.broadcast %xor3A_386 : i32 to vector<16xi32>
      %xor3A_388 = arith.xori %iota3A, %xor3A_387 : vector<16xi32>
      %lt3A_389 = arith.constant 0 : i32
      %lt3A_390 = vector.broadcast %lt3A_389 : i32 to vector<16xi32>
      %lt3A_391 = arith.cmpi slt, %xor3A_388, %lt3A_390 : vector<16xi32>
      %add3A_392 = arith.constant 16 : i32
      %add3A_393 = vector.broadcast %add3A_392 : i32 to vector<16xi32>
      %add3A_394 = arith.addi %xor3A_388, %add3A_393 : vector<16xi32>
      %select_n3A_395 = arith.select %lt3A_391, %add3A_394, %xor3A_388 : vector<16xi1>, vector<16xi32>
      %broadcast_in_dim3A_396 = vector.shape_cast %select_n3A_395 : vector<16xi32> to vector<16x1xi32>
      %gather3A_397 = vector.shape_cast %broadcast_in_dim3A_396 : vector<16x1xi32> to vector<16xi32>
      %gather3A_398 = tpu.dynamic_gather %add3A_385[%gather3A_397] in [0] : vector<16xf32>, vector<16xi32> -> vector<16xf32>
      %add3A_399 = arith.addf %add3A_385, %gather3A_398 : vector<16xf32>
      %xor3A_400 = arith.constant 1 : i32
      %xor3A_401 = vector.broadcast %xor3A_400 : i32 to vector<16xi32>
      %xor3A_402 = arith.xori %iota3A, %xor3A_401 : vector<16xi32>
      %lt3A_403 = arith.constant 0 : i32
      %lt3A_404 = vector.broadcast %lt3A_403 : i32 to vector<16xi32>
      %lt3A_405 = arith.cmpi slt, %xor3A_402, %lt3A_404 : vector<16xi32>
      %add3A_406 = arith.constant 16 : i32
      %add3A_407 = vector.broadcast %add3A_406 : i32 to vector<16xi32>
      %add3A_408 = arith.addi %xor3A_402, %add3A_407 : vector<16xi32>
      %select_n3A_409 = arith.select %lt3A_405, %add3A_408, %xor3A_402 : vector<16xi1>, vector<16xi32>
      %broadcast_in_dim3A_410 = vector.shape_cast %select_n3A_409 : vector<16xi32> to vector<16x1xi32>
      %gather3A_411 = vector.shape_cast %broadcast_in_dim3A_410 : vector<16x1xi32> to vector<16xi32>
      %gather3A_412 = tpu.dynamic_gather %add3A_399[%gather3A_411] in [0] : vector<16xf32>, vector<16xi32> -> vector<16xf32>
      %add3A_413 = arith.addf %add3A_399, %gather3A_412 : vector<16xf32>
      %select_n3A_414 = arith.select %eq3A_357, %add3A_413, %select_n3A_354 : vector<16xi1>, vector<16xf32>
      %swap3A = arith.index_cast %add3A_59 : i32 to index
      %swap3A_415 = arith.constant 0 : index
      %swap3A_416 = tpu.vector_load %arg15[%swap3A, %swap3A_415] {strides = array<i32>} : memref<128x16xf32, #tpu.memory_space<vmem>>, vector<1x16xf32>,
      %swap3A_417 = vector.shape_cast %swap3A_416 : vector<1x16xf32> to vector<16xf32>
      %swap3A_418 = vector.shape_cast %select_n3A_414 : vector<16xf32> to vector<1x16xf32>
      tpu.vector_store %arg15[%swap3A, %swap3A_415], %swap3A_418 {strides = array<i32>} : memref<128x16xf32, #tpu.memory_space<vmem>>, vector<1x16xf32>,
      %scan3A_419 = arith.constant 0 : i32
      %scan3A_420 = arith.constant 64 : i32
      %scan3A_421 = arith.addi %scan3A_419, %scan3A_420 : i32
      %scan3A_422 = arith.constant 1 : i32
      %scan3A_423:6 = scf.for %scan3A_1573 = %scan3A_419 to %scan3A_421 step %scan3A_422 iter_args(%scan3A_1574 = %broadcast_in_dim3A_28, %scan3A_1575 = %broadcast_in_dim3A_28, %scan3A_1576 = %broadcast_in_dim3A_28, %scan3A_1577 = %broadcast_in_dim3A_28, %scan3A_1578 = %broadcast_in_dim3A_28, %scan3A_1579 = %broadcast_in_dim3A_28) -> (vector<16xf32>, vector<16xf32>, vector<16xf32>, vector<16xf32>, vector<16xf32>, vector<16xf32>)  : i32 {
        %mul3A_1580 = arith.constant 4 : i32
        %mul3A_1581 = arith.muli %scan3A_1573, %mul3A_1580 : i32
        %add3A_1582 = arith.constant 0 : i32
        %add3A_1583 = arith.addi %mul3A_1581, %add3A_1582 : i32
        %mul3A_1584 = arith.constant 16 : i32
        %mul3A_1585 = arith.muli %add3A_1583, %mul3A_1584 : i32
        %get3A = arith.index_cast %mul3A_1585 : i32 to index
        %get3A_1586 = tpu.vector_load %arg12[%get3A] {strides = array<i32>} : memref<4096xf32, #tpu.memory_space<vmem>>, vector<16xf32>,
        %get3A_1587 = vector.shape_cast %get3A_1586 : vector<16xf32> to vector<16xf32>
        %get3A_1588 = arith.index_cast %mul3A_1585 : i32 to index
        %get3A_1589 = tpu.vector_load %arg13[%get3A_1588] {strides = array<i32>} : memref<4096xf32, #tpu.memory_space<vmem>>, vector<16xf32>,
        %get3A_1590 = vector.shape_cast %get3A_1589 : vector<16xf32> to vector<16xf32>
        %get3A_1591 = arith.constant 2 : i32
        %get3A_1592 = arith.index_cast %get3A_1591 : i32 to index
        %get3A_1593 = arith.index_cast %mul3A_1585 : i32 to index
        %get3A_1594 = tpu.vector_load %arg8[%get3A_1592, %get3A_1593] {strides = array<i32>} : memref<4x4096xf32, #tpu.memory_space<vmem>>, vector<1x16xf32>,
        %get3A_1595 = vector.shape_cast %get3A_1594 : vector<1x16xf32> to vector<16xf32>
        %mul3A_1596 = arith.mulf %get3A_1595, %get3A_1587 : vector<16xf32>
        %get3A_1597 = arith.constant 2 : i32
        %get3A_1598 = arith.index_cast %get3A_1597 : i32 to index
        %get3A_1599 = arith.index_cast %mul3A_1585 : i32 to index
        %get3A_1600 = tpu.vector_load %arg10[%get3A_1598, %get3A_1599] {strides = array<i32>} : memref<4x4096xf32, #tpu.memory_space<vmem>>, vector<1x16xf32>,
        %get3A_1601 = vector.shape_cast %get3A_1600 : vector<1x16xf32> to vector<16xf32>
        %mul3A_1602 = arith.mulf %get3A_1601, %get3A_1590 : vector<16xf32>
        %get3A_1603 = arith.constant 3 : i32
        %get3A_1604 = arith.index_cast %get3A_1603 : i32 to index
        %get3A_1605 = arith.index_cast %mul3A_1585 : i32 to index
        %get3A_1606 = tpu.vector_load %arg8[%get3A_1604, %get3A_1605] {strides = array<i32>} : memref<4x4096xf32, #tpu.memory_space<vmem>>, vector<1x16xf32>,
        %get3A_1607 = vector.shape_cast %get3A_1606 : vector<1x16xf32> to vector<16xf32>
        %mul3A_1608 = arith.mulf %get3A_1607, %get3A_1587 : vector<16xf32>
        %get3A_1609 = arith.constant 3 : i32
        %get3A_1610 = arith.index_cast %get3A_1609 : i32 to index
        %get3A_1611 = arith.index_cast %mul3A_1585 : i32 to index
        %get3A_1612 = tpu.vector_load %arg10[%get3A_1610, %get3A_1611] {strides = array<i32>} : memref<4x4096xf32, #tpu.memory_space<vmem>>, vector<1x16xf32>,
        %get3A_1613 = vector.shape_cast %get3A_1612 : vector<1x16xf32> to vector<16xf32>
        %mul3A_1614 = arith.mulf %get3A_1613, %get3A_1590 : vector<16xf32>
        %mul3A_1615 = arith.mulf %mul3A_1596, %mul3A_1614 : vector<16xf32>
        %add3A_1616 = arith.addf %scan3A_1574, %mul3A_1615 : vector<16xf32>
        %mul3A_1617 = arith.mulf %mul3A_1602, %mul3A_1608 : vector<16xf32>
        %add3A_1618 = arith.addf %scan3A_1575, %mul3A_1617 : vector<16xf32>
        %mul3A_1619 = arith.mulf %mul3A_1596, %mul3A_1596 : vector<16xf32>
        %add3A_1620 = arith.addf %scan3A_1576, %mul3A_1619 : vector<16xf32>
        %mul3A_1621 = arith.mulf %mul3A_1602, %mul3A_1602 : vector<16xf32>
        %add3A_1622 = arith.addf %scan3A_1577, %mul3A_1621 : vector<16xf32>
        %mul3A_1623 = arith.mulf %mul3A_1608, %mul3A_1608 : vector<16xf32>
        %add3A_1624 = arith.addf %scan3A_1578, %mul3A_1623 : vector<16xf32>
        %mul3A_1625 = arith.mulf %mul3A_1614, %mul3A_1614 : vector<16xf32>
        %add3A_1626 = arith.addf %scan3A_1579, %mul3A_1625 : vector<16xf32>
        %mul3A_1627 = arith.constant 4 : i32
        %mul3A_1628 = arith.muli %scan3A_1573, %mul3A_1627 : i32
        %add3A_1629 = arith.constant 1 : i32
        %add3A_1630 = arith.addi %mul3A_1628, %add3A_1629 : i32
        %mul3A_1631 = arith.constant 16 : i32
        %mul3A_1632 = arith.muli %add3A_1630, %mul3A_1631 : i32
        %get3A_1633 = arith.index_cast %mul3A_1632 : i32 to index
        %get3A_1634 = tpu.vector_load %arg12[%get3A_1633] {strides = array<i32>} : memref<4096xf32, #tpu.memory_space<vmem>>, vector<16xf32>,
        %get3A_1635 = vector.shape_cast %get3A_1634 : vector<16xf32> to vector<16xf32>
        %get3A_1636 = arith.index_cast %mul3A_1632 : i32 to index
        %get3A_1637 = tpu.vector_load %arg13[%get3A_1636] {strides = array<i32>} : memref<4096xf32, #tpu.memory_space<vmem>>, vector<16xf32>,
        %get3A_1638 = vector.shape_cast %get3A_1637 : vector<16xf32> to vector<16xf32>
        %get3A_1639 = arith.constant 2 : i32
        %get3A_1640 = arith.index_cast %get3A_1639 : i32 to index
        %get3A_1641 = arith.index_cast %mul3A_1632 : i32 to index
        %get3A_1642 = tpu.vector_load %arg8[%get3A_1640, %get3A_1641] {strides = array<i32>} : memref<4x4096xf32, #tpu.memory_space<vmem>>, vector<1x16xf32>,
        %get3A_1643 = vector.shape_cast %get3A_1642 : vector<1x16xf32> to vector<16xf32>
        %mul3A_1644 = arith.mulf %get3A_1643, %get3A_1635 : vector<16xf32>
        %get3A_1645 = arith.constant 2 : i32
        %get3A_1646 = arith.index_cast %get3A_1645 : i32 to index
        %get3A_1647 = arith.index_cast %mul3A_1632 : i32 to index
        %get3A_1648 = tpu.vector_load %arg10[%get3A_1646, %get3A_1647] {strides = array<i32>} : memref<4x4096xf32, #tpu.memory_space<vmem>>, vector<1x16xf32>,
        %get3A_1649 = vector.shape_cast %get3A_1648 : vector<1x16xf32> to vector<16xf32>
        %mul3A_1650 = arith.mulf %get3A_1649, %get3A_1638 : vector<16xf32>
        %get3A_1651 = arith.constant 3 : i32
        %get3A_1652 = arith.index_cast %get3A_1651 : i32 to index
        %get3A_1653 = arith.index_cast %mul3A_1632 : i32 to index
        %get3A_1654 = tpu.vector_load %arg8[%get3A_1652, %get3A_1653] {strides = array<i32>} : memref<4x4096xf32, #tpu.memory_space<vmem>>, vector<1x16xf32>,
        %get3A_1655 = vector.shape_cast %get3A_1654 : vector<1x16xf32> to vector<16xf32>
        %mul3A_1656 = arith.mulf %get3A_1655, %get3A_1635 : vector<16xf32>
        %get3A_1657 = arith.constant 3 : i32
        %get3A_1658 = arith.index_cast %get3A_1657 : i32 to index
        %get3A_1659 = arith.index_cast %mul3A_1632 : i32 to index
        %get3A_1660 = tpu.vector_load %arg10[%get3A_1658, %get3A_1659] {strides = array<i32>} : memref<4x4096xf32, #tpu.memory_space<vmem>>, vector<1x16xf32>,
        %get3A_1661 = vector.shape_cast %get3A_1660 : vector<1x16xf32> to vector<16xf32>
        %mul3A_1662 = arith.mulf %get3A_1661, %get3A_1638 : vector<16xf32>
        %mul3A_1663 = arith.mulf %mul3A_1644, %mul3A_1662 : vector<16xf32>
        %add3A_1664 = arith.addf %add3A_1616, %mul3A_1663 : vector<16xf32>
        %mul3A_1665 = arith.mulf %mul3A_1650, %mul3A_1656 : vector<16xf32>
        %add3A_1666 = arith.addf %add3A_1618, %mul3A_1665 : vector<16xf32>
        %mul3A_1667 = arith.mulf %mul3A_1644, %mul3A_1644 : vector<16xf32>
        %add3A_1668 = arith.addf %add3A_1620, %mul3A_1667 : vector<16xf32>
        %mul3A_1669 = arith.mulf %mul3A_1650, %mul3A_1650 : vector<16xf32>
        %add3A_1670 = arith.addf %add3A_1622, %mul3A_1669 : vector<16xf32>
        %mul3A_1671 = arith.mulf %mul3A_1656, %mul3A_1656 : vector<16xf32>
        %add3A_1672 = arith.addf %add3A_1624, %mul3A_1671 : vector<16xf32>
        %mul3A_1673 = arith.mulf %mul3A_1662, %mul3A_1662 : vector<16xf32>
        %add3A_1674 = arith.addf %add3A_1626, %mul3A_1673 : vector<16xf32>
        %mul3A_1675 = arith.constant 4 : i32
        %mul3A_1676 = arith.muli %scan3A_1573, %mul3A_1675 : i32
        %add3A_1677 = arith.constant 2 : i32
        %add3A_1678 = arith.addi %mul3A_1676, %add3A_1677 : i32
        %mul3A_1679 = arith.constant 16 : i32
        %mul3A_1680 = arith.muli %add3A_1678, %mul3A_1679 : i32
        %get3A_1681 = arith.index_cast %mul3A_1680 : i32 to index
        %get3A_1682 = tpu.vector_load %arg12[%get3A_1681] {strides = array<i32>} : memref<4096xf32, #tpu.memory_space<vmem>>, vector<16xf32>,
        %get3A_1683 = vector.shape_cast %get3A_1682 : vector<16xf32> to vector<16xf32>
        %get3A_1684 = arith.index_cast %mul3A_1680 : i32 to index
        %get3A_1685 = tpu.vector_load %arg13[%get3A_1684] {strides = array<i32>} : memref<4096xf32, #tpu.memory_space<vmem>>, vector<16xf32>,
        %get3A_1686 = vector.shape_cast %get3A_1685 : vector<16xf32> to vector<16xf32>
        %get3A_1687 = arith.constant 2 : i32
        %get3A_1688 = arith.index_cast %get3A_1687 : i32 to index
        %get3A_1689 = arith.index_cast %mul3A_1680 : i32 to index
        %get3A_1690 = tpu.vector_load %arg8[%get3A_1688, %get3A_1689] {strides = array<i32>} : memref<4x4096xf32, #tpu.memory_space<vmem>>, vector<1x16xf32>,
        %get3A_1691 = vector.shape_cast %get3A_1690 : vector<1x16xf32> to vector<16xf32>
        %mul3A_1692 = arith.mulf %get3A_1691, %get3A_1683 : vector<16xf32>
        %get3A_1693 = arith.constant 2 : i32
        %get3A_1694 = arith.index_cast %get3A_1693 : i32 to index
        %get3A_1695 = arith.index_cast %mul3A_1680 : i32 to index
        %get3A_1696 = tpu.vector_load %arg10[%get3A_1694, %get3A_1695] {strides = array<i32>} : memref<4x4096xf32, #tpu.memory_space<vmem>>, vector<1x16xf32>,
        %get3A_1697 = vector.shape_cast %get3A_1696 : vector<1x16xf32> to vector<16xf32>
        %mul3A_1698 = arith.mulf %get3A_1697, %get3A_1686 : vector<16xf32>
        %get3A_1699 = arith.constant 3 : i32
        %get3A_1700 = arith.index_cast %get3A_1699 : i32 to index
        %get3A_1701 = arith.index_cast %mul3A_1680 : i32 to index
        %get3A_1702 = tpu.vector_load %arg8[%get3A_1700, %get3A_1701] {strides = array<i32>} : memref<4x4096xf32, #tpu.memory_space<vmem>>, vector<1x16xf32>,
        %get3A_1703 = vector.shape_cast %get3A_1702 : vector<1x16xf32> to vector<16xf32>
        %mul3A_1704 = arith.mulf %get3A_1703, %get3A_1683 : vector<16xf32>
        %get3A_1705 = arith.constant 3 : i32
        %get3A_1706 = arith.index_cast %get3A_1705 : i32 to index
        %get3A_1707 = arith.index_cast %mul3A_1680 : i32 to index
        %get3A_1708 = tpu.vector_load %arg10[%get3A_1706, %get3A_1707] {strides = array<i32>} : memref<4x4096xf32, #tpu.memory_space<vmem>>, vector<1x16xf32>,
        %get3A_1709 = vector.shape_cast %get3A_1708 : vector<1x16xf32> to vector<16xf32>
        %mul3A_1710 = arith.mulf %get3A_1709, %get3A_1686 : vector<16xf32>
        %mul3A_1711 = arith.mulf %mul3A_1692, %mul3A_1710 : vector<16xf32>
        %add3A_1712 = arith.addf %add3A_1664, %mul3A_1711 : vector<16xf32>
        %mul3A_1713 = arith.mulf %mul3A_1698, %mul3A_1704 : vector<16xf32>
        %add3A_1714 = arith.addf %add3A_1666, %mul3A_1713 : vector<16xf32>
        %mul3A_1715 = arith.mulf %mul3A_1692, %mul3A_1692 : vector<16xf32>
        %add3A_1716 = arith.addf %add3A_1668, %mul3A_1715 : vector<16xf32>
        %mul3A_1717 = arith.mulf %mul3A_1698, %mul3A_1698 : vector<16xf32>
        %add3A_1718 = arith.addf %add3A_1670, %mul3A_1717 : vector<16xf32>
        %mul3A_1719 = arith.mulf %mul3A_1704, %mul3A_1704 : vector<16xf32>
        %add3A_1720 = arith.addf %add3A_1672, %mul3A_1719 : vector<16xf32>
        %mul3A_1721 = arith.mulf %mul3A_1710, %mul3A_1710 : vector<16xf32>
        %add3A_1722 = arith.addf %add3A_1674, %mul3A_1721 : vector<16xf32>
        %mul3A_1723 = arith.constant 4 : i32
        %mul3A_1724 = arith.muli %scan3A_1573, %mul3A_1723 : i32
        %add3A_1725 = arith.constant 3 : i32
        %add3A_1726 = arith.addi %mul3A_1724, %add3A_1725 : i32
        %mul3A_1727 = arith.constant 16 : i32
        %mul3A_1728 = arith.muli %add3A_1726, %mul3A_1727 : i32
        %get3A_1729 = arith.index_cast %mul3A_1728 : i32 to index
        %get3A_1730 = tpu.vector_load %arg12[%get3A_1729] {strides = array<i32>} : memref<4096xf32, #tpu.memory_space<vmem>>, vector<16xf32>,
        %get3A_1731 = vector.shape_cast %get3A_1730 : vector<16xf32> to vector<16xf32>
        %get3A_1732 = arith.index_cast %mul3A_1728 : i32 to index
        %get3A_1733 = tpu.vector_load %arg13[%get3A_1732] {strides = array<i32>} : memref<4096xf32, #tpu.memory_space<vmem>>, vector<16xf32>,
        %get3A_1734 = vector.shape_cast %get3A_1733 : vector<16xf32> to vector<16xf32>
        %get3A_1735 = arith.constant 2 : i32
        %get3A_1736 = arith.index_cast %get3A_1735 : i32 to index
        %get3A_1737 = arith.index_cast %mul3A_1728 : i32 to index
        %get3A_1738 = tpu.vector_load %arg8[%get3A_1736, %get3A_1737] {strides = array<i32>} : memref<4x4096xf32, #tpu.memory_space<vmem>>, vector<1x16xf32>,
        %get3A_1739 = vector.shape_cast %get3A_1738 : vector<1x16xf32> to vector<16xf32>
        %mul3A_1740 = arith.mulf %get3A_1739, %get3A_1731 : vector<16xf32>
        %get3A_1741 = arith.constant 2 : i32
        %get3A_1742 = arith.index_cast %get3A_1741 : i32 to index
        %get3A_1743 = arith.index_cast %mul3A_1728 : i32 to index
        %get3A_1744 = tpu.vector_load %arg10[%get3A_1742, %get3A_1743] {strides = array<i32>} : memref<4x4096xf32, #tpu.memory_space<vmem>>, vector<1x16xf32>,
        %get3A_1745 = vector.shape_cast %get3A_1744 : vector<1x16xf32> to vector<16xf32>
        %mul3A_1746 = arith.mulf %get3A_1745, %get3A_1734 : vector<16xf32>
        %get3A_1747 = arith.constant 3 : i32
        %get3A_1748 = arith.index_cast %get3A_1747 : i32 to index
        %get3A_1749 = arith.index_cast %mul3A_1728 : i32 to index
        %get3A_1750 = tpu.vector_load %arg8[%get3A_1748, %get3A_1749] {strides = array<i32>} : memref<4x4096xf32, #tpu.memory_space<vmem>>, vector<1x16xf32>,
        %get3A_1751 = vector.shape_cast %get3A_1750 : vector<1x16xf32> to vector<16xf32>
        %mul3A_1752 = arith.mulf %get3A_1751, %get3A_1731 : vector<16xf32>
        %get3A_1753 = arith.constant 3 : i32
        %get3A_1754 = arith.index_cast %get3A_1753 : i32 to index
        %get3A_1755 = arith.index_cast %mul3A_1728 : i32 to index
        %get3A_1756 = tpu.vector_load %arg10[%get3A_1754, %get3A_1755] {strides = array<i32>} : memref<4x4096xf32, #tpu.memory_space<vmem>>, vector<1x16xf32>,
        %get3A_1757 = vector.shape_cast %get3A_1756 : vector<1x16xf32> to vector<16xf32>
        %mul3A_1758 = arith.mulf %get3A_1757, %get3A_1734 : vector<16xf32>
        %mul3A_1759 = arith.mulf %mul3A_1740, %mul3A_1758 : vector<16xf32>
        %add3A_1760 = arith.addf %add3A_1712, %mul3A_1759 : vector<16xf32>
        %mul3A_1761 = arith.mulf %mul3A_1746, %mul3A_1752 : vector<16xf32>
        %add3A_1762 = arith.addf %add3A_1714, %mul3A_1761 : vector<16xf32>
        %mul3A_1763 = arith.mulf %mul3A_1740, %mul3A_1740 : vector<16xf32>
        %add3A_1764 = arith.addf %add3A_1716, %mul3A_1763 : vector<16xf32>
        %mul3A_1765 = arith.mulf %mul3A_1746, %mul3A_1746 : vector<16xf32>
        %add3A_1766 = arith.addf %add3A_1718, %mul3A_1765 : vector<16xf32>
        %mul3A_1767 = arith.mulf %mul3A_1752, %mul3A_1752 : vector<16xf32>
        %add3A_1768 = arith.addf %add3A_1720, %mul3A_1767 : vector<16xf32>
        %mul3A_1769 = arith.mulf %mul3A_1758, %mul3A_1758 : vector<16xf32>
        %add3A_1770 = arith.addf %add3A_1722, %mul3A_1769 : vector<16xf32>
        scf.yield %add3A_1760, %add3A_1762, %add3A_1764, %add3A_1766, %add3A_1768, %add3A_1770 : vector<16xf32>, vector<16xf32>, vector<16xf32>, vector<16xf32>, vector<16xf32>, vector<16xf32>
      }
      %scan3A_424 = arith.constant 64 : i32
      %mul3A_425 = arith.constant 2 : i32
      %mul3A_426 = arith.muli %mul3A_38, %mul3A_425 : i32
      %add3A_427 = arith.constant 1 : i32
      %add3A_428 = arith.addi %mul3A_426, %add3A_427 : i32
      %eq3A_429 = arith.constant 0 : i32
      %eq3A_430 = vector.broadcast %eq3A_429 : i32 to vector<16xi32>
      %eq3A_431 = arith.cmpi eq, %iota3A, %eq3A_430 : vector<16xi32>
      %xor3A_432 = arith.constant 8 : i32
      %xor3A_433 = vector.broadcast %xor3A_432 : i32 to vector<16xi32>
      %xor3A_434 = arith.xori %iota3A, %xor3A_433 : vector<16xi32>
      %lt3A_435 = arith.constant 0 : i32
      %lt3A_436 = vector.broadcast %lt3A_435 : i32 to vector<16xi32>
      %lt3A_437 = arith.cmpi slt, %xor3A_434, %lt3A_436 : vector<16xi32>
      %add3A_438 = arith.constant 16 : i32
      %add3A_439 = vector.broadcast %add3A_438 : i32 to vector<16xi32>
      %add3A_440 = arith.addi %xor3A_434, %add3A_439 : vector<16xi32>
      %select_n3A_441 = arith.select %lt3A_437, %add3A_440, %xor3A_434 : vector<16xi1>, vector<16xi32>
      %broadcast_in_dim3A_442 = vector.shape_cast %select_n3A_441 : vector<16xi32> to vector<16x1xi32>
      %gather3A_443 = vector.shape_cast %broadcast_in_dim3A_442 : vector<16x1xi32> to vector<16xi32>
      %gather3A_444 = tpu.dynamic_gather %scan3A_423#0[%gather3A_443] in [0] : vector<16xf32>, vector<16xi32> -> vector<16xf32>
      %add3A_445 = arith.addf %scan3A_423#0, %gather3A_444 : vector<16xf32>
      %xor3A_446 = arith.constant 4 : i32
      %xor3A_447 = vector.broadcast %xor3A_446 : i32 to vector<16xi32>
      %xor3A_448 = arith.xori %iota3A, %xor3A_447 : vector<16xi32>
      %lt3A_449 = arith.constant 0 : i32
      %lt3A_450 = vector.broadcast %lt3A_449 : i32 to vector<16xi32>
      %lt3A_451 = arith.cmpi slt, %xor3A_448, %lt3A_450 : vector<16xi32>
      %add3A_452 = arith.constant 16 : i32
      %add3A_453 = vector.broadcast %add3A_452 : i32 to vector<16xi32>
      %add3A_454 = arith.addi %xor3A_448, %add3A_453 : vector<16xi32>
      %select_n3A_455 = arith.select %lt3A_451, %add3A_454, %xor3A_448 : vector<16xi1>, vector<16xi32>
      %broadcast_in_dim3A_456 = vector.shape_cast %select_n3A_455 : vector<16xi32> to vector<16x1xi32>
      %gather3A_457 = vector.shape_cast %broadcast_in_dim3A_456 : vector<16x1xi32> to vector<16xi32>
      %gather3A_458 = tpu.dynamic_gather %add3A_445[%gather3A_457] in [0] : vector<16xf32>, vector<16xi32> -> vector<16xf32>
      %add3A_459 = arith.addf %add3A_445, %gather3A_458 : vector<16xf32>
      %xor3A_460 = arith.constant 2 : i32
      %xor3A_461 = vector.broadcast %xor3A_460 : i32 to vector<16xi32>
      %xor3A_462 = arith.xori %iota3A, %xor3A_461 : vector<16xi32>
      %lt3A_463 = arith.constant 0 : i32
      %lt3A_464 = vector.broadcast %lt3A_463 : i32 to vector<16xi32>
      %lt3A_465 = arith.cmpi slt, %xor3A_462, %lt3A_464 : vector<16xi32>
      %add3A_466 = arith.constant 16 : i32
      %add3A_467 = vector.broadcast %add3A_466 : i32 to vector<16xi32>
      %add3A_468 = arith.addi %xor3A_462, %add3A_467 : vector<16xi32>
      %select_n3A_469 = arith.select %lt3A_465, %add3A_468, %xor3A_462 : vector<16xi1>, vector<16xi32>
      %broadcast_in_dim3A_470 = vector.shape_cast %select_n3A_469 : vector<16xi32> to vector<16x1xi32>
      %gather3A_471 = vector.shape_cast %broadcast_in_dim3A_470 : vector<16x1xi32> to vector<16xi32>
      %gather3A_472 = tpu.dynamic_gather %add3A_459[%gather3A_471] in [0] : vector<16xf32>, vector<16xi32> -> vector<16xf32>
      %add3A_473 = arith.addf %add3A_459, %gather3A_472 : vector<16xf32>
      %xor3A_474 = arith.constant 1 : i32
      %xor3A_475 = vector.broadcast %xor3A_474 : i32 to vector<16xi32>
      %xor3A_476 = arith.xori %iota3A, %xor3A_475 : vector<16xi32>
      %lt3A_477 = arith.constant 0 : i32
      %lt3A_478 = vector.broadcast %lt3A_477 : i32 to vector<16xi32>
      %lt3A_479 = arith.cmpi slt, %xor3A_476, %lt3A_478 : vector<16xi32>
      %add3A_480 = arith.constant 16 : i32
      %add3A_481 = vector.broadcast %add3A_480 : i32 to vector<16xi32>
      %add3A_482 = arith.addi %xor3A_476, %add3A_481 : vector<16xi32>
      %select_n3A_483 = arith.select %lt3A_479, %add3A_482, %xor3A_476 : vector<16xi1>, vector<16xi32>
      %broadcast_in_dim3A_484 = vector.shape_cast %select_n3A_483 : vector<16xi32> to vector<16x1xi32>
      %gather3A_485 = vector.shape_cast %broadcast_in_dim3A_484 : vector<16x1xi32> to vector<16xi32>
      %gather3A_486 = tpu.dynamic_gather %add3A_473[%gather3A_485] in [0] : vector<16xf32>, vector<16xi32> -> vector<16xf32>
      %add3A_487 = arith.addf %add3A_473, %gather3A_486 : vector<16xf32>
      %select_n3A_488 = arith.select %eq3A_431, %add3A_487, %broadcast_in_dim3A_28 : vector<16xi1>, vector<16xf32>
      %eq3A_489 = arith.constant 1 : i32
      %eq3A_490 = vector.broadcast %eq3A_489 : i32 to vector<16xi32>
      %eq3A_491 = arith.cmpi eq, %iota3A, %eq3A_490 : vector<16xi32>
      %xor3A_492 = arith.constant 8 : i32
      %xor3A_493 = vector.broadcast %xor3A_492 : i32 to vector<16xi32>
      %xor3A_494 = arith.xori %iota3A, %xor3A_493 : vector<16xi32>
      %lt3A_495 = arith.constant 0 : i32
      %lt3A_496 = vector.broadcast %lt3A_495 : i32 to vector<16xi32>
      %lt3A_497 = arith.cmpi slt, %xor3A_494, %lt3A_496 : vector<16xi32>
      %add3A_498 = arith.constant 16 : i32
      %add3A_499 = vector.broadcast %add3A_498 : i32 to vector<16xi32>
      %add3A_500 = arith.addi %xor3A_494, %add3A_499 : vector<16xi32>
      %select_n3A_501 = arith.select %lt3A_497, %add3A_500, %xor3A_494 : vector<16xi1>, vector<16xi32>
      %broadcast_in_dim3A_502 = vector.shape_cast %select_n3A_501 : vector<16xi32> to vector<16x1xi32>
      %gather3A_503 = vector.shape_cast %broadcast_in_dim3A_502 : vector<16x1xi32> to vector<16xi32>
      %gather3A_504 = tpu.dynamic_gather %scan3A_423#1[%gather3A_503] in [0] : vector<16xf32>, vector<16xi32> -> vector<16xf32>
      %add3A_505 = arith.addf %scan3A_423#1, %gather3A_504 : vector<16xf32>
      %xor3A_506 = arith.constant 4 : i32
      %xor3A_507 = vector.broadcast %xor3A_506 : i32 to vector<16xi32>
      %xor3A_508 = arith.xori %iota3A, %xor3A_507 : vector<16xi32>
      %lt3A_509 = arith.constant 0 : i32
      %lt3A_510 = vector.broadcast %lt3A_509 : i32 to vector<16xi32>
      %lt3A_511 = arith.cmpi slt, %xor3A_508, %lt3A_510 : vector<16xi32>
      %add3A_512 = arith.constant 16 : i32
      %add3A_513 = vector.broadcast %add3A_512 : i32 to vector<16xi32>
      %add3A_514 = arith.addi %xor3A_508, %add3A_513 : vector<16xi32>
      %select_n3A_515 = arith.select %lt3A_511, %add3A_514, %xor3A_508 : vector<16xi1>, vector<16xi32>
      %broadcast_in_dim3A_516 = vector.shape_cast %select_n3A_515 : vector<16xi32> to vector<16x1xi32>
      %gather3A_517 = vector.shape_cast %broadcast_in_dim3A_516 : vector<16x1xi32> to vector<16xi32>
      %gather3A_518 = tpu.dynamic_gather %add3A_505[%gather3A_517] in [0] : vector<16xf32>, vector<16xi32> -> vector<16xf32>
      %add3A_519 = arith.addf %add3A_505, %gather3A_518 : vector<16xf32>
      %xor3A_520 = arith.constant 2 : i32
      %xor3A_521 = vector.broadcast %xor3A_520 : i32 to vector<16xi32>
      %xor3A_522 = arith.xori %iota3A, %xor3A_521 : vector<16xi32>
      %lt3A_523 = arith.constant 0 : i32
      %lt3A_524 = vector.broadcast %lt3A_523 : i32 to vector<16xi32>
      %lt3A_525 = arith.cmpi slt, %xor3A_522, %lt3A_524 : vector<16xi32>
      %add3A_526 = arith.constant 16 : i32
      %add3A_527 = vector.broadcast %add3A_526 : i32 to vector<16xi32>
      %add3A_528 = arith.addi %xor3A_522, %add3A_527 : vector<16xi32>
      %select_n3A_529 = arith.select %lt3A_525, %add3A_528, %xor3A_522 : vector<16xi1>, vector<16xi32>
      %broadcast_in_dim3A_530 = vector.shape_cast %select_n3A_529 : vector<16xi32> to vector<16x1xi32>
      %gather3A_531 = vector.shape_cast %broadcast_in_dim3A_530 : vector<16x1xi32> to vector<16xi32>
      %gather3A_532 = tpu.dynamic_gather %add3A_519[%gather3A_531] in [0] : vector<16xf32>, vector<16xi32> -> vector<16xf32>
      %add3A_533 = arith.addf %add3A_519, %gather3A_532 : vector<16xf32>
      %xor3A_534 = arith.constant 1 : i32
      %xor3A_535 = vector.broadcast %xor3A_534 : i32 to vector<16xi32>
      %xor3A_536 = arith.xori %iota3A, %xor3A_535 : vector<16xi32>
      %lt3A_537 = arith.constant 0 : i32
      %lt3A_538 = vector.broadcast %lt3A_537 : i32 to vector<16xi32>
      %lt3A_539 = arith.cmpi slt, %xor3A_536, %lt3A_538 : vector<16xi32>
      %add3A_540 = arith.constant 16 : i32
      %add3A_541 = vector.broadcast %add3A_540 : i32 to vector<16xi32>
      %add3A_542 = arith.addi %xor3A_536, %add3A_541 : vector<16xi32>
      %select_n3A_543 = arith.select %lt3A_539, %add3A_542, %xor3A_536 : vector<16xi1>, vector<16xi32>
      %broadcast_in_dim3A_544 = vector.shape_cast %select_n3A_543 : vector<16xi32> to vector<16x1xi32>
      %gather3A_545 = vector.shape_cast %broadcast_in_dim3A_544 : vector<16x1xi32> to vector<16xi32>
      %gather3A_546 = tpu.dynamic_gather %add3A_533[%gather3A_545] in [0] : vector<16xf32>, vector<16xi32> -> vector<16xf32>
      %add3A_547 = arith.addf %add3A_533, %gather3A_546 : vector<16xf32>
      %select_n3A_548 = arith.select %eq3A_491, %add3A_547, %select_n3A_488 : vector<16xi1>, vector<16xf32>
      %eq3A_549 = arith.constant 2 : i32
      %eq3A_550 = vector.broadcast %eq3A_549 : i32 to vector<16xi32>
      %eq3A_551 = arith.cmpi eq, %iota3A, %eq3A_550 : vector<16xi32>
      %xor3A_552 = arith.constant 8 : i32
      %xor3A_553 = vector.broadcast %xor3A_552 : i32 to vector<16xi32>
      %xor3A_554 = arith.xori %iota3A, %xor3A_553 : vector<16xi32>
      %lt3A_555 = arith.constant 0 : i32
      %lt3A_556 = vector.broadcast %lt3A_555 : i32 to vector<16xi32>
      %lt3A_557 = arith.cmpi slt, %xor3A_554, %lt3A_556 : vector<16xi32>
      %add3A_558 = arith.constant 16 : i32
      %add3A_559 = vector.broadcast %add3A_558 : i32 to vector<16xi32>
      %add3A_560 = arith.addi %xor3A_554, %add3A_559 : vector<16xi32>
      %select_n3A_561 = arith.select %lt3A_557, %add3A_560, %xor3A_554 : vector<16xi1>, vector<16xi32>
      %broadcast_in_dim3A_562 = vector.shape_cast %select_n3A_561 : vector<16xi32> to vector<16x1xi32>
      %gather3A_563 = vector.shape_cast %broadcast_in_dim3A_562 : vector<16x1xi32> to vector<16xi32>
      %gather3A_564 = tpu.dynamic_gather %scan3A_423#2[%gather3A_563] in [0] : vector<16xf32>, vector<16xi32> -> vector<16xf32>
      %add3A_565 = arith.addf %scan3A_423#2, %gather3A_564 : vector<16xf32>
      %xor3A_566 = arith.constant 4 : i32
      %xor3A_567 = vector.broadcast %xor3A_566 : i32 to vector<16xi32>
      %xor3A_568 = arith.xori %iota3A, %xor3A_567 : vector<16xi32>
      %lt3A_569 = arith.constant 0 : i32
      %lt3A_570 = vector.broadcast %lt3A_569 : i32 to vector<16xi32>
      %lt3A_571 = arith.cmpi slt, %xor3A_568, %lt3A_570 : vector<16xi32>
      %add3A_572 = arith.constant 16 : i32
      %add3A_573 = vector.broadcast %add3A_572 : i32 to vector<16xi32>
      %add3A_574 = arith.addi %xor3A_568, %add3A_573 : vector<16xi32>
      %select_n3A_575 = arith.select %lt3A_571, %add3A_574, %xor3A_568 : vector<16xi1>, vector<16xi32>
      %broadcast_in_dim3A_576 = vector.shape_cast %select_n3A_575 : vector<16xi32> to vector<16x1xi32>
      %gather3A_577 = vector.shape_cast %broadcast_in_dim3A_576 : vector<16x1xi32> to vector<16xi32>
      %gather3A_578 = tpu.dynamic_gather %add3A_565[%gather3A_577] in [0] : vector<16xf32>, vector<16xi32> -> vector<16xf32>
      %add3A_579 = arith.addf %add3A_565, %gather3A_578 : vector<16xf32>
      %xor3A_580 = arith.constant 2 : i32
      %xor3A_581 = vector.broadcast %xor3A_580 : i32 to vector<16xi32>
      %xor3A_582 = arith.xori %iota3A, %xor3A_581 : vector<16xi32>
      %lt3A_583 = arith.constant 0 : i32
      %lt3A_584 = vector.broadcast %lt3A_583 : i32 to vector<16xi32>
      %lt3A_585 = arith.cmpi slt, %xor3A_582, %lt3A_584 : vector<16xi32>
      %add3A_586 = arith.constant 16 : i32
      %add3A_587 = vector.broadcast %add3A_586 : i32 to vector<16xi32>
      %add3A_588 = arith.addi %xor3A_582, %add3A_587 : vector<16xi32>
      %select_n3A_589 = arith.select %lt3A_585, %add3A_588, %xor3A_582 : vector<16xi1>, vector<16xi32>
      %broadcast_in_dim3A_590 = vector.shape_cast %select_n3A_589 : vector<16xi32> to vector<16x1xi32>
      %gather3A_591 = vector.shape_cast %broadcast_in_dim3A_590 : vector<16x1xi32> to vector<16xi32>
      %gather3A_592 = tpu.dynamic_gather %add3A_579[%gather3A_591] in [0] : vector<16xf32>, vector<16xi32> -> vector<16xf32>
      %add3A_593 = arith.addf %add3A_579, %gather3A_592 : vector<16xf32>
      %xor3A_594 = arith.constant 1 : i32
      %xor3A_595 = vector.broadcast %xor3A_594 : i32 to vector<16xi32>
      %xor3A_596 = arith.xori %iota3A, %xor3A_595 : vector<16xi32>
      %lt3A_597 = arith.constant 0 : i32
      %lt3A_598 = vector.broadcast %lt3A_597 : i32 to vector<16xi32>
      %lt3A_599 = arith.cmpi slt, %xor3A_596, %lt3A_598 : vector<16xi32>
      %add3A_600 = arith.constant 16 : i32
      %add3A_601 = vector.broadcast %add3A_600 : i32 to vector<16xi32>
      %add3A_602 = arith.addi %xor3A_596, %add3A_601 : vector<16xi32>
      %select_n3A_603 = arith.select %lt3A_599, %add3A_602, %xor3A_596 : vector<16xi1>, vector<16xi32>
      %broadcast_in_dim3A_604 = vector.shape_cast %select_n3A_603 : vector<16xi32> to vector<16x1xi32>
      %gather3A_605 = vector.shape_cast %broadcast_in_dim3A_604 : vector<16x1xi32> to vector<16xi32>
      %gather3A_606 = tpu.dynamic_gather %add3A_593[%gather3A_605] in [0] : vector<16xf32>, vector<16xi32> -> vector<16xf32>
      %add3A_607 = arith.addf %add3A_593, %gather3A_606 : vector<16xf32>
      %select_n3A_608 = arith.select %eq3A_551, %add3A_607, %select_n3A_548 : vector<16xi1>, vector<16xf32>
      %eq3A_609 = arith.constant 3 : i32
      %eq3A_610 = vector.broadcast %eq3A_609 : i32 to vector<16xi32>
      %eq3A_611 = arith.cmpi eq, %iota3A, %eq3A_610 : vector<16xi32>
      %xor3A_612 = arith.constant 8 : i32
      %xor3A_613 = vector.broadcast %xor3A_612 : i32 to vector<16xi32>
      %xor3A_614 = arith.xori %iota3A, %xor3A_613 : vector<16xi32>
      %lt3A_615 = arith.constant 0 : i32
      %lt3A_616 = vector.broadcast %lt3A_615 : i32 to vector<16xi32>
      %lt3A_617 = arith.cmpi slt, %xor3A_614, %lt3A_616 : vector<16xi32>
      %add3A_618 = arith.constant 16 : i32
      %add3A_619 = vector.broadcast %add3A_618 : i32 to vector<16xi32>
      %add3A_620 = arith.addi %xor3A_614, %add3A_619 : vector<16xi32>
      %select_n3A_621 = arith.select %lt3A_617, %add3A_620, %xor3A_614 : vector<16xi1>, vector<16xi32>
      %broadcast_in_dim3A_622 = vector.shape_cast %select_n3A_621 : vector<16xi32> to vector<16x1xi32>
      %gather3A_623 = vector.shape_cast %broadcast_in_dim3A_622 : vector<16x1xi32> to vector<16xi32>
      %gather3A_624 = tpu.dynamic_gather %scan3A_423#3[%gather3A_623] in [0] : vector<16xf32>, vector<16xi32> -> vector<16xf32>
      %add3A_625 = arith.addf %scan3A_423#3, %gather3A_624 : vector<16xf32>
      %xor3A_626 = arith.constant 4 : i32
      %xor3A_627 = vector.broadcast %xor3A_626 : i32 to vector<16xi32>
      %xor3A_628 = arith.xori %iota3A, %xor3A_627 : vector<16xi32>
      %lt3A_629 = arith.constant 0 : i32
      %lt3A_630 = vector.broadcast %lt3A_629 : i32 to vector<16xi32>
      %lt3A_631 = arith.cmpi slt, %xor3A_628, %lt3A_630 : vector<16xi32>
      %add3A_632 = arith.constant 16 : i32
      %add3A_633 = vector.broadcast %add3A_632 : i32 to vector<16xi32>
      %add3A_634 = arith.addi %xor3A_628, %add3A_633 : vector<16xi32>
      %select_n3A_635 = arith.select %lt3A_631, %add3A_634, %xor3A_628 : vector<16xi1>, vector<16xi32>
      %broadcast_in_dim3A_636 = vector.shape_cast %select_n3A_635 : vector<16xi32> to vector<16x1xi32>
      %gather3A_637 = vector.shape_cast %broadcast_in_dim3A_636 : vector<16x1xi32> to vector<16xi32>
      %gather3A_638 = tpu.dynamic_gather %add3A_625[%gather3A_637] in [0] : vector<16xf32>, vector<16xi32> -> vector<16xf32>
      %add3A_639 = arith.addf %add3A_625, %gather3A_638 : vector<16xf32>
      %xor3A_640 = arith.constant 2 : i32
      %xor3A_641 = vector.broadcast %xor3A_640 : i32 to vector<16xi32>
      %xor3A_642 = arith.xori %iota3A, %xor3A_641 : vector<16xi32>
      %lt3A_643 = arith.constant 0 : i32
      %lt3A_644 = vector.broadcast %lt3A_643 : i32 to vector<16xi32>
      %lt3A_645 = arith.cmpi slt, %xor3A_642, %lt3A_644 : vector<16xi32>
      %add3A_646 = arith.constant 16 : i32
      %add3A_647 = vector.broadcast %add3A_646 : i32 to vector<16xi32>
      %add3A_648 = arith.addi %xor3A_642, %add3A_647 : vector<16xi32>
      %select_n3A_649 = arith.select %lt3A_645, %add3A_648, %xor3A_642 : vector<16xi1>, vector<16xi32>
      %broadcast_in_dim3A_650 = vector.shape_cast %select_n3A_649 : vector<16xi32> to vector<16x1xi32>
      %gather3A_651 = vector.shape_cast %broadcast_in_dim3A_650 : vector<16x1xi32> to vector<16xi32>
      %gather3A_652 = tpu.dynamic_gather %add3A_639[%gather3A_651] in [0] : vector<16xf32>, vector<16xi32> -> vector<16xf32>
      %add3A_653 = arith.addf %add3A_639, %gather3A_652 : vector<16xf32>
      %xor3A_654 = arith.constant 1 : i32
      %xor3A_655 = vector.broadcast %xor3A_654 : i32 to vector<16xi32>
      %xor3A_656 = arith.xori %iota3A, %xor3A_655 : vector<16xi32>
      %lt3A_657 = arith.constant 0 : i32
      %lt3A_658 = vector.broadcast %lt3A_657 : i32 to vector<16xi32>
      %lt3A_659 = arith.cmpi slt, %xor3A_656, %lt3A_658 : vector<16xi32>
      %add3A_660 = arith.constant 16 : i32
      %add3A_661 = vector.broadcast %add3A_660 : i32 to vector<16xi32>
      %add3A_662 = arith.addi %xor3A_656, %add3A_661 : vector<16xi32>
      %select_n3A_663 = arith.select %lt3A_659, %add3A_662, %xor3A_656 : vector<16xi1>, vector<16xi32>
      %broadcast_in_dim3A_664 = vector.shape_cast %select_n3A_663 : vector<16xi32> to vector<16x1xi32>
      %gather3A_665 = vector.shape_cast %broadcast_in_dim3A_664 : vector<16x1xi32> to vector<16xi32>
      %gather3A_666 = tpu.dynamic_gather %add3A_653[%gather3A_665] in [0] : vector<16xf32>, vector<16xi32> -> vector<16xf32>
      %add3A_667 = arith.addf %add3A_653, %gather3A_666 : vector<16xf32>
      %select_n3A_668 = arith.select %eq3A_611, %add3A_667, %select_n3A_608 : vector<16xi1>, vector<16xf32>
      %eq3A_669 = arith.constant 4 : i32
      %eq3A_670 = vector.broadcast %eq3A_669 : i32 to vector<16xi32>
      %eq3A_671 = arith.cmpi eq, %iota3A, %eq3A_670 : vector<16xi32>
      %xor3A_672 = arith.constant 8 : i32
      %xor3A_673 = vector.broadcast %xor3A_672 : i32 to vector<16xi32>
      %xor3A_674 = arith.xori %iota3A, %xor3A_673 : vector<16xi32>
      %lt3A_675 = arith.constant 0 : i32
      %lt3A_676 = vector.broadcast %lt3A_675 : i32 to vector<16xi32>
      %lt3A_677 = arith.cmpi slt, %xor3A_674, %lt3A_676 : vector<16xi32>
      %add3A_678 = arith.constant 16 : i32
      %add3A_679 = vector.broadcast %add3A_678 : i32 to vector<16xi32>
      %add3A_680 = arith.addi %xor3A_674, %add3A_679 : vector<16xi32>
      %select_n3A_681 = arith.select %lt3A_677, %add3A_680, %xor3A_674 : vector<16xi1>, vector<16xi32>
      %broadcast_in_dim3A_682 = vector.shape_cast %select_n3A_681 : vector<16xi32> to vector<16x1xi32>
      %gather3A_683 = vector.shape_cast %broadcast_in_dim3A_682 : vector<16x1xi32> to vector<16xi32>
      %gather3A_684 = tpu.dynamic_gather %scan3A_423#4[%gather3A_683] in [0] : vector<16xf32>, vector<16xi32> -> vector<16xf32>
      %add3A_685 = arith.addf %scan3A_423#4, %gather3A_684 : vector<16xf32>
      %xor3A_686 = arith.constant 4 : i32
      %xor3A_687 = vector.broadcast %xor3A_686 : i32 to vector<16xi32>
      %xor3A_688 = arith.xori %iota3A, %xor3A_687 : vector<16xi32>
      %lt3A_689 = arith.constant 0 : i32
      %lt3A_690 = vector.broadcast %lt3A_689 : i32 to vector<16xi32>
      %lt3A_691 = arith.cmpi slt, %xor3A_688, %lt3A_690 : vector<16xi32>
      %add3A_692 = arith.constant 16 : i32
      %add3A_693 = vector.broadcast %add3A_692 : i32 to vector<16xi32>
      %add3A_694 = arith.addi %xor3A_688, %add3A_693 : vector<16xi32>
      %select_n3A_695 = arith.select %lt3A_691, %add3A_694, %xor3A_688 : vector<16xi1>, vector<16xi32>
      %broadcast_in_dim3A_696 = vector.shape_cast %select_n3A_695 : vector<16xi32> to vector<16x1xi32>
      %gather3A_697 = vector.shape_cast %broadcast_in_dim3A_696 : vector<16x1xi32> to vector<16xi32>
      %gather3A_698 = tpu.dynamic_gather %add3A_685[%gather3A_697] in [0] : vector<16xf32>, vector<16xi32> -> vector<16xf32>
      %add3A_699 = arith.addf %add3A_685, %gather3A_698 : vector<16xf32>
      %xor3A_700 = arith.constant 2 : i32
      %xor3A_701 = vector.broadcast %xor3A_700 : i32 to vector<16xi32>
      %xor3A_702 = arith.xori %iota3A, %xor3A_701 : vector<16xi32>
      %lt3A_703 = arith.constant 0 : i32
      %lt3A_704 = vector.broadcast %lt3A_703 : i32 to vector<16xi32>
      %lt3A_705 = arith.cmpi slt, %xor3A_702, %lt3A_704 : vector<16xi32>
      %add3A_706 = arith.constant 16 : i32
      %add3A_707 = vector.broadcast %add3A_706 : i32 to vector<16xi32>
      %add3A_708 = arith.addi %xor3A_702, %add3A_707 : vector<16xi32>
      %select_n3A_709 = arith.select %lt3A_705, %add3A_708, %xor3A_702 : vector<16xi1>, vector<16xi32>
      %broadcast_in_dim3A_710 = vector.shape_cast %select_n3A_709 : vector<16xi32> to vector<16x1xi32>
      %gather3A_711 = vector.shape_cast %broadcast_in_dim3A_710 : vector<16x1xi32> to vector<16xi32>
      %gather3A_712 = tpu.dynamic_gather %add3A_699[%gather3A_711] in [0] : vector<16xf32>, vector<16xi32> -> vector<16xf32>
      %add3A_713 = arith.addf %add3A_699, %gather3A_712 : vector<16xf32>
      %xor3A_714 = arith.constant 1 : i32
      %xor3A_715 = vector.broadcast %xor3A_714 : i32 to vector<16xi32>
      %xor3A_716 = arith.xori %iota3A, %xor3A_715 : vector<16xi32>
      %lt3A_717 = arith.constant 0 : i32
      %lt3A_718 = vector.broadcast %lt3A_717 : i32 to vector<16xi32>
      %lt3A_719 = arith.cmpi slt, %xor3A_716, %lt3A_718 : vector<16xi32>
      %add3A_720 = arith.constant 16 : i32
      %add3A_721 = vector.broadcast %add3A_720 : i32 to vector<16xi32>
      %add3A_722 = arith.addi %xor3A_716, %add3A_721 : vector<16xi32>
      %select_n3A_723 = arith.select %lt3A_719, %add3A_722, %xor3A_716 : vector<16xi1>, vector<16xi32>
      %broadcast_in_dim3A_724 = vector.shape_cast %select_n3A_723 : vector<16xi32> to vector<16x1xi32>
      %gather3A_725 = vector.shape_cast %broadcast_in_dim3A_724 : vector<16x1xi32> to vector<16xi32>
      %gather3A_726 = tpu.dynamic_gather %add3A_713[%gather3A_725] in [0] : vector<16xf32>, vector<16xi32> -> vector<16xf32>
      %add3A_727 = arith.addf %add3A_713, %gather3A_726 : vector<16xf32>
      %select_n3A_728 = arith.select %eq3A_671, %add3A_727, %select_n3A_668 : vector<16xi1>, vector<16xf32>
      %eq3A_729 = arith.constant 5 : i32
      %eq3A_730 = vector.broadcast %eq3A_729 : i32 to vector<16xi32>
      %eq3A_731 = arith.cmpi eq, %iota3A, %eq3A_730 : vector<16xi32>
      %xor3A_732 = arith.constant 8 : i32
      %xor3A_733 = vector.broadcast %xor3A_732 : i32 to vector<16xi32>
      %xor3A_734 = arith.xori %iota3A, %xor3A_733 : vector<16xi32>
      %lt3A_735 = arith.constant 0 : i32
      %lt3A_736 = vector.broadcast %lt3A_735 : i32 to vector<16xi32>
      %lt3A_737 = arith.cmpi slt, %xor3A_734, %lt3A_736 : vector<16xi32>
      %add3A_738 = arith.constant 16 : i32
      %add3A_739 = vector.broadcast %add3A_738 : i32 to vector<16xi32>
      %add3A_740 = arith.addi %xor3A_734, %add3A_739 : vector<16xi32>
      %select_n3A_741 = arith.select %lt3A_737, %add3A_740, %xor3A_734 : vector<16xi1>, vector<16xi32>
      %broadcast_in_dim3A_742 = vector.shape_cast %select_n3A_741 : vector<16xi32> to vector<16x1xi32>
      %gather3A_743 = vector.shape_cast %broadcast_in_dim3A_742 : vector<16x1xi32> to vector<16xi32>
      %gather3A_744 = tpu.dynamic_gather %scan3A_423#5[%gather3A_743] in [0] : vector<16xf32>, vector<16xi32> -> vector<16xf32>
      %add3A_745 = arith.addf %scan3A_423#5, %gather3A_744 : vector<16xf32>
      %xor3A_746 = arith.constant 4 : i32
      %xor3A_747 = vector.broadcast %xor3A_746 : i32 to vector<16xi32>
      %xor3A_748 = arith.xori %iota3A, %xor3A_747 : vector<16xi32>
      %lt3A_749 = arith.constant 0 : i32
      %lt3A_750 = vector.broadcast %lt3A_749 : i32 to vector<16xi32>
      %lt3A_751 = arith.cmpi slt, %xor3A_748, %lt3A_750 : vector<16xi32>
      %add3A_752 = arith.constant 16 : i32
      %add3A_753 = vector.broadcast %add3A_752 : i32 to vector<16xi32>
      %add3A_754 = arith.addi %xor3A_748, %add3A_753 : vector<16xi32>
      %select_n3A_755 = arith.select %lt3A_751, %add3A_754, %xor3A_748 : vector<16xi1>, vector<16xi32>
      %broadcast_in_dim3A_756 = vector.shape_cast %select_n3A_755 : vector<16xi32> to vector<16x1xi32>
      %gather3A_757 = vector.shape_cast %broadcast_in_dim3A_756 : vector<16x1xi32> to vector<16xi32>
      %gather3A_758 = tpu.dynamic_gather %add3A_745[%gather3A_757] in [0] : vector<16xf32>, vector<16xi32> -> vector<16xf32>
      %add3A_759 = arith.addf %add3A_745, %gather3A_758 : vector<16xf32>
      %xor3A_760 = arith.constant 2 : i32
      %xor3A_761 = vector.broadcast %xor3A_760 : i32 to vector<16xi32>
      %xor3A_762 = arith.xori %iota3A, %xor3A_761 : vector<16xi32>
      %lt3A_763 = arith.constant 0 : i32
      %lt3A_764 = vector.broadcast %lt3A_763 : i32 to vector<16xi32>
      %lt3A_765 = arith.cmpi slt, %xor3A_762, %lt3A_764 : vector<16xi32>
      %add3A_766 = arith.constant 16 : i32
      %add3A_767 = vector.broadcast %add3A_766 : i32 to vector<16xi32>
      %add3A_768 = arith.addi %xor3A_762, %add3A_767 : vector<16xi32>
      %select_n3A_769 = arith.select %lt3A_765, %add3A_768, %xor3A_762 : vector<16xi1>, vector<16xi32>
      %broadcast_in_dim3A_770 = vector.shape_cast %select_n3A_769 : vector<16xi32> to vector<16x1xi32>
      %gather3A_771 = vector.shape_cast %broadcast_in_dim3A_770 : vector<16x1xi32> to vector<16xi32>
      %gather3A_772 = tpu.dynamic_gather %add3A_759[%gather3A_771] in [0] : vector<16xf32>, vector<16xi32> -> vector<16xf32>
      %add3A_773 = arith.addf %add3A_759, %gather3A_772 : vector<16xf32>
      %xor3A_774 = arith.constant 1 : i32
      %xor3A_775 = vector.broadcast %xor3A_774 : i32 to vector<16xi32>
      %xor3A_776 = arith.xori %iota3A, %xor3A_775 : vector<16xi32>
      %lt3A_777 = arith.constant 0 : i32
      %lt3A_778 = vector.broadcast %lt3A_777 : i32 to vector<16xi32>
      %lt3A_779 = arith.cmpi slt, %xor3A_776, %lt3A_778 : vector<16xi32>
      %add3A_780 = arith.constant 16 : i32
      %add3A_781 = vector.broadcast %add3A_780 : i32 to vector<16xi32>
      %add3A_782 = arith.addi %xor3A_776, %add3A_781 : vector<16xi32>
      %select_n3A_783 = arith.select %lt3A_779, %add3A_782, %xor3A_776 : vector<16xi1>, vector<16xi32>
      %broadcast_in_dim3A_784 = vector.shape_cast %select_n3A_783 : vector<16xi32> to vector<16x1xi32>
      %gather3A_785 = vector.shape_cast %broadcast_in_dim3A_784 : vector<16x1xi32> to vector<16xi32>
      %gather3A_786 = tpu.dynamic_gather %add3A_773[%gather3A_785] in [0] : vector<16xf32>, vector<16xi32> -> vector<16xf32>
      %add3A_787 = arith.addf %add3A_773, %gather3A_786 : vector<16xf32>
      %select_n3A_788 = arith.select %eq3A_731, %add3A_787, %select_n3A_728 : vector<16xi1>, vector<16xf32>
      %swap3A_789 = arith.index_cast %add3A_428 : i32 to index
      %swap3A_790 = arith.constant 0 : index
      %swap3A_791 = tpu.vector_load %arg15[%swap3A_789, %swap3A_790] {strides = array<i32>} : memref<128x16xf32, #tpu.memory_space<vmem>>, vector<1x16xf32>,
      %swap3A_792 = vector.shape_cast %swap3A_791 : vector<1x16xf32> to vector<16xf32>
      %swap3A_793 = vector.shape_cast %select_n3A_788 : vector<16xf32> to vector<1x16xf32>
      tpu.vector_store %arg15[%swap3A_789, %swap3A_790], %swap3A_793 {strides = array<i32>} : memref<128x16xf32, #tpu.memory_space<vmem>>, vector<1x16xf32>,
      %add3A_794 = arith.constant 2 : i32
      %add3A_795 = arith.addi %mul3A_38, %add3A_794 : i32
      %lt3A_796 = arith.constant 64 : i32
      %lt3A_797 = arith.cmpi slt, %add3A_795, %lt3A_796 : i32
      %convert_element_type3A = arith.extui %lt3A_797 : i1 to i32
      %cond3A = arith.constant 0 : i32
      %cond3A_798 = arith.cmpi ne, %convert_element_type3A, %cond3A : i32
      scf.if %cond3A_798 {
        %dma_start3A_1573 = arith.constant 0 : i32
        %dma_start3A_1574 = tpu.memref_slice %arg14[%add3A_795, %dma_start3A_1573] : memref<64x4xi32, #tpu.memory_space<vmem>> -> memref<1x4xi32, #tpu.memory_space<vmem>>
        %dma_start3A_1575 = tpu.memref_squeeze %dma_start3A_1574 : memref<1x4xi32, #tpu.memory_space<vmem>> -> memref<4xi32, #tpu.memory_space<vmem>>
        %dma_start3A_1576 = arith.constant 0 : i32
        %dma_start3A_1577 = arith.constant 0 : i32
        %dma_start3A_1578 = tpu.memref_slice %arg2[%dma_start3A_1576, %dma_start3A_1577] : memref<4096x4096xf32, #tpu.memory_space<hbm>> -> memref<4096x4096xf32, #tpu.memory_space<hbm>>
        tpu.enqueue_indirect_dma source(%dma_start3A_1578 : memref<4096x4096xf32, #tpu.memory_space<hbm>>) target(%arg8 : memref<4x4096xf32, #tpu.memory_space<vmem>>) offsets(%dma_start3A_1575 : memref<4xi32, #tpu.memory_space<vmem>>) semaphore(%arg16 : memref<!tpu.dma_semaphore, #tpu.memory_space<semaphore_mem>>)
        %dma_start3A_1579 = arith.constant 0 : i32
        %dma_start3A_1580 = tpu.memref_slice %arg14[%add3A_795, %dma_start3A_1579] : memref<64x4xi32, #tpu.memory_space<vmem>> -> memref<1x4xi32, #tpu.memory_space<vmem>>
        %dma_start3A_1581 = tpu.memref_squeeze %dma_start3A_1580 : memref<1x4xi32, #tpu.memory_space<vmem>> -> memref<4xi32, #tpu.memory_space<vmem>>
        %dma_start3A_1582 = arith.constant 0 : i32
        %dma_start3A_1583 = arith.constant 0 : i32
        %dma_start3A_1584 = tpu.memref_slice %arg3[%dma_start3A_1582, %dma_start3A_1583] : memref<4096x4096xf32, #tpu.memory_space<hbm>> -> memref<4096x4096xf32, #tpu.memory_space<hbm>>
        tpu.enqueue_indirect_dma source(%dma_start3A_1584 : memref<4096x4096xf32, #tpu.memory_space<hbm>>) target(%arg10 : memref<4x4096xf32, #tpu.memory_space<vmem>>) offsets(%dma_start3A_1581 : memref<4xi32, #tpu.memory_space<vmem>>) semaphore(%arg16 : memref<!tpu.dma_semaphore, #tpu.memory_space<semaphore_mem>>)
      } else {
      }
      %mul3A_799 = arith.constant 2 : i32
      %mul3A_800 = arith.muli %mul3A_799, %scan3A_36 : i32
      %add3A_801 = arith.constant 1 : i32
      %add3A_802 = arith.addi %mul3A_800, %add3A_801 : i32
      %dma_wait3A_803 = arith.constant 0 : i32
      %dma_wait3A_804 = tpu.memref_slice %arg14[%add3A_802, %dma_wait3A_803] : memref<64x4xi32, #tpu.memory_space<vmem>> -> memref<1x4xi32, #tpu.memory_space<vmem>>
      %dma_wait3A_805 = tpu.memref_squeeze %dma_wait3A_804 : memref<1x4xi32, #tpu.memory_space<vmem>> -> memref<4xi32, #tpu.memory_space<vmem>>
      %dma_wait3A_806 = arith.constant 0 : i32
      %dma_wait3A_807 = arith.constant 0 : i32
      %dma_wait3A_808 = tpu.memref_slice %arg2[%dma_wait3A_806, %dma_wait3A_807] : memref<4096x4096xf32, #tpu.memory_space<hbm>> -> memref<4096x4096xf32, #tpu.memory_space<hbm>>
      tpu.wait_indirect_dma semaphore(%arg17 : memref<!tpu.dma_semaphore, #tpu.memory_space<semaphore_mem>>) src(%dma_wait3A_808 : memref<4096x4096xf32, #tpu.memory_space<hbm>>) dst(%arg9 : memref<4x4096xf32, #tpu.memory_space<vmem>>)
      %dma_wait3A_809 = arith.constant 0 : i32
      %dma_wait3A_810 = tpu.memref_slice %arg14[%add3A_802, %dma_wait3A_809] : memref<64x4xi32, #tpu.memory_space<vmem>> -> memref<1x4xi32, #tpu.memory_space<vmem>>
      %dma_wait3A_811 = tpu.memref_squeeze %dma_wait3A_810 : memref<1x4xi32, #tpu.memory_space<vmem>> -> memref<4xi32, #tpu.memory_space<vmem>>
      %dma_wait3A_812 = arith.constant 0 : i32
      %dma_wait3A_813 = arith.constant 0 : i32
      %dma_wait3A_814 = tpu.memref_slice %arg3[%dma_wait3A_812, %dma_wait3A_813] : memref<4096x4096xf32, #tpu.memory_space<hbm>> -> memref<4096x4096xf32, #tpu.memory_space<hbm>>
      tpu.wait_indirect_dma semaphore(%arg17 : memref<!tpu.dma_semaphore, #tpu.memory_space<semaphore_mem>>) src(%dma_wait3A_814 : memref<4096x4096xf32, #tpu.memory_space<hbm>>) dst(%arg11 : memref<4x4096xf32, #tpu.memory_space<vmem>>)
      %iota3A_815 = tpu.iota {dimensions = array<i32: 0>} : vector<16xi32>
      %scan3A_816 = arith.constant 0 : i32
      %scan3A_817 = arith.constant 64 : i32
      %scan3A_818 = arith.addi %scan3A_816, %scan3A_817 : i32
      %scan3A_819 = arith.constant 1 : i32
      %scan3A_820:6 = scf.for %scan3A_1573 = %scan3A_816 to %scan3A_818 step %scan3A_819 iter_args(%scan3A_1574 = %broadcast_in_dim3A_28, %scan3A_1575 = %broadcast_in_dim3A_28, %scan3A_1576 = %broadcast_in_dim3A_28, %scan3A_1577 = %broadcast_in_dim3A_28, %scan3A_1578 = %broadcast_in_dim3A_28, %scan3A_1579 = %broadcast_in_dim3A_28) -> (vector<16xf32>, vector<16xf32>, vector<16xf32>, vector<16xf32>, vector<16xf32>, vector<16xf32>)  : i32 {
        %mul3A_1580 = arith.constant 4 : i32
        %mul3A_1581 = arith.muli %scan3A_1573, %mul3A_1580 : i32
        %add3A_1582 = arith.constant 0 : i32
        %add3A_1583 = arith.addi %mul3A_1581, %add3A_1582 : i32
        %mul3A_1584 = arith.constant 16 : i32
        %mul3A_1585 = arith.muli %add3A_1583, %mul3A_1584 : i32
        %get3A = arith.index_cast %mul3A_1585 : i32 to index
        %get3A_1586 = tpu.vector_load %arg12[%get3A] {strides = array<i32>} : memref<4096xf32, #tpu.memory_space<vmem>>, vector<16xf32>,
        %get3A_1587 = vector.shape_cast %get3A_1586 : vector<16xf32> to vector<16xf32>
        %get3A_1588 = arith.index_cast %mul3A_1585 : i32 to index
        %get3A_1589 = tpu.vector_load %arg13[%get3A_1588] {strides = array<i32>} : memref<4096xf32, #tpu.memory_space<vmem>>, vector<16xf32>,
        %get3A_1590 = vector.shape_cast %get3A_1589 : vector<16xf32> to vector<16xf32>
        %get3A_1591 = arith.constant 0 : i32
        %get3A_1592 = arith.index_cast %get3A_1591 : i32 to index
        %get3A_1593 = arith.index_cast %mul3A_1585 : i32 to index
        %get3A_1594 = tpu.vector_load %arg9[%get3A_1592, %get3A_1593] {strides = array<i32>} : memref<4x4096xf32, #tpu.memory_space<vmem>>, vector<1x16xf32>,
        %get3A_1595 = vector.shape_cast %get3A_1594 : vector<1x16xf32> to vector<16xf32>
        %mul3A_1596 = arith.mulf %get3A_1595, %get3A_1587 : vector<16xf32>
        %get3A_1597 = arith.constant 0 : i32
        %get3A_1598 = arith.index_cast %get3A_1597 : i32 to index
        %get3A_1599 = arith.index_cast %mul3A_1585 : i32 to index
        %get3A_1600 = tpu.vector_load %arg11[%get3A_1598, %get3A_1599] {strides = array<i32>} : memref<4x4096xf32, #tpu.memory_space<vmem>>, vector<1x16xf32>,
        %get3A_1601 = vector.shape_cast %get3A_1600 : vector<1x16xf32> to vector<16xf32>
        %mul3A_1602 = arith.mulf %get3A_1601, %get3A_1590 : vector<16xf32>
        %get3A_1603 = arith.constant 1 : i32
        %get3A_1604 = arith.index_cast %get3A_1603 : i32 to index
        %get3A_1605 = arith.index_cast %mul3A_1585 : i32 to index
        %get3A_1606 = tpu.vector_load %arg9[%get3A_1604, %get3A_1605] {strides = array<i32>} : memref<4x4096xf32, #tpu.memory_space<vmem>>, vector<1x16xf32>,
        %get3A_1607 = vector.shape_cast %get3A_1606 : vector<1x16xf32> to vector<16xf32>
        %mul3A_1608 = arith.mulf %get3A_1607, %get3A_1587 : vector<16xf32>
        %get3A_1609 = arith.constant 1 : i32
        %get3A_1610 = arith.index_cast %get3A_1609 : i32 to index
        %get3A_1611 = arith.index_cast %mul3A_1585 : i32 to index
        %get3A_1612 = tpu.vector_load %arg11[%get3A_1610, %get3A_1611] {strides = array<i32>} : memref<4x4096xf32, #tpu.memory_space<vmem>>, vector<1x16xf32>,
        %get3A_1613 = vector.shape_cast %get3A_1612 : vector<1x16xf32> to vector<16xf32>
        %mul3A_1614 = arith.mulf %get3A_1613, %get3A_1590 : vector<16xf32>
        %mul3A_1615 = arith.mulf %mul3A_1596, %mul3A_1614 : vector<16xf32>
        %add3A_1616 = arith.addf %scan3A_1574, %mul3A_1615 : vector<16xf32>
        %mul3A_1617 = arith.mulf %mul3A_1602, %mul3A_1608 : vector<16xf32>
        %add3A_1618 = arith.addf %scan3A_1575, %mul3A_1617 : vector<16xf32>
        %mul3A_1619 = arith.mulf %mul3A_1596, %mul3A_1596 : vector<16xf32>
        %add3A_1620 = arith.addf %scan3A_1576, %mul3A_1619 : vector<16xf32>
        %mul3A_1621 = arith.mulf %mul3A_1602, %mul3A_1602 : vector<16xf32>
        %add3A_1622 = arith.addf %scan3A_1577, %mul3A_1621 : vector<16xf32>
        %mul3A_1623 = arith.mulf %mul3A_1608, %mul3A_1608 : vector<16xf32>
        %add3A_1624 = arith.addf %scan3A_1578, %mul3A_1623 : vector<16xf32>
        %mul3A_1625 = arith.mulf %mul3A_1614, %mul3A_1614 : vector<16xf32>
        %add3A_1626 = arith.addf %scan3A_1579, %mul3A_1625 : vector<16xf32>
        %mul3A_1627 = arith.constant 4 : i32
        %mul3A_1628 = arith.muli %scan3A_1573, %mul3A_1627 : i32
        %add3A_1629 = arith.constant 1 : i32
        %add3A_1630 = arith.addi %mul3A_1628, %add3A_1629 : i32
        %mul3A_1631 = arith.constant 16 : i32
        %mul3A_1632 = arith.muli %add3A_1630, %mul3A_1631 : i32
        %get3A_1633 = arith.index_cast %mul3A_1632 : i32 to index
        %get3A_1634 = tpu.vector_load %arg12[%get3A_1633] {strides = array<i32>} : memref<4096xf32, #tpu.memory_space<vmem>>, vector<16xf32>,
        %get3A_1635 = vector.shape_cast %get3A_1634 : vector<16xf32> to vector<16xf32>
        %get3A_1636 = arith.index_cast %mul3A_1632 : i32 to index
        %get3A_1637 = tpu.vector_load %arg13[%get3A_1636] {strides = array<i32>} : memref<4096xf32, #tpu.memory_space<vmem>>, vector<16xf32>,
        %get3A_1638 = vector.shape_cast %get3A_1637 : vector<16xf32> to vector<16xf32>
        %get3A_1639 = arith.constant 0 : i32
        %get3A_1640 = arith.index_cast %get3A_1639 : i32 to index
        %get3A_1641 = arith.index_cast %mul3A_1632 : i32 to index
        %get3A_1642 = tpu.vector_load %arg9[%get3A_1640, %get3A_1641] {strides = array<i32>} : memref<4x4096xf32, #tpu.memory_space<vmem>>, vector<1x16xf32>,
        %get3A_1643 = vector.shape_cast %get3A_1642 : vector<1x16xf32> to vector<16xf32>
        %mul3A_1644 = arith.mulf %get3A_1643, %get3A_1635 : vector<16xf32>
        %get3A_1645 = arith.constant 0 : i32
        %get3A_1646 = arith.index_cast %get3A_1645 : i32 to index
        %get3A_1647 = arith.index_cast %mul3A_1632 : i32 to index
        %get3A_1648 = tpu.vector_load %arg11[%get3A_1646, %get3A_1647] {strides = array<i32>} : memref<4x4096xf32, #tpu.memory_space<vmem>>, vector<1x16xf32>,
        %get3A_1649 = vector.shape_cast %get3A_1648 : vector<1x16xf32> to vector<16xf32>
        %mul3A_1650 = arith.mulf %get3A_1649, %get3A_1638 : vector<16xf32>
        %get3A_1651 = arith.constant 1 : i32
        %get3A_1652 = arith.index_cast %get3A_1651 : i32 to index
        %get3A_1653 = arith.index_cast %mul3A_1632 : i32 to index
        %get3A_1654 = tpu.vector_load %arg9[%get3A_1652, %get3A_1653] {strides = array<i32>} : memref<4x4096xf32, #tpu.memory_space<vmem>>, vector<1x16xf32>,
        %get3A_1655 = vector.shape_cast %get3A_1654 : vector<1x16xf32> to vector<16xf32>
        %mul3A_1656 = arith.mulf %get3A_1655, %get3A_1635 : vector<16xf32>
        %get3A_1657 = arith.constant 1 : i32
        %get3A_1658 = arith.index_cast %get3A_1657 : i32 to index
        %get3A_1659 = arith.index_cast %mul3A_1632 : i32 to index
        %get3A_1660 = tpu.vector_load %arg11[%get3A_1658, %get3A_1659] {strides = array<i32>} : memref<4x4096xf32, #tpu.memory_space<vmem>>, vector<1x16xf32>,
        %get3A_1661 = vector.shape_cast %get3A_1660 : vector<1x16xf32> to vector<16xf32>
        %mul3A_1662 = arith.mulf %get3A_1661, %get3A_1638 : vector<16xf32>
        %mul3A_1663 = arith.mulf %mul3A_1644, %mul3A_1662 : vector<16xf32>
        %add3A_1664 = arith.addf %add3A_1616, %mul3A_1663 : vector<16xf32>
        %mul3A_1665 = arith.mulf %mul3A_1650, %mul3A_1656 : vector<16xf32>
        %add3A_1666 = arith.addf %add3A_1618, %mul3A_1665 : vector<16xf32>
        %mul3A_1667 = arith.mulf %mul3A_1644, %mul3A_1644 : vector<16xf32>
        %add3A_1668 = arith.addf %add3A_1620, %mul3A_1667 : vector<16xf32>
        %mul3A_1669 = arith.mulf %mul3A_1650, %mul3A_1650 : vector<16xf32>
        %add3A_1670 = arith.addf %add3A_1622, %mul3A_1669 : vector<16xf32>
        %mul3A_1671 = arith.mulf %mul3A_1656, %mul3A_1656 : vector<16xf32>
        %add3A_1672 = arith.addf %add3A_1624, %mul3A_1671 : vector<16xf32>
        %mul3A_1673 = arith.mulf %mul3A_1662, %mul3A_1662 : vector<16xf32>
        %add3A_1674 = arith.addf %add3A_1626, %mul3A_1673 : vector<16xf32>
        %mul3A_1675 = arith.constant 4 : i32
        %mul3A_1676 = arith.muli %scan3A_1573, %mul3A_1675 : i32
        %add3A_1677 = arith.constant 2 : i32
        %add3A_1678 = arith.addi %mul3A_1676, %add3A_1677 : i32
        %mul3A_1679 = arith.constant 16 : i32
        %mul3A_1680 = arith.muli %add3A_1678, %mul3A_1679 : i32
        %get3A_1681 = arith.index_cast %mul3A_1680 : i32 to index
        %get3A_1682 = tpu.vector_load %arg12[%get3A_1681] {strides = array<i32>} : memref<4096xf32, #tpu.memory_space<vmem>>, vector<16xf32>,
        %get3A_1683 = vector.shape_cast %get3A_1682 : vector<16xf32> to vector<16xf32>
        %get3A_1684 = arith.index_cast %mul3A_1680 : i32 to index
        %get3A_1685 = tpu.vector_load %arg13[%get3A_1684] {strides = array<i32>} : memref<4096xf32, #tpu.memory_space<vmem>>, vector<16xf32>,
        %get3A_1686 = vector.shape_cast %get3A_1685 : vector<16xf32> to vector<16xf32>
        %get3A_1687 = arith.constant 0 : i32
        %get3A_1688 = arith.index_cast %get3A_1687 : i32 to index
        %get3A_1689 = arith.index_cast %mul3A_1680 : i32 to index
        %get3A_1690 = tpu.vector_load %arg9[%get3A_1688, %get3A_1689] {strides = array<i32>} : memref<4x4096xf32, #tpu.memory_space<vmem>>, vector<1x16xf32>,
        %get3A_1691 = vector.shape_cast %get3A_1690 : vector<1x16xf32> to vector<16xf32>
        %mul3A_1692 = arith.mulf %get3A_1691, %get3A_1683 : vector<16xf32>
        %get3A_1693 = arith.constant 0 : i32
        %get3A_1694 = arith.index_cast %get3A_1693 : i32 to index
        %get3A_1695 = arith.index_cast %mul3A_1680 : i32 to index
        %get3A_1696 = tpu.vector_load %arg11[%get3A_1694, %get3A_1695] {strides = array<i32>} : memref<4x4096xf32, #tpu.memory_space<vmem>>, vector<1x16xf32>,
        %get3A_1697 = vector.shape_cast %get3A_1696 : vector<1x16xf32> to vector<16xf32>
        %mul3A_1698 = arith.mulf %get3A_1697, %get3A_1686 : vector<16xf32>
        %get3A_1699 = arith.constant 1 : i32
        %get3A_1700 = arith.index_cast %get3A_1699 : i32 to index
        %get3A_1701 = arith.index_cast %mul3A_1680 : i32 to index
        %get3A_1702 = tpu.vector_load %arg9[%get3A_1700, %get3A_1701] {strides = array<i32>} : memref<4x4096xf32, #tpu.memory_space<vmem>>, vector<1x16xf32>,
        %get3A_1703 = vector.shape_cast %get3A_1702 : vector<1x16xf32> to vector<16xf32>
        %mul3A_1704 = arith.mulf %get3A_1703, %get3A_1683 : vector<16xf32>
        %get3A_1705 = arith.constant 1 : i32
        %get3A_1706 = arith.index_cast %get3A_1705 : i32 to index
        %get3A_1707 = arith.index_cast %mul3A_1680 : i32 to index
        %get3A_1708 = tpu.vector_load %arg11[%get3A_1706, %get3A_1707] {strides = array<i32>} : memref<4x4096xf32, #tpu.memory_space<vmem>>, vector<1x16xf32>,
        %get3A_1709 = vector.shape_cast %get3A_1708 : vector<1x16xf32> to vector<16xf32>
        %mul3A_1710 = arith.mulf %get3A_1709, %get3A_1686 : vector<16xf32>
        %mul3A_1711 = arith.mulf %mul3A_1692, %mul3A_1710 : vector<16xf32>
        %add3A_1712 = arith.addf %add3A_1664, %mul3A_1711 : vector<16xf32>
        %mul3A_1713 = arith.mulf %mul3A_1698, %mul3A_1704 : vector<16xf32>
        %add3A_1714 = arith.addf %add3A_1666, %mul3A_1713 : vector<16xf32>
        %mul3A_1715 = arith.mulf %mul3A_1692, %mul3A_1692 : vector<16xf32>
        %add3A_1716 = arith.addf %add3A_1668, %mul3A_1715 : vector<16xf32>
        %mul3A_1717 = arith.mulf %mul3A_1698, %mul3A_1698 : vector<16xf32>
        %add3A_1718 = arith.addf %add3A_1670, %mul3A_1717 : vector<16xf32>
        %mul3A_1719 = arith.mulf %mul3A_1704, %mul3A_1704 : vector<16xf32>
        %add3A_1720 = arith.addf %add3A_1672, %mul3A_1719 : vector<16xf32>
        %mul3A_1721 = arith.mulf %mul3A_1710, %mul3A_1710 : vector<16xf32>
        %add3A_1722 = arith.addf %add3A_1674, %mul3A_1721 : vector<16xf32>
        %mul3A_1723 = arith.constant 4 : i32
        %mul3A_1724 = arith.muli %scan3A_1573, %mul3A_1723 : i32
        %add3A_1725 = arith.constant 3 : i32
        %add3A_1726 = arith.addi %mul3A_1724, %add3A_1725 : i32
        %mul3A_1727 = arith.constant 16 : i32
        %mul3A_1728 = arith.muli %add3A_1726, %mul3A_1727 : i32
        %get3A_1729 = arith.index_cast %mul3A_1728 : i32 to index
        %get3A_1730 = tpu.vector_load %arg12[%get3A_1729] {strides = array<i32>} : memref<4096xf32, #tpu.memory_space<vmem>>, vector<16xf32>,
        %get3A_1731 = vector.shape_cast %get3A_1730 : vector<16xf32> to vector<16xf32>
        %get3A_1732 = arith.index_cast %mul3A_1728 : i32 to index
        %get3A_1733 = tpu.vector_load %arg13[%get3A_1732] {strides = array<i32>} : memref<4096xf32, #tpu.memory_space<vmem>>, vector<16xf32>,
        %get3A_1734 = vector.shape_cast %get3A_1733 : vector<16xf32> to vector<16xf32>
        %get3A_1735 = arith.constant 0 : i32
        %get3A_1736 = arith.index_cast %get3A_1735 : i32 to index
        %get3A_1737 = arith.index_cast %mul3A_1728 : i32 to index
        %get3A_1738 = tpu.vector_load %arg9[%get3A_1736, %get3A_1737] {strides = array<i32>} : memref<4x4096xf32, #tpu.memory_space<vmem>>, vector<1x16xf32>,
        %get3A_1739 = vector.shape_cast %get3A_1738 : vector<1x16xf32> to vector<16xf32>
        %mul3A_1740 = arith.mulf %get3A_1739, %get3A_1731 : vector<16xf32>
        %get3A_1741 = arith.constant 0 : i32
        %get3A_1742 = arith.index_cast %get3A_1741 : i32 to index
        %get3A_1743 = arith.index_cast %mul3A_1728 : i32 to index
        %get3A_1744 = tpu.vector_load %arg11[%get3A_1742, %get3A_1743] {strides = array<i32>} : memref<4x4096xf32, #tpu.memory_space<vmem>>, vector<1x16xf32>,
        %get3A_1745 = vector.shape_cast %get3A_1744 : vector<1x16xf32> to vector<16xf32>
        %mul3A_1746 = arith.mulf %get3A_1745, %get3A_1734 : vector<16xf32>
        %get3A_1747 = arith.constant 1 : i32
        %get3A_1748 = arith.index_cast %get3A_1747 : i32 to index
        %get3A_1749 = arith.index_cast %mul3A_1728 : i32 to index
        %get3A_1750 = tpu.vector_load %arg9[%get3A_1748, %get3A_1749] {strides = array<i32>} : memref<4x4096xf32, #tpu.memory_space<vmem>>, vector<1x16xf32>,
        %get3A_1751 = vector.shape_cast %get3A_1750 : vector<1x16xf32> to vector<16xf32>
        %mul3A_1752 = arith.mulf %get3A_1751, %get3A_1731 : vector<16xf32>
        %get3A_1753 = arith.constant 1 : i32
        %get3A_1754 = arith.index_cast %get3A_1753 : i32 to index
        %get3A_1755 = arith.index_cast %mul3A_1728 : i32 to index
        %get3A_1756 = tpu.vector_load %arg11[%get3A_1754, %get3A_1755] {strides = array<i32>} : memref<4x4096xf32, #tpu.memory_space<vmem>>, vector<1x16xf32>,
        %get3A_1757 = vector.shape_cast %get3A_1756 : vector<1x16xf32> to vector<16xf32>
        %mul3A_1758 = arith.mulf %get3A_1757, %get3A_1734 : vector<16xf32>
        %mul3A_1759 = arith.mulf %mul3A_1740, %mul3A_1758 : vector<16xf32>
        %add3A_1760 = arith.addf %add3A_1712, %mul3A_1759 : vector<16xf32>
        %mul3A_1761 = arith.mulf %mul3A_1746, %mul3A_1752 : vector<16xf32>
        %add3A_1762 = arith.addf %add3A_1714, %mul3A_1761 : vector<16xf32>
        %mul3A_1763 = arith.mulf %mul3A_1740, %mul3A_1740 : vector<16xf32>
        %add3A_1764 = arith.addf %add3A_1716, %mul3A_1763 : vector<16xf32>
        %mul3A_1765 = arith.mulf %mul3A_1746, %mul3A_1746 : vector<16xf32>
        %add3A_1766 = arith.addf %add3A_1718, %mul3A_1765 : vector<16xf32>
        %mul3A_1767 = arith.mulf %mul3A_1752, %mul3A_1752 : vector<16xf32>
        %add3A_1768 = arith.addf %add3A_1720, %mul3A_1767 : vector<16xf32>
        %mul3A_1769 = arith.mulf %mul3A_1758, %mul3A_1758 : vector<16xf32>
        %add3A_1770 = arith.addf %add3A_1722, %mul3A_1769 : vector<16xf32>
        scf.yield %add3A_1760, %add3A_1762, %add3A_1764, %add3A_1766, %add3A_1768, %add3A_1770 : vector<16xf32>, vector<16xf32>, vector<16xf32>, vector<16xf32>, vector<16xf32>, vector<16xf32>
      }
      %scan3A_821 = arith.constant 64 : i32
      %mul3A_822 = arith.constant 2 : i32
      %mul3A_823 = arith.muli %add3A_802, %mul3A_822 : i32
      %add3A_824 = arith.constant 0 : i32
      %add3A_825 = arith.addi %mul3A_823, %add3A_824 : i32
      %eq3A_826 = arith.constant 0 : i32
      %eq3A_827 = vector.broadcast %eq3A_826 : i32 to vector<16xi32>
      %eq3A_828 = arith.cmpi eq, %iota3A_815, %eq3A_827 : vector<16xi32>
      %xor3A_829 = arith.constant 8 : i32
      %xor3A_830 = vector.broadcast %xor3A_829 : i32 to vector<16xi32>
      %xor3A_831 = arith.xori %iota3A_815, %xor3A_830 : vector<16xi32>
      %lt3A_832 = arith.constant 0 : i32
      %lt3A_833 = vector.broadcast %lt3A_832 : i32 to vector<16xi32>
      %lt3A_834 = arith.cmpi slt, %xor3A_831, %lt3A_833 : vector<16xi32>
      %add3A_835 = arith.constant 16 : i32
      %add3A_836 = vector.broadcast %add3A_835 : i32 to vector<16xi32>
      %add3A_837 = arith.addi %xor3A_831, %add3A_836 : vector<16xi32>
      %select_n3A_838 = arith.select %lt3A_834, %add3A_837, %xor3A_831 : vector<16xi1>, vector<16xi32>
      %broadcast_in_dim3A_839 = vector.shape_cast %select_n3A_838 : vector<16xi32> to vector<16x1xi32>
      %gather3A_840 = vector.shape_cast %broadcast_in_dim3A_839 : vector<16x1xi32> to vector<16xi32>
      %gather3A_841 = tpu.dynamic_gather %scan3A_820#0[%gather3A_840] in [0] : vector<16xf32>, vector<16xi32> -> vector<16xf32>
      %add3A_842 = arith.addf %scan3A_820#0, %gather3A_841 : vector<16xf32>
      %xor3A_843 = arith.constant 4 : i32
      %xor3A_844 = vector.broadcast %xor3A_843 : i32 to vector<16xi32>
      %xor3A_845 = arith.xori %iota3A_815, %xor3A_844 : vector<16xi32>
      %lt3A_846 = arith.constant 0 : i32
      %lt3A_847 = vector.broadcast %lt3A_846 : i32 to vector<16xi32>
      %lt3A_848 = arith.cmpi slt, %xor3A_845, %lt3A_847 : vector<16xi32>
      %add3A_849 = arith.constant 16 : i32
      %add3A_850 = vector.broadcast %add3A_849 : i32 to vector<16xi32>
      %add3A_851 = arith.addi %xor3A_845, %add3A_850 : vector<16xi32>
      %select_n3A_852 = arith.select %lt3A_848, %add3A_851, %xor3A_845 : vector<16xi1>, vector<16xi32>
      %broadcast_in_dim3A_853 = vector.shape_cast %select_n3A_852 : vector<16xi32> to vector<16x1xi32>
      %gather3A_854 = vector.shape_cast %broadcast_in_dim3A_853 : vector<16x1xi32> to vector<16xi32>
      %gather3A_855 = tpu.dynamic_gather %add3A_842[%gather3A_854] in [0] : vector<16xf32>, vector<16xi32> -> vector<16xf32>
      %add3A_856 = arith.addf %add3A_842, %gather3A_855 : vector<16xf32>
      %xor3A_857 = arith.constant 2 : i32
      %xor3A_858 = vector.broadcast %xor3A_857 : i32 to vector<16xi32>
      %xor3A_859 = arith.xori %iota3A_815, %xor3A_858 : vector<16xi32>
      %lt3A_860 = arith.constant 0 : i32
      %lt3A_861 = vector.broadcast %lt3A_860 : i32 to vector<16xi32>
      %lt3A_862 = arith.cmpi slt, %xor3A_859, %lt3A_861 : vector<16xi32>
      %add3A_863 = arith.constant 16 : i32
      %add3A_864 = vector.broadcast %add3A_863 : i32 to vector<16xi32>
      %add3A_865 = arith.addi %xor3A_859, %add3A_864 : vector<16xi32>
      %select_n3A_866 = arith.select %lt3A_862, %add3A_865, %xor3A_859 : vector<16xi1>, vector<16xi32>
      %broadcast_in_dim3A_867 = vector.shape_cast %select_n3A_866 : vector<16xi32> to vector<16x1xi32>
      %gather3A_868 = vector.shape_cast %broadcast_in_dim3A_867 : vector<16x1xi32> to vector<16xi32>
      %gather3A_869 = tpu.dynamic_gather %add3A_856[%gather3A_868] in [0] : vector<16xf32>, vector<16xi32> -> vector<16xf32>
      %add3A_870 = arith.addf %add3A_856, %gather3A_869 : vector<16xf32>
      %xor3A_871 = arith.constant 1 : i32
      %xor3A_872 = vector.broadcast %xor3A_871 : i32 to vector<16xi32>
      %xor3A_873 = arith.xori %iota3A_815, %xor3A_872 : vector<16xi32>
      %lt3A_874 = arith.constant 0 : i32
      %lt3A_875 = vector.broadcast %lt3A_874 : i32 to vector<16xi32>
      %lt3A_876 = arith.cmpi slt, %xor3A_873, %lt3A_875 : vector<16xi32>
      %add3A_877 = arith.constant 16 : i32
      %add3A_878 = vector.broadcast %add3A_877 : i32 to vector<16xi32>
      %add3A_879 = arith.addi %xor3A_873, %add3A_878 : vector<16xi32>
      %select_n3A_880 = arith.select %lt3A_876, %add3A_879, %xor3A_873 : vector<16xi1>, vector<16xi32>
      %broadcast_in_dim3A_881 = vector.shape_cast %select_n3A_880 : vector<16xi32> to vector<16x1xi32>
      %gather3A_882 = vector.shape_cast %broadcast_in_dim3A_881 : vector<16x1xi32> to vector<16xi32>
      %gather3A_883 = tpu.dynamic_gather %add3A_870[%gather3A_882] in [0] : vector<16xf32>, vector<16xi32> -> vector<16xf32>
      %add3A_884 = arith.addf %add3A_870, %gather3A_883 : vector<16xf32>
      %select_n3A_885 = arith.select %eq3A_828, %add3A_884, %broadcast_in_dim3A_28 : vector<16xi1>, vector<16xf32>
      %eq3A_886 = arith.constant 1 : i32
      %eq3A_887 = vector.broadcast %eq3A_886 : i32 to vector<16xi32>
      %eq3A_888 = arith.cmpi eq, %iota3A_815, %eq3A_887 : vector<16xi32>
      %xor3A_889 = arith.constant 8 : i32
      %xor3A_890 = vector.broadcast %xor3A_889 : i32 to vector<16xi32>
      %xor3A_891 = arith.xori %iota3A_815, %xor3A_890 : vector<16xi32>
      %lt3A_892 = arith.constant 0 : i32
      %lt3A_893 = vector.broadcast %lt3A_892 : i32 to vector<16xi32>
      %lt3A_894 = arith.cmpi slt, %xor3A_891, %lt3A_893 : vector<16xi32>
      %add3A_895 = arith.constant 16 : i32
      %add3A_896 = vector.broadcast %add3A_895 : i32 to vector<16xi32>
      %add3A_897 = arith.addi %xor3A_891, %add3A_896 : vector<16xi32>
      %select_n3A_898 = arith.select %lt3A_894, %add3A_897, %xor3A_891 : vector<16xi1>, vector<16xi32>
      %broadcast_in_dim3A_899 = vector.shape_cast %select_n3A_898 : vector<16xi32> to vector<16x1xi32>
      %gather3A_900 = vector.shape_cast %broadcast_in_dim3A_899 : vector<16x1xi32> to vector<16xi32>
      %gather3A_901 = tpu.dynamic_gather %scan3A_820#1[%gather3A_900] in [0] : vector<16xf32>, vector<16xi32> -> vector<16xf32>
      %add3A_902 = arith.addf %scan3A_820#1, %gather3A_901 : vector<16xf32>
      %xor3A_903 = arith.constant 4 : i32
      %xor3A_904 = vector.broadcast %xor3A_903 : i32 to vector<16xi32>
      %xor3A_905 = arith.xori %iota3A_815, %xor3A_904 : vector<16xi32>
      %lt3A_906 = arith.constant 0 : i32
      %lt3A_907 = vector.broadcast %lt3A_906 : i32 to vector<16xi32>
      %lt3A_908 = arith.cmpi slt, %xor3A_905, %lt3A_907 : vector<16xi32>
      %add3A_909 = arith.constant 16 : i32
      %add3A_910 = vector.broadcast %add3A_909 : i32 to vector<16xi32>
      %add3A_911 = arith.addi %xor3A_905, %add3A_910 : vector<16xi32>
      %select_n3A_912 = arith.select %lt3A_908, %add3A_911, %xor3A_905 : vector<16xi1>, vector<16xi32>
      %broadcast_in_dim3A_913 = vector.shape_cast %select_n3A_912 : vector<16xi32> to vector<16x1xi32>
      %gather3A_914 = vector.shape_cast %broadcast_in_dim3A_913 : vector<16x1xi32> to vector<16xi32>
      %gather3A_915 = tpu.dynamic_gather %add3A_902[%gather3A_914] in [0] : vector<16xf32>, vector<16xi32> -> vector<16xf32>
      %add3A_916 = arith.addf %add3A_902, %gather3A_915 : vector<16xf32>
      %xor3A_917 = arith.constant 2 : i32
      %xor3A_918 = vector.broadcast %xor3A_917 : i32 to vector<16xi32>
      %xor3A_919 = arith.xori %iota3A_815, %xor3A_918 : vector<16xi32>
      %lt3A_920 = arith.constant 0 : i32
      %lt3A_921 = vector.broadcast %lt3A_920 : i32 to vector<16xi32>
      %lt3A_922 = arith.cmpi slt, %xor3A_919, %lt3A_921 : vector<16xi32>
      %add3A_923 = arith.constant 16 : i32
      %add3A_924 = vector.broadcast %add3A_923 : i32 to vector<16xi32>
      %add3A_925 = arith.addi %xor3A_919, %add3A_924 : vector<16xi32>
      %select_n3A_926 = arith.select %lt3A_922, %add3A_925, %xor3A_919 : vector<16xi1>, vector<16xi32>
      %broadcast_in_dim3A_927 = vector.shape_cast %select_n3A_926 : vector<16xi32> to vector<16x1xi32>
      %gather3A_928 = vector.shape_cast %broadcast_in_dim3A_927 : vector<16x1xi32> to vector<16xi32>
      %gather3A_929 = tpu.dynamic_gather %add3A_916[%gather3A_928] in [0] : vector<16xf32>, vector<16xi32> -> vector<16xf32>
      %add3A_930 = arith.addf %add3A_916, %gather3A_929 : vector<16xf32>
      %xor3A_931 = arith.constant 1 : i32
      %xor3A_932 = vector.broadcast %xor3A_931 : i32 to vector<16xi32>
      %xor3A_933 = arith.xori %iota3A_815, %xor3A_932 : vector<16xi32>
      %lt3A_934 = arith.constant 0 : i32
      %lt3A_935 = vector.broadcast %lt3A_934 : i32 to vector<16xi32>
      %lt3A_936 = arith.cmpi slt, %xor3A_933, %lt3A_935 : vector<16xi32>
      %add3A_937 = arith.constant 16 : i32
      %add3A_938 = vector.broadcast %add3A_937 : i32 to vector<16xi32>
      %add3A_939 = arith.addi %xor3A_933, %add3A_938 : vector<16xi32>
      %select_n3A_940 = arith.select %lt3A_936, %add3A_939, %xor3A_933 : vector<16xi1>, vector<16xi32>
      %broadcast_in_dim3A_941 = vector.shape_cast %select_n3A_940 : vector<16xi32> to vector<16x1xi32>
      %gather3A_942 = vector.shape_cast %broadcast_in_dim3A_941 : vector<16x1xi32> to vector<16xi32>
      %gather3A_943 = tpu.dynamic_gather %add3A_930[%gather3A_942] in [0] : vector<16xf32>, vector<16xi32> -> vector<16xf32>
      %add3A_944 = arith.addf %add3A_930, %gather3A_943 : vector<16xf32>
      %select_n3A_945 = arith.select %eq3A_888, %add3A_944, %select_n3A_885 : vector<16xi1>, vector<16xf32>
      %eq3A_946 = arith.constant 2 : i32
      %eq3A_947 = vector.broadcast %eq3A_946 : i32 to vector<16xi32>
      %eq3A_948 = arith.cmpi eq, %iota3A_815, %eq3A_947 : vector<16xi32>
      %xor3A_949 = arith.constant 8 : i32
      %xor3A_950 = vector.broadcast %xor3A_949 : i32 to vector<16xi32>
      %xor3A_951 = arith.xori %iota3A_815, %xor3A_950 : vector<16xi32>
      %lt3A_952 = arith.constant 0 : i32
      %lt3A_953 = vector.broadcast %lt3A_952 : i32 to vector<16xi32>
      %lt3A_954 = arith.cmpi slt, %xor3A_951, %lt3A_953 : vector<16xi32>
      %add3A_955 = arith.constant 16 : i32
      %add3A_956 = vector.broadcast %add3A_955 : i32 to vector<16xi32>
      %add3A_957 = arith.addi %xor3A_951, %add3A_956 : vector<16xi32>
      %select_n3A_958 = arith.select %lt3A_954, %add3A_957, %xor3A_951 : vector<16xi1>, vector<16xi32>
      %broadcast_in_dim3A_959 = vector.shape_cast %select_n3A_958 : vector<16xi32> to vector<16x1xi32>
      %gather3A_960 = vector.shape_cast %broadcast_in_dim3A_959 : vector<16x1xi32> to vector<16xi32>
      %gather3A_961 = tpu.dynamic_gather %scan3A_820#2[%gather3A_960] in [0] : vector<16xf32>, vector<16xi32> -> vector<16xf32>
      %add3A_962 = arith.addf %scan3A_820#2, %gather3A_961 : vector<16xf32>
      %xor3A_963 = arith.constant 4 : i32
      %xor3A_964 = vector.broadcast %xor3A_963 : i32 to vector<16xi32>
      %xor3A_965 = arith.xori %iota3A_815, %xor3A_964 : vector<16xi32>
      %lt3A_966 = arith.constant 0 : i32
      %lt3A_967 = vector.broadcast %lt3A_966 : i32 to vector<16xi32>
      %lt3A_968 = arith.cmpi slt, %xor3A_965, %lt3A_967 : vector<16xi32>
      %add3A_969 = arith.constant 16 : i32
      %add3A_970 = vector.broadcast %add3A_969 : i32 to vector<16xi32>
      %add3A_971 = arith.addi %xor3A_965, %add3A_970 : vector<16xi32>
      %select_n3A_972 = arith.select %lt3A_968, %add3A_971, %xor3A_965 : vector<16xi1>, vector<16xi32>
      %broadcast_in_dim3A_973 = vector.shape_cast %select_n3A_972 : vector<16xi32> to vector<16x1xi32>
      %gather3A_974 = vector.shape_cast %broadcast_in_dim3A_973 : vector<16x1xi32> to vector<16xi32>
      %gather3A_975 = tpu.dynamic_gather %add3A_962[%gather3A_974] in [0] : vector<16xf32>, vector<16xi32> -> vector<16xf32>
      %add3A_976 = arith.addf %add3A_962, %gather3A_975 : vector<16xf32>
      %xor3A_977 = arith.constant 2 : i32
      %xor3A_978 = vector.broadcast %xor3A_977 : i32 to vector<16xi32>
      %xor3A_979 = arith.xori %iota3A_815, %xor3A_978 : vector<16xi32>
      %lt3A_980 = arith.constant 0 : i32
      %lt3A_981 = vector.broadcast %lt3A_980 : i32 to vector<16xi32>
      %lt3A_982 = arith.cmpi slt, %xor3A_979, %lt3A_981 : vector<16xi32>
      %add3A_983 = arith.constant 16 : i32
      %add3A_984 = vector.broadcast %add3A_983 : i32 to vector<16xi32>
      %add3A_985 = arith.addi %xor3A_979, %add3A_984 : vector<16xi32>
      %select_n3A_986 = arith.select %lt3A_982, %add3A_985, %xor3A_979 : vector<16xi1>, vector<16xi32>
      %broadcast_in_dim3A_987 = vector.shape_cast %select_n3A_986 : vector<16xi32> to vector<16x1xi32>
      %gather3A_988 = vector.shape_cast %broadcast_in_dim3A_987 : vector<16x1xi32> to vector<16xi32>
      %gather3A_989 = tpu.dynamic_gather %add3A_976[%gather3A_988] in [0] : vector<16xf32>, vector<16xi32> -> vector<16xf32>
      %add3A_990 = arith.addf %add3A_976, %gather3A_989 : vector<16xf32>
      %xor3A_991 = arith.constant 1 : i32
      %xor3A_992 = vector.broadcast %xor3A_991 : i32 to vector<16xi32>
      %xor3A_993 = arith.xori %iota3A_815, %xor3A_992 : vector<16xi32>
      %lt3A_994 = arith.constant 0 : i32
      %lt3A_995 = vector.broadcast %lt3A_994 : i32 to vector<16xi32>
      %lt3A_996 = arith.cmpi slt, %xor3A_993, %lt3A_995 : vector<16xi32>
      %add3A_997 = arith.constant 16 : i32
      %add3A_998 = vector.broadcast %add3A_997 : i32 to vector<16xi32>
      %add3A_999 = arith.addi %xor3A_993, %add3A_998 : vector<16xi32>
      %select_n3A_1000 = arith.select %lt3A_996, %add3A_999, %xor3A_993 : vector<16xi1>, vector<16xi32>
      %broadcast_in_dim3A_1001 = vector.shape_cast %select_n3A_1000 : vector<16xi32> to vector<16x1xi32>
      %gather3A_1002 = vector.shape_cast %broadcast_in_dim3A_1001 : vector<16x1xi32> to vector<16xi32>
      %gather3A_1003 = tpu.dynamic_gather %add3A_990[%gather3A_1002] in [0] : vector<16xf32>, vector<16xi32> -> vector<16xf32>
      %add3A_1004 = arith.addf %add3A_990, %gather3A_1003 : vector<16xf32>
      %select_n3A_1005 = arith.select %eq3A_948, %add3A_1004, %select_n3A_945 : vector<16xi1>, vector<16xf32>
      %eq3A_1006 = arith.constant 3 : i32
      %eq3A_1007 = vector.broadcast %eq3A_1006 : i32 to vector<16xi32>
      %eq3A_1008 = arith.cmpi eq, %iota3A_815, %eq3A_1007 : vector<16xi32>
      %xor3A_1009 = arith.constant 8 : i32
      %xor3A_1010 = vector.broadcast %xor3A_1009 : i32 to vector<16xi32>
      %xor3A_1011 = arith.xori %iota3A_815, %xor3A_1010 : vector<16xi32>
      %lt3A_1012 = arith.constant 0 : i32
      %lt3A_1013 = vector.broadcast %lt3A_1012 : i32 to vector<16xi32>
      %lt3A_1014 = arith.cmpi slt, %xor3A_1011, %lt3A_1013 : vector<16xi32>
      %add3A_1015 = arith.constant 16 : i32
      %add3A_1016 = vector.broadcast %add3A_1015 : i32 to vector<16xi32>
      %add3A_1017 = arith.addi %xor3A_1011, %add3A_1016 : vector<16xi32>
      %select_n3A_1018 = arith.select %lt3A_1014, %add3A_1017, %xor3A_1011 : vector<16xi1>, vector<16xi32>
      %broadcast_in_dim3A_1019 = vector.shape_cast %select_n3A_1018 : vector<16xi32> to vector<16x1xi32>
      %gather3A_1020 = vector.shape_cast %broadcast_in_dim3A_1019 : vector<16x1xi32> to vector<16xi32>
      %gather3A_1021 = tpu.dynamic_gather %scan3A_820#3[%gather3A_1020] in [0] : vector<16xf32>, vector<16xi32> -> vector<16xf32>
      %add3A_1022 = arith.addf %scan3A_820#3, %gather3A_1021 : vector<16xf32>
      %xor3A_1023 = arith.constant 4 : i32
      %xor3A_1024 = vector.broadcast %xor3A_1023 : i32 to vector<16xi32>
      %xor3A_1025 = arith.xori %iota3A_815, %xor3A_1024 : vector<16xi32>
      %lt3A_1026 = arith.constant 0 : i32
      %lt3A_1027 = vector.broadcast %lt3A_1026 : i32 to vector<16xi32>
      %lt3A_1028 = arith.cmpi slt, %xor3A_1025, %lt3A_1027 : vector<16xi32>
      %add3A_1029 = arith.constant 16 : i32
      %add3A_1030 = vector.broadcast %add3A_1029 : i32 to vector<16xi32>
      %add3A_1031 = arith.addi %xor3A_1025, %add3A_1030 : vector<16xi32>
      %select_n3A_1032 = arith.select %lt3A_1028, %add3A_1031, %xor3A_1025 : vector<16xi1>, vector<16xi32>
      %broadcast_in_dim3A_1033 = vector.shape_cast %select_n3A_1032 : vector<16xi32> to vector<16x1xi32>
      %gather3A_1034 = vector.shape_cast %broadcast_in_dim3A_1033 : vector<16x1xi32> to vector<16xi32>
      %gather3A_1035 = tpu.dynamic_gather %add3A_1022[%gather3A_1034] in [0] : vector<16xf32>, vector<16xi32> -> vector<16xf32>
      %add3A_1036 = arith.addf %add3A_1022, %gather3A_1035 : vector<16xf32>
      %xor3A_1037 = arith.constant 2 : i32
      %xor3A_1038 = vector.broadcast %xor3A_1037 : i32 to vector<16xi32>
      %xor3A_1039 = arith.xori %iota3A_815, %xor3A_1038 : vector<16xi32>
      %lt3A_1040 = arith.constant 0 : i32
      %lt3A_1041 = vector.broadcast %lt3A_1040 : i32 to vector<16xi32>
      %lt3A_1042 = arith.cmpi slt, %xor3A_1039, %lt3A_1041 : vector<16xi32>
      %add3A_1043 = arith.constant 16 : i32
      %add3A_1044 = vector.broadcast %add3A_1043 : i32 to vector<16xi32>
      %add3A_1045 = arith.addi %xor3A_1039, %add3A_1044 : vector<16xi32>
      %select_n3A_1046 = arith.select %lt3A_1042, %add3A_1045, %xor3A_1039 : vector<16xi1>, vector<16xi32>
      %broadcast_in_dim3A_1047 = vector.shape_cast %select_n3A_1046 : vector<16xi32> to vector<16x1xi32>
      %gather3A_1048 = vector.shape_cast %broadcast_in_dim3A_1047 : vector<16x1xi32> to vector<16xi32>
      %gather3A_1049 = tpu.dynamic_gather %add3A_1036[%gather3A_1048] in [0] : vector<16xf32>, vector<16xi32> -> vector<16xf32>
      %add3A_1050 = arith.addf %add3A_1036, %gather3A_1049 : vector<16xf32>
      %xor3A_1051 = arith.constant 1 : i32
      %xor3A_1052 = vector.broadcast %xor3A_1051 : i32 to vector<16xi32>
      %xor3A_1053 = arith.xori %iota3A_815, %xor3A_1052 : vector<16xi32>
      %lt3A_1054 = arith.constant 0 : i32
      %lt3A_1055 = vector.broadcast %lt3A_1054 : i32 to vector<16xi32>
      %lt3A_1056 = arith.cmpi slt, %xor3A_1053, %lt3A_1055 : vector<16xi32>
      %add3A_1057 = arith.constant 16 : i32
      %add3A_1058 = vector.broadcast %add3A_1057 : i32 to vector<16xi32>
      %add3A_1059 = arith.addi %xor3A_1053, %add3A_1058 : vector<16xi32>
      %select_n3A_1060 = arith.select %lt3A_1056, %add3A_1059, %xor3A_1053 : vector<16xi1>, vector<16xi32>
      %broadcast_in_dim3A_1061 = vector.shape_cast %select_n3A_1060 : vector<16xi32> to vector<16x1xi32>
      %gather3A_1062 = vector.shape_cast %broadcast_in_dim3A_1061 : vector<16x1xi32> to vector<16xi32>
      %gather3A_1063 = tpu.dynamic_gather %add3A_1050[%gather3A_1062] in [0] : vector<16xf32>, vector<16xi32> -> vector<16xf32>
      %add3A_1064 = arith.addf %add3A_1050, %gather3A_1063 : vector<16xf32>
      %select_n3A_1065 = arith.select %eq3A_1008, %add3A_1064, %select_n3A_1005 : vector<16xi1>, vector<16xf32>
      %eq3A_1066 = arith.constant 4 : i32
      %eq3A_1067 = vector.broadcast %eq3A_1066 : i32 to vector<16xi32>
      %eq3A_1068 = arith.cmpi eq, %iota3A_815, %eq3A_1067 : vector<16xi32>
      %xor3A_1069 = arith.constant 8 : i32
      %xor3A_1070 = vector.broadcast %xor3A_1069 : i32 to vector<16xi32>
      %xor3A_1071 = arith.xori %iota3A_815, %xor3A_1070 : vector<16xi32>
      %lt3A_1072 = arith.constant 0 : i32
      %lt3A_1073 = vector.broadcast %lt3A_1072 : i32 to vector<16xi32>
      %lt3A_1074 = arith.cmpi slt, %xor3A_1071, %lt3A_1073 : vector<16xi32>
      %add3A_1075 = arith.constant 16 : i32
      %add3A_1076 = vector.broadcast %add3A_1075 : i32 to vector<16xi32>
      %add3A_1077 = arith.addi %xor3A_1071, %add3A_1076 : vector<16xi32>
      %select_n3A_1078 = arith.select %lt3A_1074, %add3A_1077, %xor3A_1071 : vector<16xi1>, vector<16xi32>
      %broadcast_in_dim3A_1079 = vector.shape_cast %select_n3A_1078 : vector<16xi32> to vector<16x1xi32>
      %gather3A_1080 = vector.shape_cast %broadcast_in_dim3A_1079 : vector<16x1xi32> to vector<16xi32>
      %gather3A_1081 = tpu.dynamic_gather %scan3A_820#4[%gather3A_1080] in [0] : vector<16xf32>, vector<16xi32> -> vector<16xf32>
      %add3A_1082 = arith.addf %scan3A_820#4, %gather3A_1081 : vector<16xf32>
      %xor3A_1083 = arith.constant 4 : i32
      %xor3A_1084 = vector.broadcast %xor3A_1083 : i32 to vector<16xi32>
      %xor3A_1085 = arith.xori %iota3A_815, %xor3A_1084 : vector<16xi32>
      %lt3A_1086 = arith.constant 0 : i32
      %lt3A_1087 = vector.broadcast %lt3A_1086 : i32 to vector<16xi32>
      %lt3A_1088 = arith.cmpi slt, %xor3A_1085, %lt3A_1087 : vector<16xi32>
      %add3A_1089 = arith.constant 16 : i32
      %add3A_1090 = vector.broadcast %add3A_1089 : i32 to vector<16xi32>
      %add3A_1091 = arith.addi %xor3A_1085, %add3A_1090 : vector<16xi32>
      %select_n3A_1092 = arith.select %lt3A_1088, %add3A_1091, %xor3A_1085 : vector<16xi1>, vector<16xi32>
      %broadcast_in_dim3A_1093 = vector.shape_cast %select_n3A_1092 : vector<16xi32> to vector<16x1xi32>
      %gather3A_1094 = vector.shape_cast %broadcast_in_dim3A_1093 : vector<16x1xi32> to vector<16xi32>
      %gather3A_1095 = tpu.dynamic_gather %add3A_1082[%gather3A_1094] in [0] : vector<16xf32>, vector<16xi32> -> vector<16xf32>
      %add3A_1096 = arith.addf %add3A_1082, %gather3A_1095 : vector<16xf32>
      %xor3A_1097 = arith.constant 2 : i32
      %xor3A_1098 = vector.broadcast %xor3A_1097 : i32 to vector<16xi32>
      %xor3A_1099 = arith.xori %iota3A_815, %xor3A_1098 : vector<16xi32>
      %lt3A_1100 = arith.constant 0 : i32
      %lt3A_1101 = vector.broadcast %lt3A_1100 : i32 to vector<16xi32>
      %lt3A_1102 = arith.cmpi slt, %xor3A_1099, %lt3A_1101 : vector<16xi32>
      %add3A_1103 = arith.constant 16 : i32
      %add3A_1104 = vector.broadcast %add3A_1103 : i32 to vector<16xi32>
      %add3A_1105 = arith.addi %xor3A_1099, %add3A_1104 : vector<16xi32>
      %select_n3A_1106 = arith.select %lt3A_1102, %add3A_1105, %xor3A_1099 : vector<16xi1>, vector<16xi32>
      %broadcast_in_dim3A_1107 = vector.shape_cast %select_n3A_1106 : vector<16xi32> to vector<16x1xi32>
      %gather3A_1108 = vector.shape_cast %broadcast_in_dim3A_1107 : vector<16x1xi32> to vector<16xi32>
      %gather3A_1109 = tpu.dynamic_gather %add3A_1096[%gather3A_1108] in [0] : vector<16xf32>, vector<16xi32> -> vector<16xf32>
      %add3A_1110 = arith.addf %add3A_1096, %gather3A_1109 : vector<16xf32>
      %xor3A_1111 = arith.constant 1 : i32
      %xor3A_1112 = vector.broadcast %xor3A_1111 : i32 to vector<16xi32>
      %xor3A_1113 = arith.xori %iota3A_815, %xor3A_1112 : vector<16xi32>
      %lt3A_1114 = arith.constant 0 : i32
      %lt3A_1115 = vector.broadcast %lt3A_1114 : i32 to vector<16xi32>
      %lt3A_1116 = arith.cmpi slt, %xor3A_1113, %lt3A_1115 : vector<16xi32>
      %add3A_1117 = arith.constant 16 : i32
      %add3A_1118 = vector.broadcast %add3A_1117 : i32 to vector<16xi32>
      %add3A_1119 = arith.addi %xor3A_1113, %add3A_1118 : vector<16xi32>
      %select_n3A_1120 = arith.select %lt3A_1116, %add3A_1119, %xor3A_1113 : vector<16xi1>, vector<16xi32>
      %broadcast_in_dim3A_1121 = vector.shape_cast %select_n3A_1120 : vector<16xi32> to vector<16x1xi32>
      %gather3A_1122 = vector.shape_cast %broadcast_in_dim3A_1121 : vector<16x1xi32> to vector<16xi32>
      %gather3A_1123 = tpu.dynamic_gather %add3A_1110[%gather3A_1122] in [0] : vector<16xf32>, vector<16xi32> -> vector<16xf32>
      %add3A_1124 = arith.addf %add3A_1110, %gather3A_1123 : vector<16xf32>
      %select_n3A_1125 = arith.select %eq3A_1068, %add3A_1124, %select_n3A_1065 : vector<16xi1>, vector<16xf32>
      %eq3A_1126 = arith.constant 5 : i32
      %eq3A_1127 = vector.broadcast %eq3A_1126 : i32 to vector<16xi32>
      %eq3A_1128 = arith.cmpi eq, %iota3A_815, %eq3A_1127 : vector<16xi32>
      %xor3A_1129 = arith.constant 8 : i32
      %xor3A_1130 = vector.broadcast %xor3A_1129 : i32 to vector<16xi32>
      %xor3A_1131 = arith.xori %iota3A_815, %xor3A_1130 : vector<16xi32>
      %lt3A_1132 = arith.constant 0 : i32
      %lt3A_1133 = vector.broadcast %lt3A_1132 : i32 to vector<16xi32>
      %lt3A_1134 = arith.cmpi slt, %xor3A_1131, %lt3A_1133 : vector<16xi32>
      %add3A_1135 = arith.constant 16 : i32
      %add3A_1136 = vector.broadcast %add3A_1135 : i32 to vector<16xi32>
      %add3A_1137 = arith.addi %xor3A_1131, %add3A_1136 : vector<16xi32>
      %select_n3A_1138 = arith.select %lt3A_1134, %add3A_1137, %xor3A_1131 : vector<16xi1>, vector<16xi32>
      %broadcast_in_dim3A_1139 = vector.shape_cast %select_n3A_1138 : vector<16xi32> to vector<16x1xi32>
      %gather3A_1140 = vector.shape_cast %broadcast_in_dim3A_1139 : vector<16x1xi32> to vector<16xi32>
      %gather3A_1141 = tpu.dynamic_gather %scan3A_820#5[%gather3A_1140] in [0] : vector<16xf32>, vector<16xi32> -> vector<16xf32>
      %add3A_1142 = arith.addf %scan3A_820#5, %gather3A_1141 : vector<16xf32>
      %xor3A_1143 = arith.constant 4 : i32
      %xor3A_1144 = vector.broadcast %xor3A_1143 : i32 to vector<16xi32>
      %xor3A_1145 = arith.xori %iota3A_815, %xor3A_1144 : vector<16xi32>
      %lt3A_1146 = arith.constant 0 : i32
      %lt3A_1147 = vector.broadcast %lt3A_1146 : i32 to vector<16xi32>
      %lt3A_1148 = arith.cmpi slt, %xor3A_1145, %lt3A_1147 : vector<16xi32>
      %add3A_1149 = arith.constant 16 : i32
      %add3A_1150 = vector.broadcast %add3A_1149 : i32 to vector<16xi32>
      %add3A_1151 = arith.addi %xor3A_1145, %add3A_1150 : vector<16xi32>
      %select_n3A_1152 = arith.select %lt3A_1148, %add3A_1151, %xor3A_1145 : vector<16xi1>, vector<16xi32>
      %broadcast_in_dim3A_1153 = vector.shape_cast %select_n3A_1152 : vector<16xi32> to vector<16x1xi32>
      %gather3A_1154 = vector.shape_cast %broadcast_in_dim3A_1153 : vector<16x1xi32> to vector<16xi32>
      %gather3A_1155 = tpu.dynamic_gather %add3A_1142[%gather3A_1154] in [0] : vector<16xf32>, vector<16xi32> -> vector<16xf32>
      %add3A_1156 = arith.addf %add3A_1142, %gather3A_1155 : vector<16xf32>
      %xor3A_1157 = arith.constant 2 : i32
      %xor3A_1158 = vector.broadcast %xor3A_1157 : i32 to vector<16xi32>
      %xor3A_1159 = arith.xori %iota3A_815, %xor3A_1158 : vector<16xi32>
      %lt3A_1160 = arith.constant 0 : i32
      %lt3A_1161 = vector.broadcast %lt3A_1160 : i32 to vector<16xi32>
      %lt3A_1162 = arith.cmpi slt, %xor3A_1159, %lt3A_1161 : vector<16xi32>
      %add3A_1163 = arith.constant 16 : i32
      %add3A_1164 = vector.broadcast %add3A_1163 : i32 to vector<16xi32>
      %add3A_1165 = arith.addi %xor3A_1159, %add3A_1164 : vector<16xi32>
      %select_n3A_1166 = arith.select %lt3A_1162, %add3A_1165, %xor3A_1159 : vector<16xi1>, vector<16xi32>
      %broadcast_in_dim3A_1167 = vector.shape_cast %select_n3A_1166 : vector<16xi32> to vector<16x1xi32>
      %gather3A_1168 = vector.shape_cast %broadcast_in_dim3A_1167 : vector<16x1xi32> to vector<16xi32>
      %gather3A_1169 = tpu.dynamic_gather %add3A_1156[%gather3A_1168] in [0] : vector<16xf32>, vector<16xi32> -> vector<16xf32>
      %add3A_1170 = arith.addf %add3A_1156, %gather3A_1169 : vector<16xf32>
      %xor3A_1171 = arith.constant 1 : i32
      %xor3A_1172 = vector.broadcast %xor3A_1171 : i32 to vector<16xi32>
      %xor3A_1173 = arith.xori %iota3A_815, %xor3A_1172 : vector<16xi32>
      %lt3A_1174 = arith.constant 0 : i32
      %lt3A_1175 = vector.broadcast %lt3A_1174 : i32 to vector<16xi32>
      %lt3A_1176 = arith.cmpi slt, %xor3A_1173, %lt3A_1175 : vector<16xi32>
      %add3A_1177 = arith.constant 16 : i32
      %add3A_1178 = vector.broadcast %add3A_1177 : i32 to vector<16xi32>
      %add3A_1179 = arith.addi %xor3A_1173, %add3A_1178 : vector<16xi32>
      %select_n3A_1180 = arith.select %lt3A_1176, %add3A_1179, %xor3A_1173 : vector<16xi1>, vector<16xi32>
      %broadcast_in_dim3A_1181 = vector.shape_cast %select_n3A_1180 : vector<16xi32> to vector<16x1xi32>
      %gather3A_1182 = vector.shape_cast %broadcast_in_dim3A_1181 : vector<16x1xi32> to vector<16xi32>
      %gather3A_1183 = tpu.dynamic_gather %add3A_1170[%gather3A_1182] in [0] : vector<16xf32>, vector<16xi32> -> vector<16xf32>
      %add3A_1184 = arith.addf %add3A_1170, %gather3A_1183 : vector<16xf32>
      %select_n3A_1185 = arith.select %eq3A_1128, %add3A_1184, %select_n3A_1125 : vector<16xi1>, vector<16xf32>
      %swap3A_1186 = arith.index_cast %add3A_825 : i32 to index
      %swap3A_1187 = arith.constant 0 : index
      %swap3A_1188 = tpu.vector_load %arg15[%swap3A_1186, %swap3A_1187] {strides = array<i32>} : memref<128x16xf32, #tpu.memory_space<vmem>>, vector<1x16xf32>,
      %swap3A_1189 = vector.shape_cast %swap3A_1188 : vector<1x16xf32> to vector<16xf32>
      %swap3A_1190 = vector.shape_cast %select_n3A_1185 : vector<16xf32> to vector<1x16xf32>
      tpu.vector_store %arg15[%swap3A_1186, %swap3A_1187], %swap3A_1190 {strides = array<i32>} : memref<128x16xf32, #tpu.memory_space<vmem>>, vector<1x16xf32>,
      %scan3A_1191 = arith.constant 0 : i32
      %scan3A_1192 = arith.constant 64 : i32
      %scan3A_1193 = arith.addi %scan3A_1191, %scan3A_1192 : i32
      %scan3A_1194 = arith.constant 1 : i32
      %scan3A_1195:6 = scf.for %scan3A_1573 = %scan3A_1191 to %scan3A_1193 step %scan3A_1194 iter_args(%scan3A_1574 = %broadcast_in_dim3A_28, %scan3A_1575 = %broadcast_in_dim3A_28, %scan3A_1576 = %broadcast_in_dim3A_28, %scan3A_1577 = %broadcast_in_dim3A_28, %scan3A_1578 = %broadcast_in_dim3A_28, %scan3A_1579 = %broadcast_in_dim3A_28) -> (vector<16xf32>, vector<16xf32>, vector<16xf32>, vector<16xf32>, vector<16xf32>, vector<16xf32>)  : i32 {
        %mul3A_1580 = arith.constant 4 : i32
        %mul3A_1581 = arith.muli %scan3A_1573, %mul3A_1580 : i32
        %add3A_1582 = arith.constant 0 : i32
        %add3A_1583 = arith.addi %mul3A_1581, %add3A_1582 : i32
        %mul3A_1584 = arith.constant 16 : i32
        %mul3A_1585 = arith.muli %add3A_1583, %mul3A_1584 : i32
        %get3A = arith.index_cast %mul3A_1585 : i32 to index
        %get3A_1586 = tpu.vector_load %arg12[%get3A] {strides = array<i32>} : memref<4096xf32, #tpu.memory_space<vmem>>, vector<16xf32>,
        %get3A_1587 = vector.shape_cast %get3A_1586 : vector<16xf32> to vector<16xf32>
        %get3A_1588 = arith.index_cast %mul3A_1585 : i32 to index
        %get3A_1589 = tpu.vector_load %arg13[%get3A_1588] {strides = array<i32>} : memref<4096xf32, #tpu.memory_space<vmem>>, vector<16xf32>,
        %get3A_1590 = vector.shape_cast %get3A_1589 : vector<16xf32> to vector<16xf32>
        %get3A_1591 = arith.constant 2 : i32
        %get3A_1592 = arith.index_cast %get3A_1591 : i32 to index
        %get3A_1593 = arith.index_cast %mul3A_1585 : i32 to index
        %get3A_1594 = tpu.vector_load %arg9[%get3A_1592, %get3A_1593] {strides = array<i32>} : memref<4x4096xf32, #tpu.memory_space<vmem>>, vector<1x16xf32>,
        %get3A_1595 = vector.shape_cast %get3A_1594 : vector<1x16xf32> to vector<16xf32>
        %mul3A_1596 = arith.mulf %get3A_1595, %get3A_1587 : vector<16xf32>
        %get3A_1597 = arith.constant 2 : i32
        %get3A_1598 = arith.index_cast %get3A_1597 : i32 to index
        %get3A_1599 = arith.index_cast %mul3A_1585 : i32 to index
        %get3A_1600 = tpu.vector_load %arg11[%get3A_1598, %get3A_1599] {strides = array<i32>} : memref<4x4096xf32, #tpu.memory_space<vmem>>, vector<1x16xf32>,
        %get3A_1601 = vector.shape_cast %get3A_1600 : vector<1x16xf32> to vector<16xf32>
        %mul3A_1602 = arith.mulf %get3A_1601, %get3A_1590 : vector<16xf32>
        %get3A_1603 = arith.constant 3 : i32
        %get3A_1604 = arith.index_cast %get3A_1603 : i32 to index
        %get3A_1605 = arith.index_cast %mul3A_1585 : i32 to index
        %get3A_1606 = tpu.vector_load %arg9[%get3A_1604, %get3A_1605] {strides = array<i32>} : memref<4x4096xf32, #tpu.memory_space<vmem>>, vector<1x16xf32>,
        %get3A_1607 = vector.shape_cast %get3A_1606 : vector<1x16xf32> to vector<16xf32>
        %mul3A_1608 = arith.mulf %get3A_1607, %get3A_1587 : vector<16xf32>
        %get3A_1609 = arith.constant 3 : i32
        %get3A_1610 = arith.index_cast %get3A_1609 : i32 to index
        %get3A_1611 = arith.index_cast %mul3A_1585 : i32 to index
        %get3A_1612 = tpu.vector_load %arg11[%get3A_1610, %get3A_1611] {strides = array<i32>} : memref<4x4096xf32, #tpu.memory_space<vmem>>, vector<1x16xf32>,
        %get3A_1613 = vector.shape_cast %get3A_1612 : vector<1x16xf32> to vector<16xf32>
        %mul3A_1614 = arith.mulf %get3A_1613, %get3A_1590 : vector<16xf32>
        %mul3A_1615 = arith.mulf %mul3A_1596, %mul3A_1614 : vector<16xf32>
        %add3A_1616 = arith.addf %scan3A_1574, %mul3A_1615 : vector<16xf32>
        %mul3A_1617 = arith.mulf %mul3A_1602, %mul3A_1608 : vector<16xf32>
        %add3A_1618 = arith.addf %scan3A_1575, %mul3A_1617 : vector<16xf32>
        %mul3A_1619 = arith.mulf %mul3A_1596, %mul3A_1596 : vector<16xf32>
        %add3A_1620 = arith.addf %scan3A_1576, %mul3A_1619 : vector<16xf32>
        %mul3A_1621 = arith.mulf %mul3A_1602, %mul3A_1602 : vector<16xf32>
        %add3A_1622 = arith.addf %scan3A_1577, %mul3A_1621 : vector<16xf32>
        %mul3A_1623 = arith.mulf %mul3A_1608, %mul3A_1608 : vector<16xf32>
        %add3A_1624 = arith.addf %scan3A_1578, %mul3A_1623 : vector<16xf32>
        %mul3A_1625 = arith.mulf %mul3A_1614, %mul3A_1614 : vector<16xf32>
        %add3A_1626 = arith.addf %scan3A_1579, %mul3A_1625 : vector<16xf32>
        %mul3A_1627 = arith.constant 4 : i32
        %mul3A_1628 = arith.muli %scan3A_1573, %mul3A_1627 : i32
        %add3A_1629 = arith.constant 1 : i32
        %add3A_1630 = arith.addi %mul3A_1628, %add3A_1629 : i32
        %mul3A_1631 = arith.constant 16 : i32
        %mul3A_1632 = arith.muli %add3A_1630, %mul3A_1631 : i32
        %get3A_1633 = arith.index_cast %mul3A_1632 : i32 to index
        %get3A_1634 = tpu.vector_load %arg12[%get3A_1633] {strides = array<i32>} : memref<4096xf32, #tpu.memory_space<vmem>>, vector<16xf32>,
        %get3A_1635 = vector.shape_cast %get3A_1634 : vector<16xf32> to vector<16xf32>
        %get3A_1636 = arith.index_cast %mul3A_1632 : i32 to index
        %get3A_1637 = tpu.vector_load %arg13[%get3A_1636] {strides = array<i32>} : memref<4096xf32, #tpu.memory_space<vmem>>, vector<16xf32>,
        %get3A_1638 = vector.shape_cast %get3A_1637 : vector<16xf32> to vector<16xf32>
        %get3A_1639 = arith.constant 2 : i32
        %get3A_1640 = arith.index_cast %get3A_1639 : i32 to index
        %get3A_1641 = arith.index_cast %mul3A_1632 : i32 to index
        %get3A_1642 = tpu.vector_load %arg9[%get3A_1640, %get3A_1641] {strides = array<i32>} : memref<4x4096xf32, #tpu.memory_space<vmem>>, vector<1x16xf32>,
        %get3A_1643 = vector.shape_cast %get3A_1642 : vector<1x16xf32> to vector<16xf32>
        %mul3A_1644 = arith.mulf %get3A_1643, %get3A_1635 : vector<16xf32>
        %get3A_1645 = arith.constant 2 : i32
        %get3A_1646 = arith.index_cast %get3A_1645 : i32 to index
        %get3A_1647 = arith.index_cast %mul3A_1632 : i32 to index
        %get3A_1648 = tpu.vector_load %arg11[%get3A_1646, %get3A_1647] {strides = array<i32>} : memref<4x4096xf32, #tpu.memory_space<vmem>>, vector<1x16xf32>,
        %get3A_1649 = vector.shape_cast %get3A_1648 : vector<1x16xf32> to vector<16xf32>
        %mul3A_1650 = arith.mulf %get3A_1649, %get3A_1638 : vector<16xf32>
        %get3A_1651 = arith.constant 3 : i32
        %get3A_1652 = arith.index_cast %get3A_1651 : i32 to index
        %get3A_1653 = arith.index_cast %mul3A_1632 : i32 to index
        %get3A_1654 = tpu.vector_load %arg9[%get3A_1652, %get3A_1653] {strides = array<i32>} : memref<4x4096xf32, #tpu.memory_space<vmem>>, vector<1x16xf32>,
        %get3A_1655 = vector.shape_cast %get3A_1654 : vector<1x16xf32> to vector<16xf32>
        %mul3A_1656 = arith.mulf %get3A_1655, %get3A_1635 : vector<16xf32>
        %get3A_1657 = arith.constant 3 : i32
        %get3A_1658 = arith.index_cast %get3A_1657 : i32 to index
        %get3A_1659 = arith.index_cast %mul3A_1632 : i32 to index
        %get3A_1660 = tpu.vector_load %arg11[%get3A_1658, %get3A_1659] {strides = array<i32>} : memref<4x4096xf32, #tpu.memory_space<vmem>>, vector<1x16xf32>,
        %get3A_1661 = vector.shape_cast %get3A_1660 : vector<1x16xf32> to vector<16xf32>
        %mul3A_1662 = arith.mulf %get3A_1661, %get3A_1638 : vector<16xf32>
        %mul3A_1663 = arith.mulf %mul3A_1644, %mul3A_1662 : vector<16xf32>
        %add3A_1664 = arith.addf %add3A_1616, %mul3A_1663 : vector<16xf32>
        %mul3A_1665 = arith.mulf %mul3A_1650, %mul3A_1656 : vector<16xf32>
        %add3A_1666 = arith.addf %add3A_1618, %mul3A_1665 : vector<16xf32>
        %mul3A_1667 = arith.mulf %mul3A_1644, %mul3A_1644 : vector<16xf32>
        %add3A_1668 = arith.addf %add3A_1620, %mul3A_1667 : vector<16xf32>
        %mul3A_1669 = arith.mulf %mul3A_1650, %mul3A_1650 : vector<16xf32>
        %add3A_1670 = arith.addf %add3A_1622, %mul3A_1669 : vector<16xf32>
        %mul3A_1671 = arith.mulf %mul3A_1656, %mul3A_1656 : vector<16xf32>
        %add3A_1672 = arith.addf %add3A_1624, %mul3A_1671 : vector<16xf32>
        %mul3A_1673 = arith.mulf %mul3A_1662, %mul3A_1662 : vector<16xf32>
        %add3A_1674 = arith.addf %add3A_1626, %mul3A_1673 : vector<16xf32>
        %mul3A_1675 = arith.constant 4 : i32
        %mul3A_1676 = arith.muli %scan3A_1573, %mul3A_1675 : i32
        %add3A_1677 = arith.constant 2 : i32
        %add3A_1678 = arith.addi %mul3A_1676, %add3A_1677 : i32
        %mul3A_1679 = arith.constant 16 : i32
        %mul3A_1680 = arith.muli %add3A_1678, %mul3A_1679 : i32
        %get3A_1681 = arith.index_cast %mul3A_1680 : i32 to index
        %get3A_1682 = tpu.vector_load %arg12[%get3A_1681] {strides = array<i32>} : memref<4096xf32, #tpu.memory_space<vmem>>, vector<16xf32>,
        %get3A_1683 = vector.shape_cast %get3A_1682 : vector<16xf32> to vector<16xf32>
        %get3A_1684 = arith.index_cast %mul3A_1680 : i32 to index
        %get3A_1685 = tpu.vector_load %arg13[%get3A_1684] {strides = array<i32>} : memref<4096xf32, #tpu.memory_space<vmem>>, vector<16xf32>,
        %get3A_1686 = vector.shape_cast %get3A_1685 : vector<16xf32> to vector<16xf32>
        %get3A_1687 = arith.constant 2 : i32
        %get3A_1688 = arith.index_cast %get3A_1687 : i32 to index
        %get3A_1689 = arith.index_cast %mul3A_1680 : i32 to index
        %get3A_1690 = tpu.vector_load %arg9[%get3A_1688, %get3A_1689] {strides = array<i32>} : memref<4x4096xf32, #tpu.memory_space<vmem>>, vector<1x16xf32>,
        %get3A_1691 = vector.shape_cast %get3A_1690 : vector<1x16xf32> to vector<16xf32>
        %mul3A_1692 = arith.mulf %get3A_1691, %get3A_1683 : vector<16xf32>
        %get3A_1693 = arith.constant 2 : i32
        %get3A_1694 = arith.index_cast %get3A_1693 : i32 to index
        %get3A_1695 = arith.index_cast %mul3A_1680 : i32 to index
        %get3A_1696 = tpu.vector_load %arg11[%get3A_1694, %get3A_1695] {strides = array<i32>} : memref<4x4096xf32, #tpu.memory_space<vmem>>, vector<1x16xf32>,
        %get3A_1697 = vector.shape_cast %get3A_1696 : vector<1x16xf32> to vector<16xf32>
        %mul3A_1698 = arith.mulf %get3A_1697, %get3A_1686 : vector<16xf32>
        %get3A_1699 = arith.constant 3 : i32
        %get3A_1700 = arith.index_cast %get3A_1699 : i32 to index
        %get3A_1701 = arith.index_cast %mul3A_1680 : i32 to index
        %get3A_1702 = tpu.vector_load %arg9[%get3A_1700, %get3A_1701] {strides = array<i32>} : memref<4x4096xf32, #tpu.memory_space<vmem>>, vector<1x16xf32>,
        %get3A_1703 = vector.shape_cast %get3A_1702 : vector<1x16xf32> to vector<16xf32>
        %mul3A_1704 = arith.mulf %get3A_1703, %get3A_1683 : vector<16xf32>
        %get3A_1705 = arith.constant 3 : i32
        %get3A_1706 = arith.index_cast %get3A_1705 : i32 to index
        %get3A_1707 = arith.index_cast %mul3A_1680 : i32 to index
        %get3A_1708 = tpu.vector_load %arg11[%get3A_1706, %get3A_1707] {strides = array<i32>} : memref<4x4096xf32, #tpu.memory_space<vmem>>, vector<1x16xf32>,
        %get3A_1709 = vector.shape_cast %get3A_1708 : vector<1x16xf32> to vector<16xf32>
        %mul3A_1710 = arith.mulf %get3A_1709, %get3A_1686 : vector<16xf32>
        %mul3A_1711 = arith.mulf %mul3A_1692, %mul3A_1710 : vector<16xf32>
        %add3A_1712 = arith.addf %add3A_1664, %mul3A_1711 : vector<16xf32>
        %mul3A_1713 = arith.mulf %mul3A_1698, %mul3A_1704 : vector<16xf32>
        %add3A_1714 = arith.addf %add3A_1666, %mul3A_1713 : vector<16xf32>
        %mul3A_1715 = arith.mulf %mul3A_1692, %mul3A_1692 : vector<16xf32>
        %add3A_1716 = arith.addf %add3A_1668, %mul3A_1715 : vector<16xf32>
        %mul3A_1717 = arith.mulf %mul3A_1698, %mul3A_1698 : vector<16xf32>
        %add3A_1718 = arith.addf %add3A_1670, %mul3A_1717 : vector<16xf32>
        %mul3A_1719 = arith.mulf %mul3A_1704, %mul3A_1704 : vector<16xf32>
        %add3A_1720 = arith.addf %add3A_1672, %mul3A_1719 : vector<16xf32>
        %mul3A_1721 = arith.mulf %mul3A_1710, %mul3A_1710 : vector<16xf32>
        %add3A_1722 = arith.addf %add3A_1674, %mul3A_1721 : vector<16xf32>
        %mul3A_1723 = arith.constant 4 : i32
        %mul3A_1724 = arith.muli %scan3A_1573, %mul3A_1723 : i32
        %add3A_1725 = arith.constant 3 : i32
        %add3A_1726 = arith.addi %mul3A_1724, %add3A_1725 : i32
        %mul3A_1727 = arith.constant 16 : i32
        %mul3A_1728 = arith.muli %add3A_1726, %mul3A_1727 : i32
        %get3A_1729 = arith.index_cast %mul3A_1728 : i32 to index
        %get3A_1730 = tpu.vector_load %arg12[%get3A_1729] {strides = array<i32>} : memref<4096xf32, #tpu.memory_space<vmem>>, vector<16xf32>,
        %get3A_1731 = vector.shape_cast %get3A_1730 : vector<16xf32> to vector<16xf32>
        %get3A_1732 = arith.index_cast %mul3A_1728 : i32 to index
        %get3A_1733 = tpu.vector_load %arg13[%get3A_1732] {strides = array<i32>} : memref<4096xf32, #tpu.memory_space<vmem>>, vector<16xf32>,
        %get3A_1734 = vector.shape_cast %get3A_1733 : vector<16xf32> to vector<16xf32>
        %get3A_1735 = arith.constant 2 : i32
        %get3A_1736 = arith.index_cast %get3A_1735 : i32 to index
        %get3A_1737 = arith.index_cast %mul3A_1728 : i32 to index
        %get3A_1738 = tpu.vector_load %arg9[%get3A_1736, %get3A_1737] {strides = array<i32>} : memref<4x4096xf32, #tpu.memory_space<vmem>>, vector<1x16xf32>,
        %get3A_1739 = vector.shape_cast %get3A_1738 : vector<1x16xf32> to vector<16xf32>
        %mul3A_1740 = arith.mulf %get3A_1739, %get3A_1731 : vector<16xf32>
        %get3A_1741 = arith.constant 2 : i32
        %get3A_1742 = arith.index_cast %get3A_1741 : i32 to index
        %get3A_1743 = arith.index_cast %mul3A_1728 : i32 to index
        %get3A_1744 = tpu.vector_load %arg11[%get3A_1742, %get3A_1743] {strides = array<i32>} : memref<4x4096xf32, #tpu.memory_space<vmem>>, vector<1x16xf32>,
        %get3A_1745 = vector.shape_cast %get3A_1744 : vector<1x16xf32> to vector<16xf32>
        %mul3A_1746 = arith.mulf %get3A_1745, %get3A_1734 : vector<16xf32>
        %get3A_1747 = arith.constant 3 : i32
        %get3A_1748 = arith.index_cast %get3A_1747 : i32 to index
        %get3A_1749 = arith.index_cast %mul3A_1728 : i32 to index
        %get3A_1750 = tpu.vector_load %arg9[%get3A_1748, %get3A_1749] {strides = array<i32>} : memref<4x4096xf32, #tpu.memory_space<vmem>>, vector<1x16xf32>,
        %get3A_1751 = vector.shape_cast %get3A_1750 : vector<1x16xf32> to vector<16xf32>
        %mul3A_1752 = arith.mulf %get3A_1751, %get3A_1731 : vector<16xf32>
        %get3A_1753 = arith.constant 3 : i32
        %get3A_1754 = arith.index_cast %get3A_1753 : i32 to index
        %get3A_1755 = arith.index_cast %mul3A_1728 : i32 to index
        %get3A_1756 = tpu.vector_load %arg11[%get3A_1754, %get3A_1755] {strides = array<i32>} : memref<4x4096xf32, #tpu.memory_space<vmem>>, vector<1x16xf32>,
        %get3A_1757 = vector.shape_cast %get3A_1756 : vector<1x16xf32> to vector<16xf32>
        %mul3A_1758 = arith.mulf %get3A_1757, %get3A_1734 : vector<16xf32>
        %mul3A_1759 = arith.mulf %mul3A_1740, %mul3A_1758 : vector<16xf32>
        %add3A_1760 = arith.addf %add3A_1712, %mul3A_1759 : vector<16xf32>
        %mul3A_1761 = arith.mulf %mul3A_1746, %mul3A_1752 : vector<16xf32>
        %add3A_1762 = arith.addf %add3A_1714, %mul3A_1761 : vector<16xf32>
        %mul3A_1763 = arith.mulf %mul3A_1740, %mul3A_1740 : vector<16xf32>
        %add3A_1764 = arith.addf %add3A_1716, %mul3A_1763 : vector<16xf32>
        %mul3A_1765 = arith.mulf %mul3A_1746, %mul3A_1746 : vector<16xf32>
        %add3A_1766 = arith.addf %add3A_1718, %mul3A_1765 : vector<16xf32>
        %mul3A_1767 = arith.mulf %mul3A_1752, %mul3A_1752 : vector<16xf32>
        %add3A_1768 = arith.addf %add3A_1720, %mul3A_1767 : vector<16xf32>
        %mul3A_1769 = arith.mulf %mul3A_1758, %mul3A_1758 : vector<16xf32>
        %add3A_1770 = arith.addf %add3A_1722, %mul3A_1769 : vector<16xf32>
        scf.yield %add3A_1760, %add3A_1762, %add3A_1764, %add3A_1766, %add3A_1768, %add3A_1770 : vector<16xf32>, vector<16xf32>, vector<16xf32>, vector<16xf32>, vector<16xf32>, vector<16xf32>
      }
      %scan3A_1196 = arith.constant 64 : i32
      %mul3A_1197 = arith.constant 2 : i32
      %mul3A_1198 = arith.muli %add3A_802, %mul3A_1197 : i32
      %add3A_1199 = arith.constant 1 : i32
      %add3A_1200 = arith.addi %mul3A_1198, %add3A_1199 : i32
      %eq3A_1201 = arith.constant 0 : i32
      %eq3A_1202 = vector.broadcast %eq3A_1201 : i32 to vector<16xi32>
      %eq3A_1203 = arith.cmpi eq, %iota3A_815, %eq3A_1202 : vector<16xi32>
      %xor3A_1204 = arith.constant 8 : i32
      %xor3A_1205 = vector.broadcast %xor3A_1204 : i32 to vector<16xi32>
      %xor3A_1206 = arith.xori %iota3A_815, %xor3A_1205 : vector<16xi32>
      %lt3A_1207 = arith.constant 0 : i32
      %lt3A_1208 = vector.broadcast %lt3A_1207 : i32 to vector<16xi32>
      %lt3A_1209 = arith.cmpi slt, %xor3A_1206, %lt3A_1208 : vector<16xi32>
      %add3A_1210 = arith.constant 16 : i32
      %add3A_1211 = vector.broadcast %add3A_1210 : i32 to vector<16xi32>
      %add3A_1212 = arith.addi %xor3A_1206, %add3A_1211 : vector<16xi32>
      %select_n3A_1213 = arith.select %lt3A_1209, %add3A_1212, %xor3A_1206 : vector<16xi1>, vector<16xi32>
      %broadcast_in_dim3A_1214 = vector.shape_cast %select_n3A_1213 : vector<16xi32> to vector<16x1xi32>
      %gather3A_1215 = vector.shape_cast %broadcast_in_dim3A_1214 : vector<16x1xi32> to vector<16xi32>
      %gather3A_1216 = tpu.dynamic_gather %scan3A_1195#0[%gather3A_1215] in [0] : vector<16xf32>, vector<16xi32> -> vector<16xf32>
      %add3A_1217 = arith.addf %scan3A_1195#0, %gather3A_1216 : vector<16xf32>
      %xor3A_1218 = arith.constant 4 : i32
      %xor3A_1219 = vector.broadcast %xor3A_1218 : i32 to vector<16xi32>
      %xor3A_1220 = arith.xori %iota3A_815, %xor3A_1219 : vector<16xi32>
      %lt3A_1221 = arith.constant 0 : i32
      %lt3A_1222 = vector.broadcast %lt3A_1221 : i32 to vector<16xi32>
      %lt3A_1223 = arith.cmpi slt, %xor3A_1220, %lt3A_1222 : vector<16xi32>
      %add3A_1224 = arith.constant 16 : i32
      %add3A_1225 = vector.broadcast %add3A_1224 : i32 to vector<16xi32>
      %add3A_1226 = arith.addi %xor3A_1220, %add3A_1225 : vector<16xi32>
      %select_n3A_1227 = arith.select %lt3A_1223, %add3A_1226, %xor3A_1220 : vector<16xi1>, vector<16xi32>
      %broadcast_in_dim3A_1228 = vector.shape_cast %select_n3A_1227 : vector<16xi32> to vector<16x1xi32>
      %gather3A_1229 = vector.shape_cast %broadcast_in_dim3A_1228 : vector<16x1xi32> to vector<16xi32>
      %gather3A_1230 = tpu.dynamic_gather %add3A_1217[%gather3A_1229] in [0] : vector<16xf32>, vector<16xi32> -> vector<16xf32>
      %add3A_1231 = arith.addf %add3A_1217, %gather3A_1230 : vector<16xf32>
      %xor3A_1232 = arith.constant 2 : i32
      %xor3A_1233 = vector.broadcast %xor3A_1232 : i32 to vector<16xi32>
      %xor3A_1234 = arith.xori %iota3A_815, %xor3A_1233 : vector<16xi32>
      %lt3A_1235 = arith.constant 0 : i32
      %lt3A_1236 = vector.broadcast %lt3A_1235 : i32 to vector<16xi32>
      %lt3A_1237 = arith.cmpi slt, %xor3A_1234, %lt3A_1236 : vector<16xi32>
      %add3A_1238 = arith.constant 16 : i32
      %add3A_1239 = vector.broadcast %add3A_1238 : i32 to vector<16xi32>
      %add3A_1240 = arith.addi %xor3A_1234, %add3A_1239 : vector<16xi32>
      %select_n3A_1241 = arith.select %lt3A_1237, %add3A_1240, %xor3A_1234 : vector<16xi1>, vector<16xi32>
      %broadcast_in_dim3A_1242 = vector.shape_cast %select_n3A_1241 : vector<16xi32> to vector<16x1xi32>
      %gather3A_1243 = vector.shape_cast %broadcast_in_dim3A_1242 : vector<16x1xi32> to vector<16xi32>
      %gather3A_1244 = tpu.dynamic_gather %add3A_1231[%gather3A_1243] in [0] : vector<16xf32>, vector<16xi32> -> vector<16xf32>
      %add3A_1245 = arith.addf %add3A_1231, %gather3A_1244 : vector<16xf32>
      %xor3A_1246 = arith.constant 1 : i32
      %xor3A_1247 = vector.broadcast %xor3A_1246 : i32 to vector<16xi32>
      %xor3A_1248 = arith.xori %iota3A_815, %xor3A_1247 : vector<16xi32>
      %lt3A_1249 = arith.constant 0 : i32
      %lt3A_1250 = vector.broadcast %lt3A_1249 : i32 to vector<16xi32>
      %lt3A_1251 = arith.cmpi slt, %xor3A_1248, %lt3A_1250 : vector<16xi32>
      %add3A_1252 = arith.constant 16 : i32
      %add3A_1253 = vector.broadcast %add3A_1252 : i32 to vector<16xi32>
      %add3A_1254 = arith.addi %xor3A_1248, %add3A_1253 : vector<16xi32>
      %select_n3A_1255 = arith.select %lt3A_1251, %add3A_1254, %xor3A_1248 : vector<16xi1>, vector<16xi32>
      %broadcast_in_dim3A_1256 = vector.shape_cast %select_n3A_1255 : vector<16xi32> to vector<16x1xi32>
      %gather3A_1257 = vector.shape_cast %broadcast_in_dim3A_1256 : vector<16x1xi32> to vector<16xi32>
      %gather3A_1258 = tpu.dynamic_gather %add3A_1245[%gather3A_1257] in [0] : vector<16xf32>, vector<16xi32> -> vector<16xf32>
      %add3A_1259 = arith.addf %add3A_1245, %gather3A_1258 : vector<16xf32>
      %select_n3A_1260 = arith.select %eq3A_1203, %add3A_1259, %broadcast_in_dim3A_28 : vector<16xi1>, vector<16xf32>
      %eq3A_1261 = arith.constant 1 : i32
      %eq3A_1262 = vector.broadcast %eq3A_1261 : i32 to vector<16xi32>
      %eq3A_1263 = arith.cmpi eq, %iota3A_815, %eq3A_1262 : vector<16xi32>
      %xor3A_1264 = arith.constant 8 : i32
      %xor3A_1265 = vector.broadcast %xor3A_1264 : i32 to vector<16xi32>
      %xor3A_1266 = arith.xori %iota3A_815, %xor3A_1265 : vector<16xi32>
      %lt3A_1267 = arith.constant 0 : i32
      %lt3A_1268 = vector.broadcast %lt3A_1267 : i32 to vector<16xi32>
      %lt3A_1269 = arith.cmpi slt, %xor3A_1266, %lt3A_1268 : vector<16xi32>
      %add3A_1270 = arith.constant 16 : i32
      %add3A_1271 = vector.broadcast %add3A_1270 : i32 to vector<16xi32>
      %add3A_1272 = arith.addi %xor3A_1266, %add3A_1271 : vector<16xi32>
      %select_n3A_1273 = arith.select %lt3A_1269, %add3A_1272, %xor3A_1266 : vector<16xi1>, vector<16xi32>
      %broadcast_in_dim3A_1274 = vector.shape_cast %select_n3A_1273 : vector<16xi32> to vector<16x1xi32>
      %gather3A_1275 = vector.shape_cast %broadcast_in_dim3A_1274 : vector<16x1xi32> to vector<16xi32>
      %gather3A_1276 = tpu.dynamic_gather %scan3A_1195#1[%gather3A_1275] in [0] : vector<16xf32>, vector<16xi32> -> vector<16xf32>
      %add3A_1277 = arith.addf %scan3A_1195#1, %gather3A_1276 : vector<16xf32>
      %xor3A_1278 = arith.constant 4 : i32
      %xor3A_1279 = vector.broadcast %xor3A_1278 : i32 to vector<16xi32>
      %xor3A_1280 = arith.xori %iota3A_815, %xor3A_1279 : vector<16xi32>
      %lt3A_1281 = arith.constant 0 : i32
      %lt3A_1282 = vector.broadcast %lt3A_1281 : i32 to vector<16xi32>
      %lt3A_1283 = arith.cmpi slt, %xor3A_1280, %lt3A_1282 : vector<16xi32>
      %add3A_1284 = arith.constant 16 : i32
      %add3A_1285 = vector.broadcast %add3A_1284 : i32 to vector<16xi32>
      %add3A_1286 = arith.addi %xor3A_1280, %add3A_1285 : vector<16xi32>
      %select_n3A_1287 = arith.select %lt3A_1283, %add3A_1286, %xor3A_1280 : vector<16xi1>, vector<16xi32>
      %broadcast_in_dim3A_1288 = vector.shape_cast %select_n3A_1287 : vector<16xi32> to vector<16x1xi32>
      %gather3A_1289 = vector.shape_cast %broadcast_in_dim3A_1288 : vector<16x1xi32> to vector<16xi32>
      %gather3A_1290 = tpu.dynamic_gather %add3A_1277[%gather3A_1289] in [0] : vector<16xf32>, vector<16xi32> -> vector<16xf32>
      %add3A_1291 = arith.addf %add3A_1277, %gather3A_1290 : vector<16xf32>
      %xor3A_1292 = arith.constant 2 : i32
      %xor3A_1293 = vector.broadcast %xor3A_1292 : i32 to vector<16xi32>
      %xor3A_1294 = arith.xori %iota3A_815, %xor3A_1293 : vector<16xi32>
      %lt3A_1295 = arith.constant 0 : i32
      %lt3A_1296 = vector.broadcast %lt3A_1295 : i32 to vector<16xi32>
      %lt3A_1297 = arith.cmpi slt, %xor3A_1294, %lt3A_1296 : vector<16xi32>
      %add3A_1298 = arith.constant 16 : i32
      %add3A_1299 = vector.broadcast %add3A_1298 : i32 to vector<16xi32>
      %add3A_1300 = arith.addi %xor3A_1294, %add3A_1299 : vector<16xi32>
      %select_n3A_1301 = arith.select %lt3A_1297, %add3A_1300, %xor3A_1294 : vector<16xi1>, vector<16xi32>
      %broadcast_in_dim3A_1302 = vector.shape_cast %select_n3A_1301 : vector<16xi32> to vector<16x1xi32>
      %gather3A_1303 = vector.shape_cast %broadcast_in_dim3A_1302 : vector<16x1xi32> to vector<16xi32>
      %gather3A_1304 = tpu.dynamic_gather %add3A_1291[%gather3A_1303] in [0] : vector<16xf32>, vector<16xi32> -> vector<16xf32>
      %add3A_1305 = arith.addf %add3A_1291, %gather3A_1304 : vector<16xf32>
      %xor3A_1306 = arith.constant 1 : i32
      %xor3A_1307 = vector.broadcast %xor3A_1306 : i32 to vector<16xi32>
      %xor3A_1308 = arith.xori %iota3A_815, %xor3A_1307 : vector<16xi32>
      %lt3A_1309 = arith.constant 0 : i32
      %lt3A_1310 = vector.broadcast %lt3A_1309 : i32 to vector<16xi32>
      %lt3A_1311 = arith.cmpi slt, %xor3A_1308, %lt3A_1310 : vector<16xi32>
      %add3A_1312 = arith.constant 16 : i32
      %add3A_1313 = vector.broadcast %add3A_1312 : i32 to vector<16xi32>
      %add3A_1314 = arith.addi %xor3A_1308, %add3A_1313 : vector<16xi32>
      %select_n3A_1315 = arith.select %lt3A_1311, %add3A_1314, %xor3A_1308 : vector<16xi1>, vector<16xi32>
      %broadcast_in_dim3A_1316 = vector.shape_cast %select_n3A_1315 : vector<16xi32> to vector<16x1xi32>
      %gather3A_1317 = vector.shape_cast %broadcast_in_dim3A_1316 : vector<16x1xi32> to vector<16xi32>
      %gather3A_1318 = tpu.dynamic_gather %add3A_1305[%gather3A_1317] in [0] : vector<16xf32>, vector<16xi32> -> vector<16xf32>
      %add3A_1319 = arith.addf %add3A_1305, %gather3A_1318 : vector<16xf32>
      %select_n3A_1320 = arith.select %eq3A_1263, %add3A_1319, %select_n3A_1260 : vector<16xi1>, vector<16xf32>
      %eq3A_1321 = arith.constant 2 : i32
      %eq3A_1322 = vector.broadcast %eq3A_1321 : i32 to vector<16xi32>
      %eq3A_1323 = arith.cmpi eq, %iota3A_815, %eq3A_1322 : vector<16xi32>
      %xor3A_1324 = arith.constant 8 : i32
      %xor3A_1325 = vector.broadcast %xor3A_1324 : i32 to vector<16xi32>
      %xor3A_1326 = arith.xori %iota3A_815, %xor3A_1325 : vector<16xi32>
      %lt3A_1327 = arith.constant 0 : i32
      %lt3A_1328 = vector.broadcast %lt3A_1327 : i32 to vector<16xi32>
      %lt3A_1329 = arith.cmpi slt, %xor3A_1326, %lt3A_1328 : vector<16xi32>
      %add3A_1330 = arith.constant 16 : i32
      %add3A_1331 = vector.broadcast %add3A_1330 : i32 to vector<16xi32>
      %add3A_1332 = arith.addi %xor3A_1326, %add3A_1331 : vector<16xi32>
      %select_n3A_1333 = arith.select %lt3A_1329, %add3A_1332, %xor3A_1326 : vector<16xi1>, vector<16xi32>
      %broadcast_in_dim3A_1334 = vector.shape_cast %select_n3A_1333 : vector<16xi32> to vector<16x1xi32>
      %gather3A_1335 = vector.shape_cast %broadcast_in_dim3A_1334 : vector<16x1xi32> to vector<16xi32>
      %gather3A_1336 = tpu.dynamic_gather %scan3A_1195#2[%gather3A_1335] in [0] : vector<16xf32>, vector<16xi32> -> vector<16xf32>
      %add3A_1337 = arith.addf %scan3A_1195#2, %gather3A_1336 : vector<16xf32>
      %xor3A_1338 = arith.constant 4 : i32
      %xor3A_1339 = vector.broadcast %xor3A_1338 : i32 to vector<16xi32>
      %xor3A_1340 = arith.xori %iota3A_815, %xor3A_1339 : vector<16xi32>
      %lt3A_1341 = arith.constant 0 : i32
      %lt3A_1342 = vector.broadcast %lt3A_1341 : i32 to vector<16xi32>
      %lt3A_1343 = arith.cmpi slt, %xor3A_1340, %lt3A_1342 : vector<16xi32>
      %add3A_1344 = arith.constant 16 : i32
      %add3A_1345 = vector.broadcast %add3A_1344 : i32 to vector<16xi32>
      %add3A_1346 = arith.addi %xor3A_1340, %add3A_1345 : vector<16xi32>
      %select_n3A_1347 = arith.select %lt3A_1343, %add3A_1346, %xor3A_1340 : vector<16xi1>, vector<16xi32>
      %broadcast_in_dim3A_1348 = vector.shape_cast %select_n3A_1347 : vector<16xi32> to vector<16x1xi32>
      %gather3A_1349 = vector.shape_cast %broadcast_in_dim3A_1348 : vector<16x1xi32> to vector<16xi32>
      %gather3A_1350 = tpu.dynamic_gather %add3A_1337[%gather3A_1349] in [0] : vector<16xf32>, vector<16xi32> -> vector<16xf32>
      %add3A_1351 = arith.addf %add3A_1337, %gather3A_1350 : vector<16xf32>
      %xor3A_1352 = arith.constant 2 : i32
      %xor3A_1353 = vector.broadcast %xor3A_1352 : i32 to vector<16xi32>
      %xor3A_1354 = arith.xori %iota3A_815, %xor3A_1353 : vector<16xi32>
      %lt3A_1355 = arith.constant 0 : i32
      %lt3A_1356 = vector.broadcast %lt3A_1355 : i32 to vector<16xi32>
      %lt3A_1357 = arith.cmpi slt, %xor3A_1354, %lt3A_1356 : vector<16xi32>
      %add3A_1358 = arith.constant 16 : i32
      %add3A_1359 = vector.broadcast %add3A_1358 : i32 to vector<16xi32>
      %add3A_1360 = arith.addi %xor3A_1354, %add3A_1359 : vector<16xi32>
      %select_n3A_1361 = arith.select %lt3A_1357, %add3A_1360, %xor3A_1354 : vector<16xi1>, vector<16xi32>
      %broadcast_in_dim3A_1362 = vector.shape_cast %select_n3A_1361 : vector<16xi32> to vector<16x1xi32>
      %gather3A_1363 = vector.shape_cast %broadcast_in_dim3A_1362 : vector<16x1xi32> to vector<16xi32>
      %gather3A_1364 = tpu.dynamic_gather %add3A_1351[%gather3A_1363] in [0] : vector<16xf32>, vector<16xi32> -> vector<16xf32>
      %add3A_1365 = arith.addf %add3A_1351, %gather3A_1364 : vector<16xf32>
      %xor3A_1366 = arith.constant 1 : i32
      %xor3A_1367 = vector.broadcast %xor3A_1366 : i32 to vector<16xi32>
      %xor3A_1368 = arith.xori %iota3A_815, %xor3A_1367 : vector<16xi32>
      %lt3A_1369 = arith.constant 0 : i32
      %lt3A_1370 = vector.broadcast %lt3A_1369 : i32 to vector<16xi32>
      %lt3A_1371 = arith.cmpi slt, %xor3A_1368, %lt3A_1370 : vector<16xi32>
      %add3A_1372 = arith.constant 16 : i32
      %add3A_1373 = vector.broadcast %add3A_1372 : i32 to vector<16xi32>
      %add3A_1374 = arith.addi %xor3A_1368, %add3A_1373 : vector<16xi32>
      %select_n3A_1375 = arith.select %lt3A_1371, %add3A_1374, %xor3A_1368 : vector<16xi1>, vector<16xi32>
      %broadcast_in_dim3A_1376 = vector.shape_cast %select_n3A_1375 : vector<16xi32> to vector<16x1xi32>
      %gather3A_1377 = vector.shape_cast %broadcast_in_dim3A_1376 : vector<16x1xi32> to vector<16xi32>
      %gather3A_1378 = tpu.dynamic_gather %add3A_1365[%gather3A_1377] in [0] : vector<16xf32>, vector<16xi32> -> vector<16xf32>
      %add3A_1379 = arith.addf %add3A_1365, %gather3A_1378 : vector<16xf32>
      %select_n3A_1380 = arith.select %eq3A_1323, %add3A_1379, %select_n3A_1320 : vector<16xi1>, vector<16xf32>
      %eq3A_1381 = arith.constant 3 : i32
      %eq3A_1382 = vector.broadcast %eq3A_1381 : i32 to vector<16xi32>
      %eq3A_1383 = arith.cmpi eq, %iota3A_815, %eq3A_1382 : vector<16xi32>
      %xor3A_1384 = arith.constant 8 : i32
      %xor3A_1385 = vector.broadcast %xor3A_1384 : i32 to vector<16xi32>
      %xor3A_1386 = arith.xori %iota3A_815, %xor3A_1385 : vector<16xi32>
      %lt3A_1387 = arith.constant 0 : i32
      %lt3A_1388 = vector.broadcast %lt3A_1387 : i32 to vector<16xi32>
      %lt3A_1389 = arith.cmpi slt, %xor3A_1386, %lt3A_1388 : vector<16xi32>
      %add3A_1390 = arith.constant 16 : i32
      %add3A_1391 = vector.broadcast %add3A_1390 : i32 to vector<16xi32>
      %add3A_1392 = arith.addi %xor3A_1386, %add3A_1391 : vector<16xi32>
      %select_n3A_1393 = arith.select %lt3A_1389, %add3A_1392, %xor3A_1386 : vector<16xi1>, vector<16xi32>
      %broadcast_in_dim3A_1394 = vector.shape_cast %select_n3A_1393 : vector<16xi32> to vector<16x1xi32>
      %gather3A_1395 = vector.shape_cast %broadcast_in_dim3A_1394 : vector<16x1xi32> to vector<16xi32>
      %gather3A_1396 = tpu.dynamic_gather %scan3A_1195#3[%gather3A_1395] in [0] : vector<16xf32>, vector<16xi32> -> vector<16xf32>
      %add3A_1397 = arith.addf %scan3A_1195#3, %gather3A_1396 : vector<16xf32>
      %xor3A_1398 = arith.constant 4 : i32
      %xor3A_1399 = vector.broadcast %xor3A_1398 : i32 to vector<16xi32>
      %xor3A_1400 = arith.xori %iota3A_815, %xor3A_1399 : vector<16xi32>
      %lt3A_1401 = arith.constant 0 : i32
      %lt3A_1402 = vector.broadcast %lt3A_1401 : i32 to vector<16xi32>
      %lt3A_1403 = arith.cmpi slt, %xor3A_1400, %lt3A_1402 : vector<16xi32>
      %add3A_1404 = arith.constant 16 : i32
      %add3A_1405 = vector.broadcast %add3A_1404 : i32 to vector<16xi32>
      %add3A_1406 = arith.addi %xor3A_1400, %add3A_1405 : vector<16xi32>
      %select_n3A_1407 = arith.select %lt3A_1403, %add3A_1406, %xor3A_1400 : vector<16xi1>, vector<16xi32>
      %broadcast_in_dim3A_1408 = vector.shape_cast %select_n3A_1407 : vector<16xi32> to vector<16x1xi32>
      %gather3A_1409 = vector.shape_cast %broadcast_in_dim3A_1408 : vector<16x1xi32> to vector<16xi32>
      %gather3A_1410 = tpu.dynamic_gather %add3A_1397[%gather3A_1409] in [0] : vector<16xf32>, vector<16xi32> -> vector<16xf32>
      %add3A_1411 = arith.addf %add3A_1397, %gather3A_1410 : vector<16xf32>
      %xor3A_1412 = arith.constant 2 : i32
      %xor3A_1413 = vector.broadcast %xor3A_1412 : i32 to vector<16xi32>
      %xor3A_1414 = arith.xori %iota3A_815, %xor3A_1413 : vector<16xi32>
      %lt3A_1415 = arith.constant 0 : i32
      %lt3A_1416 = vector.broadcast %lt3A_1415 : i32 to vector<16xi32>
      %lt3A_1417 = arith.cmpi slt, %xor3A_1414, %lt3A_1416 : vector<16xi32>
      %add3A_1418 = arith.constant 16 : i32
      %add3A_1419 = vector.broadcast %add3A_1418 : i32 to vector<16xi32>
      %add3A_1420 = arith.addi %xor3A_1414, %add3A_1419 : vector<16xi32>
      %select_n3A_1421 = arith.select %lt3A_1417, %add3A_1420, %xor3A_1414 : vector<16xi1>, vector<16xi32>
      %broadcast_in_dim3A_1422 = vector.shape_cast %select_n3A_1421 : vector<16xi32> to vector<16x1xi32>
      %gather3A_1423 = vector.shape_cast %broadcast_in_dim3A_1422 : vector<16x1xi32> to vector<16xi32>
      %gather3A_1424 = tpu.dynamic_gather %add3A_1411[%gather3A_1423] in [0] : vector<16xf32>, vector<16xi32> -> vector<16xf32>
      %add3A_1425 = arith.addf %add3A_1411, %gather3A_1424 : vector<16xf32>
      %xor3A_1426 = arith.constant 1 : i32
      %xor3A_1427 = vector.broadcast %xor3A_1426 : i32 to vector<16xi32>
      %xor3A_1428 = arith.xori %iota3A_815, %xor3A_1427 : vector<16xi32>
      %lt3A_1429 = arith.constant 0 : i32
      %lt3A_1430 = vector.broadcast %lt3A_1429 : i32 to vector<16xi32>
      %lt3A_1431 = arith.cmpi slt, %xor3A_1428, %lt3A_1430 : vector<16xi32>
      %add3A_1432 = arith.constant 16 : i32
      %add3A_1433 = vector.broadcast %add3A_1432 : i32 to vector<16xi32>
      %add3A_1434 = arith.addi %xor3A_1428, %add3A_1433 : vector<16xi32>
      %select_n3A_1435 = arith.select %lt3A_1431, %add3A_1434, %xor3A_1428 : vector<16xi1>, vector<16xi32>
      %broadcast_in_dim3A_1436 = vector.shape_cast %select_n3A_1435 : vector<16xi32> to vector<16x1xi32>
      %gather3A_1437 = vector.shape_cast %broadcast_in_dim3A_1436 : vector<16x1xi32> to vector<16xi32>
      %gather3A_1438 = tpu.dynamic_gather %add3A_1425[%gather3A_1437] in [0] : vector<16xf32>, vector<16xi32> -> vector<16xf32>
      %add3A_1439 = arith.addf %add3A_1425, %gather3A_1438 : vector<16xf32>
      %select_n3A_1440 = arith.select %eq3A_1383, %add3A_1439, %select_n3A_1380 : vector<16xi1>, vector<16xf32>
      %eq3A_1441 = arith.constant 4 : i32
      %eq3A_1442 = vector.broadcast %eq3A_1441 : i32 to vector<16xi32>
      %eq3A_1443 = arith.cmpi eq, %iota3A_815, %eq3A_1442 : vector<16xi32>
      %xor3A_1444 = arith.constant 8 : i32
      %xor3A_1445 = vector.broadcast %xor3A_1444 : i32 to vector<16xi32>
      %xor3A_1446 = arith.xori %iota3A_815, %xor3A_1445 : vector<16xi32>
      %lt3A_1447 = arith.constant 0 : i32
      %lt3A_1448 = vector.broadcast %lt3A_1447 : i32 to vector<16xi32>
      %lt3A_1449 = arith.cmpi slt, %xor3A_1446, %lt3A_1448 : vector<16xi32>
      %add3A_1450 = arith.constant 16 : i32
      %add3A_1451 = vector.broadcast %add3A_1450 : i32 to vector<16xi32>
      %add3A_1452 = arith.addi %xor3A_1446, %add3A_1451 : vector<16xi32>
      %select_n3A_1453 = arith.select %lt3A_1449, %add3A_1452, %xor3A_1446 : vector<16xi1>, vector<16xi32>
      %broadcast_in_dim3A_1454 = vector.shape_cast %select_n3A_1453 : vector<16xi32> to vector<16x1xi32>
      %gather3A_1455 = vector.shape_cast %broadcast_in_dim3A_1454 : vector<16x1xi32> to vector<16xi32>
      %gather3A_1456 = tpu.dynamic_gather %scan3A_1195#4[%gather3A_1455] in [0] : vector<16xf32>, vector<16xi32> -> vector<16xf32>
      %add3A_1457 = arith.addf %scan3A_1195#4, %gather3A_1456 : vector<16xf32>
      %xor3A_1458 = arith.constant 4 : i32
      %xor3A_1459 = vector.broadcast %xor3A_1458 : i32 to vector<16xi32>
      %xor3A_1460 = arith.xori %iota3A_815, %xor3A_1459 : vector<16xi32>
      %lt3A_1461 = arith.constant 0 : i32
      %lt3A_1462 = vector.broadcast %lt3A_1461 : i32 to vector<16xi32>
      %lt3A_1463 = arith.cmpi slt, %xor3A_1460, %lt3A_1462 : vector<16xi32>
      %add3A_1464 = arith.constant 16 : i32
      %add3A_1465 = vector.broadcast %add3A_1464 : i32 to vector<16xi32>
      %add3A_1466 = arith.addi %xor3A_1460, %add3A_1465 : vector<16xi32>
      %select_n3A_1467 = arith.select %lt3A_1463, %add3A_1466, %xor3A_1460 : vector<16xi1>, vector<16xi32>
      %broadcast_in_dim3A_1468 = vector.shape_cast %select_n3A_1467 : vector<16xi32> to vector<16x1xi32>
      %gather3A_1469 = vector.shape_cast %broadcast_in_dim3A_1468 : vector<16x1xi32> to vector<16xi32>
      %gather3A_1470 = tpu.dynamic_gather %add3A_1457[%gather3A_1469] in [0] : vector<16xf32>, vector<16xi32> -> vector<16xf32>
      %add3A_1471 = arith.addf %add3A_1457, %gather3A_1470 : vector<16xf32>
      %xor3A_1472 = arith.constant 2 : i32
      %xor3A_1473 = vector.broadcast %xor3A_1472 : i32 to vector<16xi32>
      %xor3A_1474 = arith.xori %iota3A_815, %xor3A_1473 : vector<16xi32>
      %lt3A_1475 = arith.constant 0 : i32
      %lt3A_1476 = vector.broadcast %lt3A_1475 : i32 to vector<16xi32>
      %lt3A_1477 = arith.cmpi slt, %xor3A_1474, %lt3A_1476 : vector<16xi32>
      %add3A_1478 = arith.constant 16 : i32
      %add3A_1479 = vector.broadcast %add3A_1478 : i32 to vector<16xi32>
      %add3A_1480 = arith.addi %xor3A_1474, %add3A_1479 : vector<16xi32>
      %select_n3A_1481 = arith.select %lt3A_1477, %add3A_1480, %xor3A_1474 : vector<16xi1>, vector<16xi32>
      %broadcast_in_dim3A_1482 = vector.shape_cast %select_n3A_1481 : vector<16xi32> to vector<16x1xi32>
      %gather3A_1483 = vector.shape_cast %broadcast_in_dim3A_1482 : vector<16x1xi32> to vector<16xi32>
      %gather3A_1484 = tpu.dynamic_gather %add3A_1471[%gather3A_1483] in [0] : vector<16xf32>, vector<16xi32> -> vector<16xf32>
      %add3A_1485 = arith.addf %add3A_1471, %gather3A_1484 : vector<16xf32>
      %xor3A_1486 = arith.constant 1 : i32
      %xor3A_1487 = vector.broadcast %xor3A_1486 : i32 to vector<16xi32>
      %xor3A_1488 = arith.xori %iota3A_815, %xor3A_1487 : vector<16xi32>
      %lt3A_1489 = arith.constant 0 : i32
      %lt3A_1490 = vector.broadcast %lt3A_1489 : i32 to vector<16xi32>
      %lt3A_1491 = arith.cmpi slt, %xor3A_1488, %lt3A_1490 : vector<16xi32>
      %add3A_1492 = arith.constant 16 : i32
      %add3A_1493 = vector.broadcast %add3A_1492 : i32 to vector<16xi32>
      %add3A_1494 = arith.addi %xor3A_1488, %add3A_1493 : vector<16xi32>
      %select_n3A_1495 = arith.select %lt3A_1491, %add3A_1494, %xor3A_1488 : vector<16xi1>, vector<16xi32>
      %broadcast_in_dim3A_1496 = vector.shape_cast %select_n3A_1495 : vector<16xi32> to vector<16x1xi32>
      %gather3A_1497 = vector.shape_cast %broadcast_in_dim3A_1496 : vector<16x1xi32> to vector<16xi32>
      %gather3A_1498 = tpu.dynamic_gather %add3A_1485[%gather3A_1497] in [0] : vector<16xf32>, vector<16xi32> -> vector<16xf32>
      %add3A_1499 = arith.addf %add3A_1485, %gather3A_1498 : vector<16xf32>
      %select_n3A_1500 = arith.select %eq3A_1443, %add3A_1499, %select_n3A_1440 : vector<16xi1>, vector<16xf32>
      %eq3A_1501 = arith.constant 5 : i32
      %eq3A_1502 = vector.broadcast %eq3A_1501 : i32 to vector<16xi32>
      %eq3A_1503 = arith.cmpi eq, %iota3A_815, %eq3A_1502 : vector<16xi32>
      %xor3A_1504 = arith.constant 8 : i32
      %xor3A_1505 = vector.broadcast %xor3A_1504 : i32 to vector<16xi32>
      %xor3A_1506 = arith.xori %iota3A_815, %xor3A_1505 : vector<16xi32>
      %lt3A_1507 = arith.constant 0 : i32
      %lt3A_1508 = vector.broadcast %lt3A_1507 : i32 to vector<16xi32>
      %lt3A_1509 = arith.cmpi slt, %xor3A_1506, %lt3A_1508 : vector<16xi32>
      %add3A_1510 = arith.constant 16 : i32
      %add3A_1511 = vector.broadcast %add3A_1510 : i32 to vector<16xi32>
      %add3A_1512 = arith.addi %xor3A_1506, %add3A_1511 : vector<16xi32>
      %select_n3A_1513 = arith.select %lt3A_1509, %add3A_1512, %xor3A_1506 : vector<16xi1>, vector<16xi32>
      %broadcast_in_dim3A_1514 = vector.shape_cast %select_n3A_1513 : vector<16xi32> to vector<16x1xi32>
      %gather3A_1515 = vector.shape_cast %broadcast_in_dim3A_1514 : vector<16x1xi32> to vector<16xi32>
      %gather3A_1516 = tpu.dynamic_gather %scan3A_1195#5[%gather3A_1515] in [0] : vector<16xf32>, vector<16xi32> -> vector<16xf32>
      %add3A_1517 = arith.addf %scan3A_1195#5, %gather3A_1516 : vector<16xf32>
      %xor3A_1518 = arith.constant 4 : i32
      %xor3A_1519 = vector.broadcast %xor3A_1518 : i32 to vector<16xi32>
      %xor3A_1520 = arith.xori %iota3A_815, %xor3A_1519 : vector<16xi32>
      %lt3A_1521 = arith.constant 0 : i32
      %lt3A_1522 = vector.broadcast %lt3A_1521 : i32 to vector<16xi32>
      %lt3A_1523 = arith.cmpi slt, %xor3A_1520, %lt3A_1522 : vector<16xi32>
      %add3A_1524 = arith.constant 16 : i32
      %add3A_1525 = vector.broadcast %add3A_1524 : i32 to vector<16xi32>
      %add3A_1526 = arith.addi %xor3A_1520, %add3A_1525 : vector<16xi32>
      %select_n3A_1527 = arith.select %lt3A_1523, %add3A_1526, %xor3A_1520 : vector<16xi1>, vector<16xi32>
      %broadcast_in_dim3A_1528 = vector.shape_cast %select_n3A_1527 : vector<16xi32> to vector<16x1xi32>
      %gather3A_1529 = vector.shape_cast %broadcast_in_dim3A_1528 : vector<16x1xi32> to vector<16xi32>
      %gather3A_1530 = tpu.dynamic_gather %add3A_1517[%gather3A_1529] in [0] : vector<16xf32>, vector<16xi32> -> vector<16xf32>
      %add3A_1531 = arith.addf %add3A_1517, %gather3A_1530 : vector<16xf32>
      %xor3A_1532 = arith.constant 2 : i32
      %xor3A_1533 = vector.broadcast %xor3A_1532 : i32 to vector<16xi32>
      %xor3A_1534 = arith.xori %iota3A_815, %xor3A_1533 : vector<16xi32>
      %lt3A_1535 = arith.constant 0 : i32
      %lt3A_1536 = vector.broadcast %lt3A_1535 : i32 to vector<16xi32>
      %lt3A_1537 = arith.cmpi slt, %xor3A_1534, %lt3A_1536 : vector<16xi32>
      %add3A_1538 = arith.constant 16 : i32
      %add3A_1539 = vector.broadcast %add3A_1538 : i32 to vector<16xi32>
      %add3A_1540 = arith.addi %xor3A_1534, %add3A_1539 : vector<16xi32>
      %select_n3A_1541 = arith.select %lt3A_1537, %add3A_1540, %xor3A_1534 : vector<16xi1>, vector<16xi32>
      %broadcast_in_dim3A_1542 = vector.shape_cast %select_n3A_1541 : vector<16xi32> to vector<16x1xi32>
      %gather3A_1543 = vector.shape_cast %broadcast_in_dim3A_1542 : vector<16x1xi32> to vector<16xi32>
      %gather3A_1544 = tpu.dynamic_gather %add3A_1531[%gather3A_1543] in [0] : vector<16xf32>, vector<16xi32> -> vector<16xf32>
      %add3A_1545 = arith.addf %add3A_1531, %gather3A_1544 : vector<16xf32>
      %xor3A_1546 = arith.constant 1 : i32
      %xor3A_1547 = vector.broadcast %xor3A_1546 : i32 to vector<16xi32>
      %xor3A_1548 = arith.xori %iota3A_815, %xor3A_1547 : vector<16xi32>
      %lt3A_1549 = arith.constant 0 : i32
      %lt3A_1550 = vector.broadcast %lt3A_1549 : i32 to vector<16xi32>
      %lt3A_1551 = arith.cmpi slt, %xor3A_1548, %lt3A_1550 : vector<16xi32>
      %add3A_1552 = arith.constant 16 : i32
      %add3A_1553 = vector.broadcast %add3A_1552 : i32 to vector<16xi32>
      %add3A_1554 = arith.addi %xor3A_1548, %add3A_1553 : vector<16xi32>
      %select_n3A_1555 = arith.select %lt3A_1551, %add3A_1554, %xor3A_1548 : vector<16xi1>, vector<16xi32>
      %broadcast_in_dim3A_1556 = vector.shape_cast %select_n3A_1555 : vector<16xi32> to vector<16x1xi32>
      %gather3A_1557 = vector.shape_cast %broadcast_in_dim3A_1556 : vector<16x1xi32> to vector<16xi32>
      %gather3A_1558 = tpu.dynamic_gather %add3A_1545[%gather3A_1557] in [0] : vector<16xf32>, vector<16xi32> -> vector<16xf32>
      %add3A_1559 = arith.addf %add3A_1545, %gather3A_1558 : vector<16xf32>
      %select_n3A_1560 = arith.select %eq3A_1503, %add3A_1559, %select_n3A_1500 : vector<16xi1>, vector<16xf32>
      %swap3A_1561 = arith.index_cast %add3A_1200 : i32 to index
      %swap3A_1562 = arith.constant 0 : index
      %swap3A_1563 = tpu.vector_load %arg15[%swap3A_1561, %swap3A_1562] {strides = array<i32>} : memref<128x16xf32, #tpu.memory_space<vmem>>, vector<1x16xf32>,
      %swap3A_1564 = vector.shape_cast %swap3A_1563 : vector<1x16xf32> to vector<16xf32>
      %swap3A_1565 = vector.shape_cast %select_n3A_1560 : vector<16xf32> to vector<1x16xf32>
      tpu.vector_store %arg15[%swap3A_1561, %swap3A_1562], %swap3A_1565 {strides = array<i32>} : memref<128x16xf32, #tpu.memory_space<vmem>>, vector<1x16xf32>,
      %add3A_1566 = arith.constant 2 : i32
      %add3A_1567 = arith.addi %add3A_802, %add3A_1566 : i32
      %lt3A_1568 = arith.constant 64 : i32
      %lt3A_1569 = arith.cmpi slt, %add3A_1567, %lt3A_1568 : i32
      %convert_element_type3A_1570 = arith.extui %lt3A_1569 : i1 to i32
      %cond3A_1571 = arith.constant 0 : i32
      %cond3A_1572 = arith.cmpi ne, %convert_element_type3A_1570, %cond3A_1571 : i32
      scf.if %cond3A_1572 {
        %dma_start3A_1573 = arith.constant 0 : i32
        %dma_start3A_1574 = tpu.memref_slice %arg14[%add3A_1567, %dma_start3A_1573] : memref<64x4xi32, #tpu.memory_space<vmem>> -> memref<1x4xi32, #tpu.memory_space<vmem>>
        %dma_start3A_1575 = tpu.memref_squeeze %dma_start3A_1574 : memref<1x4xi32, #tpu.memory_space<vmem>> -> memref<4xi32, #tpu.memory_space<vmem>>
        %dma_start3A_1576 = arith.constant 0 : i32
        %dma_start3A_1577 = arith.constant 0 : i32
        %dma_start3A_1578 = tpu.memref_slice %arg2[%dma_start3A_1576, %dma_start3A_1577] : memref<4096x4096xf32, #tpu.memory_space<hbm>> -> memref<4096x4096xf32, #tpu.memory_space<hbm>>
        tpu.enqueue_indirect_dma source(%dma_start3A_1578 : memref<4096x4096xf32, #tpu.memory_space<hbm>>) target(%arg9 : memref<4x4096xf32, #tpu.memory_space<vmem>>) offsets(%dma_start3A_1575 : memref<4xi32, #tpu.memory_space<vmem>>) semaphore(%arg17 : memref<!tpu.dma_semaphore, #tpu.memory_space<semaphore_mem>>)
        %dma_start3A_1579 = arith.constant 0 : i32
        %dma_start3A_1580 = tpu.memref_slice %arg14[%add3A_1567, %dma_start3A_1579] : memref<64x4xi32, #tpu.memory_space<vmem>> -> memref<1x4xi32, #tpu.memory_space<vmem>>
        %dma_start3A_1581 = tpu.memref_squeeze %dma_start3A_1580 : memref<1x4xi32, #tpu.memory_space<vmem>> -> memref<4xi32, #tpu.memory_space<vmem>>
        %dma_start3A_1582 = arith.constant 0 : i32
        %dma_start3A_1583 = arith.constant 0 : i32
        %dma_start3A_1584 = tpu.memref_slice %arg3[%dma_start3A_1582, %dma_start3A_1583] : memref<4096x4096xf32, #tpu.memory_space<hbm>> -> memref<4096x4096xf32, #tpu.memory_space<hbm>>
        tpu.enqueue_indirect_dma source(%dma_start3A_1584 : memref<4096x4096xf32, #tpu.memory_space<hbm>>) target(%arg11 : memref<4x4096xf32, #tpu.memory_space<vmem>>) offsets(%dma_start3A_1581 : memref<4xi32, #tpu.memory_space<vmem>>) semaphore(%arg17 : memref<!tpu.dma_semaphore, #tpu.memory_space<semaphore_mem>>)
      } else {
      }
    }
    %scan3A_33 = arith.constant 32 : i32
    %mul3A_34 = arith.constant 128 : i32
    %mul3A_35 = arith.muli %add3A, %mul3A_34 : i32
    "tpu.region"() ({
      %run_scoped3A = tpu.sem_alloc : memref<!tpu.dma_semaphore, #tpu.memory_space<semaphore_mem>>
      %dma_start3A_36 = arith.constant 0 : i32
      %dma_start3A_37 = tpu.memref_slice %arg7[%mul3A_35, %dma_start3A_36] : memref<4096x16xf32, #tpu.memory_space<hbm>> -> memref<128x16xf32, #tpu.memory_space<hbm>>
      %dma_start3A_38 = arith.constant 0 : i32
      %dma_start3A_39 = tpu.memref_slice %arg7[%mul3A_35, %dma_start3A_38] : memref<4096x16xf32, #tpu.memory_space<hbm>> -> memref<128x16xf32, #tpu.memory_space<hbm>>
      tpu.enqueue_dma source(%arg15 : memref<128x16xf32, #tpu.memory_space<vmem>>) target(%dma_start3A_39 : memref<128x16xf32, #tpu.memory_space<hbm>>) target_semaphore(%run_scoped3A : memref<!tpu.dma_semaphore, #tpu.memory_space<semaphore_mem>>)
      %dma_wait3A = arith.constant 0 : i32
      %dma_wait3A_40 = tpu.memref_slice %arg7[%mul3A_35, %dma_wait3A] : memref<4096x16xf32, #tpu.memory_space<hbm>> -> memref<128x16xf32, #tpu.memory_space<hbm>>
      %dma_wait3A_41 = arith.constant 0 : i32
      %dma_wait3A_42 = tpu.memref_slice %arg7[%mul3A_35, %dma_wait3A_41] : memref<4096x16xf32, #tpu.memory_space<hbm>> -> memref<128x16xf32, #tpu.memory_space<hbm>>
      tpu.wait_dma2 semaphore(%run_scoped3A : memref<!tpu.dma_semaphore, #tpu.memory_space<semaphore_mem>>) src(%arg15 : memref<128x16xf32, #tpu.memory_space<vmem>>) dst(%dma_wait3A_42 : memref<128x16xf32, #tpu.memory_space<hbm>>)
      tpu.yield
    }) : () -> ()
    return
  }
}

module attributes {stable_mosaic.version = 14 : i64} {
  func.func @body(%arg0: memref<4096x16xf32, #tpu.memory_space<vmem>>, %arg1: memref<1x64xf32, #tpu.memory_space<vmem>>, %arg2: memref<1x64xf32, #tpu.memory_space<vmem>>, %arg3: memref<1x64xf32, #tpu.memory_space<vmem>>, %arg4: memref<1x1xf32, #tpu.memory_space<vmem>>, %arg5: memref<1x64xf32, #tpu.memory_space<vmem>>, %arg6: memref<1x64xf32, #tpu.memory_space<vmem>>, %arg7: memref<1x64xf32, #tpu.memory_space<vmem>>, %arg8: memref<1x1xf32, #tpu.memory_space<vmem>>, %arg9: memref<1x64xf32, #tpu.memory_space<vmem>>, %arg10: memref<1x64xf32, #tpu.memory_space<vmem>>, %arg11: memref<1x64xf32, #tpu.memory_space<vmem>>, %arg12: memref<1x1xf32, #tpu.memory_space<vmem>>, %arg13: memref<1x64xf32, #tpu.memory_space<vmem>>, %arg14: memref<1x64xf32, #tpu.memory_space<vmem>>, %arg15: memref<1x64xf32, #tpu.memory_space<vmem>>, %arg16: memref<1x1xf32, #tpu.memory_space<vmem>>, %arg17: memref<4096xf32, #tpu.memory_space<vmem>>) attributes {dimension_semantics = [], scalar_prefetch = 0 : i64, scratch_operands = 0 : i64, tpu.core_type = #tpu.core_type<tc>} {
    %get3A = arith.constant 0 : index
    %get3A_0 = arith.constant 0 : index
    %get3A_1 = vector.load %arg0[%get3A, %get3A_0] : memref<4096x16xf32, #tpu.memory_space<vmem>>, vector<4096x16xf32>
    %slice3A = vector.extract_strided_slice %get3A_1 {offsets = [0, 0], sizes = [4096, 1], strides = [1, 1]} : vector<4096x16xf32> to vector<4096x1xf32>
    %slice3A_2 = vector.extract_strided_slice %get3A_1 {offsets = [0, 1], sizes = [4096, 1], strides = [1, 1]} : vector<4096x16xf32> to vector<4096x1xf32>
    %slice3A_3 = vector.extract_strided_slice %get3A_1 {offsets = [0, 2], sizes = [4096, 1], strides = [1, 1]} : vector<4096x16xf32> to vector<4096x1xf32>
    %slice3A_4 = vector.extract_strided_slice %get3A_1 {offsets = [0, 3], sizes = [4096, 1], strides = [1, 1]} : vector<4096x16xf32> to vector<4096x1xf32>
    %slice3A_5 = vector.extract_strided_slice %get3A_1 {offsets = [0, 4], sizes = [4096, 1], strides = [1, 1]} : vector<4096x16xf32> to vector<4096x1xf32>
    %slice3A_6 = vector.extract_strided_slice %get3A_1 {offsets = [0, 5], sizes = [4096, 1], strides = [1, 1]} : vector<4096x16xf32> to vector<4096x1xf32>
    %sqrt3A = math.sqrt %slice3A_3 : vector<4096x1xf32>
    %sqrt3A_7 = math.sqrt %slice3A_6 : vector<4096x1xf32>
    %mul3A = arith.mulf %sqrt3A, %sqrt3A_7 : vector<4096x1xf32>
    %add3A = arith.constant 1.000000e-30 : f32
    %add3A_8 = vector.broadcast %add3A : f32 to vector<4096x1xf32>
    %add3A_9 = arith.addf %mul3A, %add3A_8 : vector<4096x1xf32>
    %sqrt3A_10 = math.sqrt %slice3A_4 : vector<4096x1xf32>
    %sqrt3A_11 = math.sqrt %slice3A_5 : vector<4096x1xf32>
    %mul3A_12 = arith.mulf %sqrt3A_10, %sqrt3A_11 : vector<4096x1xf32>
    %add3A_13 = arith.constant 1.000000e-30 : f32
    %add3A_14 = vector.broadcast %add3A_13 : f32 to vector<4096x1xf32>
    %add3A_15 = arith.addf %mul3A_12, %add3A_14 : vector<4096x1xf32>
    %div3A = arith.divf %slice3A, %add3A_9 : vector<4096x1xf32>
    %div3A_16 = arith.divf %slice3A_2, %add3A_15 : vector<4096x1xf32>
    %add3A_17 = arith.addf %div3A, %div3A_16 : vector<4096x1xf32>
    %slice3A_18 = vector.extract_strided_slice %add3A_17 {offsets = [0, 0], sizes = [2048, 1], strides = [1, 1]} : vector<4096x1xf32> to vector<2048x1xf32>
    %slice3A_19 = vector.extract_strided_slice %add3A_17 {offsets = [2048, 0], sizes = [2048, 1], strides = [1, 1]} : vector<4096x1xf32> to vector<2048x1xf32>
    %get3A_20 = arith.constant 0 : index
    %get3A_21 = arith.constant 0 : index
    %get3A_22 = vector.load %arg1[%get3A_20, %get3A_21] : memref<1x64xf32, #tpu.memory_space<vmem>>, vector<1x64xf32>
    %mul3A_23 = vector.broadcast %slice3A_18 : vector<2048x1xf32> to vector<2048x64xf32>
    %mul3A_24 = vector.broadcast %get3A_22 : vector<1x64xf32> to vector<2048x64xf32>
    %mul3A_25 = arith.mulf %mul3A_23, %mul3A_24 : vector<2048x64xf32>
    %get3A_26 = arith.constant 0 : index
    %get3A_27 = arith.constant 0 : index
    %get3A_28 = vector.load %arg2[%get3A_26, %get3A_27] : memref<1x64xf32, #tpu.memory_space<vmem>>, vector<1x64xf32>
    %add3A_29 = vector.broadcast %get3A_28 : vector<1x64xf32> to vector<2048x64xf32>
    %add3A_30 = arith.addf %mul3A_25, %add3A_29 : vector<2048x64xf32>
    %max3A = arith.constant 0.000000e+00 : f32
    %max3A_31 = vector.broadcast %max3A : f32 to vector<2048x64xf32>
    %max3A_32 = arith.maximumf %add3A_30, %max3A_31 : vector<2048x64xf32>
    %convert_element_type3A = arith.truncf %max3A_32 : vector<2048x64xf32> to vector<2048x64xbf16>
    %convert_element_type3A_33 = arith.extf %convert_element_type3A : vector<2048x64xbf16> to vector<2048x64xf32>
    %get3A_34 = arith.constant 0 : index
    %get3A_35 = arith.constant 0 : index
    %get3A_36 = vector.load %arg3[%get3A_34, %get3A_35] : memref<1x64xf32, #tpu.memory_space<vmem>>, vector<1x64xf32>
    %convert_element_type3A_37 = arith.truncf %get3A_36 : vector<1x64xf32> to vector<1x64xbf16>
    %convert_element_type3A_38 = arith.extf %convert_element_type3A_37 : vector<1x64xbf16> to vector<1x64xf32>
    %mul3A_39 = vector.broadcast %convert_element_type3A_38 : vector<1x64xf32> to vector<2048x64xf32>
    %mul3A_40 = arith.mulf %convert_element_type3A_33, %mul3A_39 : vector<2048x64xf32>
    %reduce_sum3A = arith.constant dense<0.000000e+00> : vector<2048xf32>
    %reduce_sum3A_41 = vector.multi_reduction <add>, %mul3A_40, %reduce_sum3A [1] : vector<2048x64xf32> to vector<2048xf32>
    %broadcast_in_dim3A = vector.shape_cast %reduce_sum3A_41 : vector<2048xf32> to vector<2048x1xf32>
    %get3A_42 = arith.constant 0 : index
    %get3A_43 = arith.constant 0 : index
    %get3A_44 = vector.load %arg4[%get3A_42, %get3A_43] : memref<1x1xf32, #tpu.memory_space<vmem>>, vector<1x1xf32>
    %add3A_45 = vector.broadcast %get3A_44 : vector<1x1xf32> to vector<2048x1xf32>
    %add3A_46 = arith.addf %broadcast_in_dim3A, %add3A_45 : vector<2048x1xf32>
    %mul3A_47 = arith.constant 5.000000e-01 : f32
    %mul3A_48 = vector.broadcast %mul3A_47 : f32 to vector<2048x1xf32>
    %mul3A_49 = arith.mulf %mul3A_48, %add3A_46 : vector<2048x1xf32>
    %get3A_50 = arith.constant 0 : index
    %get3A_51 = arith.constant 0 : index
    %get3A_52 = vector.load %arg5[%get3A_50, %get3A_51] : memref<1x64xf32, #tpu.memory_space<vmem>>, vector<1x64xf32>
    %mul3A_53 = vector.broadcast %mul3A_49 : vector<2048x1xf32> to vector<2048x64xf32>
    %mul3A_54 = vector.broadcast %get3A_52 : vector<1x64xf32> to vector<2048x64xf32>
    %mul3A_55 = arith.mulf %mul3A_53, %mul3A_54 : vector<2048x64xf32>
    %get3A_56 = arith.constant 0 : index
    %get3A_57 = arith.constant 0 : index
    %get3A_58 = vector.load %arg6[%get3A_56, %get3A_57] : memref<1x64xf32, #tpu.memory_space<vmem>>, vector<1x64xf32>
    %add3A_59 = vector.broadcast %get3A_58 : vector<1x64xf32> to vector<2048x64xf32>
    %add3A_60 = arith.addf %mul3A_55, %add3A_59 : vector<2048x64xf32>
    %max3A_61 = arith.constant 0.000000e+00 : f32
    %max3A_62 = vector.broadcast %max3A_61 : f32 to vector<2048x64xf32>
    %max3A_63 = arith.maximumf %add3A_60, %max3A_62 : vector<2048x64xf32>
    %convert_element_type3A_64 = arith.truncf %max3A_63 : vector<2048x64xf32> to vector<2048x64xbf16>
    %convert_element_type3A_65 = arith.extf %convert_element_type3A_64 : vector<2048x64xbf16> to vector<2048x64xf32>
    %get3A_66 = arith.constant 0 : index
    %get3A_67 = arith.constant 0 : index
    %get3A_68 = vector.load %arg7[%get3A_66, %get3A_67] : memref<1x64xf32, #tpu.memory_space<vmem>>, vector<1x64xf32>
    %convert_element_type3A_69 = arith.truncf %get3A_68 : vector<1x64xf32> to vector<1x64xbf16>
    %convert_element_type3A_70 = arith.extf %convert_element_type3A_69 : vector<1x64xbf16> to vector<1x64xf32>
    %mul3A_71 = vector.broadcast %convert_element_type3A_70 : vector<1x64xf32> to vector<2048x64xf32>
    %mul3A_72 = arith.mulf %convert_element_type3A_65, %mul3A_71 : vector<2048x64xf32>
    %reduce_sum3A_73 = arith.constant dense<0.000000e+00> : vector<2048xf32>
    %reduce_sum3A_74 = vector.multi_reduction <add>, %mul3A_72, %reduce_sum3A_73 [1] : vector<2048x64xf32> to vector<2048xf32>
    %get3A_75 = arith.constant 0 : index
    %get3A_76 = arith.constant 0 : index
    %get3A_77 = vector.load %arg8[%get3A_75, %get3A_76] : memref<1x1xf32, #tpu.memory_space<vmem>>, vector<1x1xf32>
    %get3A_78 = vector.extract %get3A_77[0, 0] : f32 from vector<1x1xf32>
    %add3A_79 = vector.broadcast %get3A_78 : f32 to vector<2048xf32>
    %add3A_80 = arith.addf %reduce_sum3A_74, %add3A_79 : vector<2048xf32>
    %swap3A = arith.constant 0 : index
    %swap3A_81 = vector.load %arg17[%swap3A] : memref<4096xf32, #tpu.memory_space<vmem>>, vector<2048xf32>
    tpu.vector_store %arg17[%swap3A], %add3A_80 {strides = array<i32>} : memref<4096xf32, #tpu.memory_space<vmem>>, vector<2048xf32>,
    %get3A_82 = arith.constant 0 : index
    %get3A_83 = arith.constant 0 : index
    %get3A_84 = vector.load %arg9[%get3A_82, %get3A_83] : memref<1x64xf32, #tpu.memory_space<vmem>>, vector<1x64xf32>
    %mul3A_85 = vector.broadcast %slice3A_19 : vector<2048x1xf32> to vector<2048x64xf32>
    %mul3A_86 = vector.broadcast %get3A_84 : vector<1x64xf32> to vector<2048x64xf32>
    %mul3A_87 = arith.mulf %mul3A_85, %mul3A_86 : vector<2048x64xf32>
    %get3A_88 = arith.constant 0 : index
    %get3A_89 = arith.constant 0 : index
    %get3A_90 = vector.load %arg10[%get3A_88, %get3A_89] : memref<1x64xf32, #tpu.memory_space<vmem>>, vector<1x64xf32>
    %add3A_91 = vector.broadcast %get3A_90 : vector<1x64xf32> to vector<2048x64xf32>
    %add3A_92 = arith.addf %mul3A_87, %add3A_91 : vector<2048x64xf32>
    %max3A_93 = arith.constant 0.000000e+00 : f32
    %max3A_94 = vector.broadcast %max3A_93 : f32 to vector<2048x64xf32>
    %max3A_95 = arith.maximumf %add3A_92, %max3A_94 : vector<2048x64xf32>
    %convert_element_type3A_96 = arith.truncf %max3A_95 : vector<2048x64xf32> to vector<2048x64xbf16>
    %convert_element_type3A_97 = arith.extf %convert_element_type3A_96 : vector<2048x64xbf16> to vector<2048x64xf32>
    %get3A_98 = arith.constant 0 : index
    %get3A_99 = arith.constant 0 : index
    %get3A_100 = vector.load %arg11[%get3A_98, %get3A_99] : memref<1x64xf32, #tpu.memory_space<vmem>>, vector<1x64xf32>
    %convert_element_type3A_101 = arith.truncf %get3A_100 : vector<1x64xf32> to vector<1x64xbf16>
    %convert_element_type3A_102 = arith.extf %convert_element_type3A_101 : vector<1x64xbf16> to vector<1x64xf32>
    %mul3A_103 = vector.broadcast %convert_element_type3A_102 : vector<1x64xf32> to vector<2048x64xf32>
    %mul3A_104 = arith.mulf %convert_element_type3A_97, %mul3A_103 : vector<2048x64xf32>
    %reduce_sum3A_105 = arith.constant dense<0.000000e+00> : vector<2048xf32>
    %reduce_sum3A_106 = vector.multi_reduction <add>, %mul3A_104, %reduce_sum3A_105 [1] : vector<2048x64xf32> to vector<2048xf32>
    %broadcast_in_dim3A_107 = vector.shape_cast %reduce_sum3A_106 : vector<2048xf32> to vector<2048x1xf32>
    %get3A_108 = arith.constant 0 : index
    %get3A_109 = arith.constant 0 : index
    %get3A_110 = vector.load %arg12[%get3A_108, %get3A_109] : memref<1x1xf32, #tpu.memory_space<vmem>>, vector<1x1xf32>
    %add3A_111 = vector.broadcast %get3A_110 : vector<1x1xf32> to vector<2048x1xf32>
    %add3A_112 = arith.addf %broadcast_in_dim3A_107, %add3A_111 : vector<2048x1xf32>
    %mul3A_113 = arith.constant 5.000000e-01 : f32
    %mul3A_114 = vector.broadcast %mul3A_113 : f32 to vector<2048x1xf32>
    %mul3A_115 = arith.mulf %mul3A_114, %add3A_112 : vector<2048x1xf32>
    %get3A_116 = arith.constant 0 : index
    %get3A_117 = arith.constant 0 : index
    %get3A_118 = vector.load %arg13[%get3A_116, %get3A_117] : memref<1x64xf32, #tpu.memory_space<vmem>>, vector<1x64xf32>
    %mul3A_119 = vector.broadcast %mul3A_115 : vector<2048x1xf32> to vector<2048x64xf32>
    %mul3A_120 = vector.broadcast %get3A_118 : vector<1x64xf32> to vector<2048x64xf32>
    %mul3A_121 = arith.mulf %mul3A_119, %mul3A_120 : vector<2048x64xf32>
    %get3A_122 = arith.constant 0 : index
    %get3A_123 = arith.constant 0 : index
    %get3A_124 = vector.load %arg14[%get3A_122, %get3A_123] : memref<1x64xf32, #tpu.memory_space<vmem>>, vector<1x64xf32>
    %add3A_125 = vector.broadcast %get3A_124 : vector<1x64xf32> to vector<2048x64xf32>
    %add3A_126 = arith.addf %mul3A_121, %add3A_125 : vector<2048x64xf32>
    %max3A_127 = arith.constant 0.000000e+00 : f32
    %max3A_128 = vector.broadcast %max3A_127 : f32 to vector<2048x64xf32>
    %max3A_129 = arith.maximumf %add3A_126, %max3A_128 : vector<2048x64xf32>
    %convert_element_type3A_130 = arith.truncf %max3A_129 : vector<2048x64xf32> to vector<2048x64xbf16>
    %convert_element_type3A_131 = arith.extf %convert_element_type3A_130 : vector<2048x64xbf16> to vector<2048x64xf32>
    %get3A_132 = arith.constant 0 : index
    %get3A_133 = arith.constant 0 : index
    %get3A_134 = vector.load %arg15[%get3A_132, %get3A_133] : memref<1x64xf32, #tpu.memory_space<vmem>>, vector<1x64xf32>
    %convert_element_type3A_135 = arith.truncf %get3A_134 : vector<1x64xf32> to vector<1x64xbf16>
    %convert_element_type3A_136 = arith.extf %convert_element_type3A_135 : vector<1x64xbf16> to vector<1x64xf32>
    %mul3A_137 = vector.broadcast %convert_element_type3A_136 : vector<1x64xf32> to vector<2048x64xf32>
    %mul3A_138 = arith.mulf %convert_element_type3A_131, %mul3A_137 : vector<2048x64xf32>
    %reduce_sum3A_139 = arith.constant dense<0.000000e+00> : vector<2048xf32>
    %reduce_sum3A_140 = vector.multi_reduction <add>, %mul3A_138, %reduce_sum3A_139 [1] : vector<2048x64xf32> to vector<2048xf32>
    %get3A_141 = arith.constant 0 : index
    %get3A_142 = arith.constant 0 : index
    %get3A_143 = vector.load %arg16[%get3A_141, %get3A_142] : memref<1x1xf32, #tpu.memory_space<vmem>>, vector<1x1xf32>
    %get3A_144 = vector.extract %get3A_143[0, 0] : f32 from vector<1x1xf32>
    %add3A_145 = vector.broadcast %get3A_144 : f32 to vector<2048xf32>
    %add3A_146 = arith.addf %reduce_sum3A_140, %add3A_145 : vector<2048xf32>
    %swap3A_147 = arith.constant 2048 : index
    %swap3A_148 = vector.load %arg17[%swap3A_147] : memref<4096xf32, #tpu.memory_space<vmem>>, vector<2048xf32>
    tpu.vector_store %arg17[%swap3A_147], %add3A_146 {strides = array<i32>} : memref<4096xf32, #tpu.memory_space<vmem>>, vector<2048xf32>,
    return
  }
}

</mosaic_0001>

<sc_bundles>
// kernel: kernel.4.cloned.1.call-start
scs
__scs_entry_jumppad:
0x0: {  	(pc) =	sbr.rel $0x88, $3  }
0x1: {  	(tag) =	ssettag $0x0;
	lr =	simm.s32 $0x1  }
0x2: {  	[smem:$0x3F89] =	sst lr;
	_ =	strace $0xD0000000  }
0x3: {  	_ = 	snop  }
0x4: {  	_ = 	snop  }
0x5: {  	_ = 	snop  }
0x6: {  	_ = 	snop  }
0x7: {  	_ = 	snop  }
__scs_overlays_trampoline_lowered:
0x8: {  	[smem:$0x3F98] =	sst s0  }
0x9: {  	[smem:$0x3F99] =	sst s1  }
0xa: {  	[smem:$0x3F9A] =	sst s2  }
0xb: {  	[smem:$0x3F9B] =	sst s3  }
0xc: {  	[smem:$0x3F9C] =	sst s4  }
0xd: {  	[smem:$0x3F9D] =	sst s5  }
0xe: {  	[smem:$0x3F9E] =	sst s6  }
0xf: {  	[smem:$0x3F9F] =	sst s7  }
0x10: {  	[smem:$0x3FA0] =	sst s8  }
0x11: {  	[smem:$0x3FA1] =	sst s9;
	s0 =	simm.s32 @!p0 $0x0  }
0x12: {  	s1 =	sld [smem:$0x3F87];
	s0 =	simm.s32 @p0 $0x1  }
0x13: {  	[smem:$0x3FA2] =	sst s0;
	s0 =	simm.s32 @!p1 $0x0  }
0x14: {  	s2 =	sld [smem:$0x3F86];
	s0 =	simm.s32 @p1 $0x1  }
0x15: {  	[smem:$0x3FA3] =	sst s0;
	s0 =	simm.s32 @!p2 $0x0  }
0x16: {  	s3 =	sld [smem:$0x3FDB];
	s0 =	simm.s32 @p2 $0x1  }
0x17: {  	s4 =	simm.s32 $0x1BF5;
	[smem:$0x3FA5] =	sst s0  }
0x18: {  	s0 =	sld [smem:$0x3F88];
	_ =	swait.ge [sflag:s4], $0x0  }
0x19: {  	s7 =	sld [smem:$0x3F89]  }
0x1a: {  	s8 =	sadd.s32 $0xFFFFE003, lr  }
0x1b: {  	s9 =	sadd.s32 $0xFFFFFEF7, lr;
	s5 =	simm.s32 $0xFFFFFFFF;
	p2 =	slt.u32 s8, $0xFFFFF086  }
0x1c: {  	p1 =	slt.u32 s9, $0xF7A;
	s5 =	simm.s32 @!p2 $0x0  }
0x1d: {  	s5 =	simm.s32 @p1 $0x1;
	p0 =	seq.s32 s7, s2  }
0x1e: {  	s7 =	smul.u32 @!p0 $0xF7A, s2;
	p2 =	seq.s32 @!p0 s5, $0x0  }
0x1f: {  	s9 =	smul.u32 $0xF7A, s1;
	s8 =	simm.s32 @!p0 $0x1BF5;
	p2 =	por !p2, p0  }
0x20: {  	[sflag:s8] =	ssyncset.s32 @!p0 $0xFFFFF086;
	s6 =	sadd.s32 @!p0 s3, s7;
	s7 =	simm.s32 @!p0 $0x108  }
0x21: {  	s3 =	sadd.s32 s3, s9;
	s6 =	sadd.s32 @!p0 $0x88, s6;
	s7 =	simm.s32 @p2 $0x1082  }
0x22: {  	[simem:s7], [sflag:s8] =	dma.local @!p0 [hbm:s6], $0xF7A  }
0x23: {  	s9 =	sor.u32 $0xD0000000, s2;
	s6 =	simm.s32 $0x108;
	_ =	swait.ge @!p0 [sflag:s8], $0x0  }
0x24: {  	s3 =	sadd.s32 $0x88, s3;
	s6 =	simm.s32 @!p1 $0x1082;
	[sflag:s4] =	ssyncset.s32 $0xFFFFF086  }
0x25: {  	[simem:s6], [sflag:s4] =	dma.local [hbm:s3], $0xF7A  }
0x26: {  	[smem:$0x3F89] =	sst s1;
	(tag) =	ssettag s2;
	_ =	strace s9  }
0x27: {  	s1 =	sld [smem:$0x3F99]  }
0x28: {  	s2 =	sld [smem:$0x3F9A]  }
0x29: {  	s4 =	sld [smem:$0x3F9C]  }
0x2a: {  	p0 =	seq.s32 s5, $0x0;
	s5 =	sld [smem:$0x3F9D]  }
0x2b: {  	s6 =	sld [smem:$0x3F9E]  }
0x2c: {  	s7 =	sld [smem:$0x3F9F]  }
0x2d: {  	s3 =	simm.s32 $0x108;
	s8 =	sld [smem:$0x3FA0]  }
0x2e: {  	s3 =	simm.s32 @!p0 $0x1082;
	s9 =	sld [smem:$0x3FA1]  }
0x2f: {  	lr =	sadd.s32 s0, s3;
	s0 =	sld [smem:$0x3F98]  }
0x30: {  	s3 =	sld [smem:$0x3F9B]  }
0x31: {  	[smem:$0x3FA4] =	sst s10  }
0x32: {  	s10 =	sld [smem:$0x3FA2];
	_ =	sdelay $0x3  }
0x33: {  	p0 =	seq.s32 s10, $0x1;
	s10 =	sld [smem:$0x3FA4];
	_ =	sdelay $0x3  }
0x34: {  	[smem:$0x3FA4] =	sst s10  }
0x35: {  	s10 =	sld [smem:$0x3FA3];
	_ =	sdelay $0x3  }
0x36: {  	p1 =	seq.s32 s10, $0x1;
	s10 =	sld [smem:$0x3FA4];
	_ =	sdelay $0x3  }
0x37: {  	[smem:$0x3FA4] =	sst s10  }
0x38: {  	s10 =	sld [smem:$0x3FA5]  }
0x39: {  	_ = 	snop;
	(pc) =	sbr.ind lr, $3  }
0x3a: {  	_ = 	snop  }
0x3b: {  	_ = 	snop  }
0x3c: {  	p2 =	seq.s32 s10, $0x1;
	s10 =	sld [smem:$0x3FA4]  }
0x3d: {  	_ =	shalt  }
0x3e: {  	_ =	shalt  }
0x3f: {  	_ =	shalt  }
0x40: {  	_ =	shalt  }
0x41: {  	_ =	shalt  }
0x42: {  	_ =	shalt  }
0x43: {  	_ =	shalt  }
0x44: {  	_ =	shalt  }
0x45: {  	_ =	shalt  }
0x46: {  	_ =	shalt  }
0x47: {  	_ =	shalt  }
0x48: {  	_ =	shalt  }
0x49: {  	_ =	shalt  }
0x4a: {  	_ =	shalt  }
0x4b: {  	_ =	shalt  }
0x4c: {  	_ =	shalt  }
0x4d: {  	_ =	shalt  }
0x4e: {  	_ =	shalt  }
0x4f: {  	_ =	shalt  }
0x50: {  	_ =	shalt  }
0x51: {  	_ =	shalt  }
0x52: {  	_ =	shalt  }
0x53: {  	_ =	shalt  }
0x54: {  	_ =	shalt  }
0x55: {  	_ =	shalt  }
0x56: {  	_ =	shalt  }
0x57: {  	_ =	shalt  }
0x58: {  	_ =	shalt  }
0x59: {  	_ =	shalt  }
0x5a: {  	_ =	shalt  }
0x5b: {  	_ =	shalt  }
0x5c: {  	_ =	shalt  }
0x5d: {  	_ =	shalt  }
0x5e: {  	_ =	shalt  }
0x5f: {  	_ =	shalt  }
0x60: {  	_ =	shalt  }
0x61: {  	_ =	shalt  }
0x62: {  	_ =	shalt  }
0x63: {  	_ =	shalt  }
0x64: {  	_ =	shalt  }
0x65: {  	_ =	shalt  }
0x66: {  	_ =	shalt  }
0x67: {  	_ =	shalt  }
0x68: {  	_ =	shalt  }
0x69: {  	_ =	shalt  }
0x6a: {  	_ =	shalt  }
0x6b: {  	_ =	shalt  }
0x6c: {  	_ =	shalt  }
0x6d: {  	_ =	shalt  }
0x6e: {  	_ =	shalt  }
0x6f: {  	_ =	shalt  }
0x70: {  	_ =	shalt  }
0x71: {  	_ =	shalt  }
0x72: {  	_ =	shalt  }
0x73: {  	_ =	shalt  }
0x74: {  	_ =	shalt  }
0x75: {  	_ =	shalt  }
0x76: {  	_ =	shalt  }
0x77: {  	_ =	shalt  }
0x78: {  	_ =	shalt  }
0x79: {  	_ =	shalt  }
0x7a: {  	_ =	shalt  }
0x7b: {  	_ =	shalt  }
0x7c: {  	_ =	shalt  }
0x7d: {  	_ =	shalt  }
0x7e: {  	_ =	shalt  }
0x7f: {  	_ =	shalt  }
0x80: {  	_ =	shalt  }
0x81: {  	_ =	shalt  }
0x82: {  	_ =	shalt  }
0x83: {  	_ =	shalt  }
0x84: {  	_ =	shalt  }
0x85: {  	_ =	shalt  }
0x86: {  	_ =	shalt  }
0x87: {  	_ =	shalt  }
.Lfunc_end0:
.L_simem_size_0:
called_computation_lowered:
.L_overlay_start_0:
0x88: {  	s2 =	sld [smem:$0x3FD9]  }
0x89: {  	s3 =	sld [smem:$0x3FFE];
	_ =	sdelay $0x1  }
0x8a: {  	s1 =	srdreg.scid  }
0x8b: {  	s0 =	sand.u32 $0x1, s1  }
0x8c: {  	s17 =	sshll.u32 s0, $0xA;
	s2 =	sadd.s32 s3, s2  }
0x8d: {  	s2 =	sadd.s32 s2, s17  }
0x8e: {  	[smem:$0x3FB0] =	sst s2  }
0x8f: {  	_ = 	snop  }
0x90: {  	s2 =	sld [smem:$0x3FC9]  }
0x91: {  	s18 =	sld [smem:$0x3FC8]  }
0x92: {  	s4 =	sld [smem:$0x3FC7]  }
0x93: {  	s5 =	sld [smem:$0x3FC6];
	(tm) =	ssettm $0x1  }
0x94: {  	s6 =	sld [smem:$0x3FFB];
	_ =	sdelay $0x3  }
0x95: {  	_ =	strace s6  }
0x96: {  	s6 =	sld [smem:$0x3FFC];
	_ =	sdelay $0x3  }
0x97: {  	_ =	strace s6  }
0x98: {  	s6 =	sld [smem:$0x3FFD];
	_ =	sdelay $0x3  }
0x99: {  	_ =	strace s6  }
0x9a: {  	_ =	strace $0x8FFFFFFF  }
0x9b: {  	s19 =	sld [smem:$0x3FDB];
	_ =	sdelay $0x1  }
0x9c: {  	s7 =	simm.s32 $_scs_section_size  }
0x9d: {  	s8 =	simm.s32 $_size__tile_overlayer_lowered;
	s9 =	simm.s32 $_tile_overlayer_lowered  }
0x9e: {  	s22 =	simm.s32 $0x1BFF;
	s21 =	sshll.u32 s9, $0x1;
	s6 =	sadd.s32 s7, s19  }
0x9f: {  	s10 =	simm.s32 $0x0;
	s20 =	sshll.u32 s8, $0x1;
	s8 =	sadd.s32 s21, s6  }
0xa0: {  	[timem:s10], [sflag:s22] =	dma.local [hbm:s8], s20  }
0xa1: {  	_ =	swait.ge [sflag:s22], s20  }
0xa2: {  	s7 =	ssub.s32 $0x0, s20;
	[sflag:s22] =	ssyncset.done $0x0  }
0xa3: {  	[sflag:s22] =	ssyncadd.s32 s7;
	_ =	sdelay $0x1  }
0xa4: {  	s23 =	simm.s32 $0x1B8B  }
0xa5: {  	_ =	swait.ge [sflag:s23], $0x1  }
0xa6: {  	[sflag:s23] =	ssyncset.done $0x0  }
0xa7: {  	s25 =	simm.s32 $0x1B8E;
	s24 =	sld [smem:$0x3FFE];
	[sflag:s23] =	ssyncadd.s32 $0xFFFFFFFF  }
0xa8: {  	s26 =	simm.s32 $execute0_lowered;
	[smem:$0x3FD2] =	sst s25  }
0xa9: {  	s8 =	sshll.u32 s26, $0x1;
	_ =	strace $0x80000046;
	[dreg:$0x1] =	wrdreg $0xFFFFFFFF  }
0xaa: {  	s28 =	simm.s32 $_size_execute0_lowered;
	s6 =	sadd.s32 s6, s8;
	[dreg:$0x0] =	wrdreg $0x0  }
0xab: {  	s8 =	sshll.u32 s28, $0x1;
	[dreg:$0x2] =	wrdreg s6  }
0xac: {  	[dreg:$0x3] =	wrdreg s8  }
0xad: {  	[dreg:$0x4] =	wrdreg $0xC0  }
0xae: {  	_ =	task [dreg:s10], $0x5FFFF  }
0xaf: {  	[dreg:$0x1] =	wrdreg $0xFFFFFFFF  }
0xb0: {  	[dreg:$0x0] =	wrdreg $0x60  }
0xb1: {  	[dreg:$0x2] =	wrdreg s2  }
0xb2: {  	[dreg:$0x3] =	wrdreg s18  }
0xb3: {  	[dreg:$0x4] =	wrdreg s24  }
0xb4: {  	[dreg:$0x5] =	wrdreg s4  }
0xb5: {  	[dreg:$0x6] =	wrdreg s5  }
0xb6: {  	[dreg:$0x7] =	wrdreg $0x9  }
0xb7: {  	_ =	task.clear_ibuf [dreg:s10], $0x8FFFF;
	_ =	strace $0x90000046  }
0xb8: {  	s29 =	simm.s32 $0x9;
	_ =	strace $0x80000048  }
0xb9: {  	_ =	swait.ge [sflag:s29], $0x1  }
0xba: {  	[sflag:s29] =	ssyncadd.s32 $0xFFFFFFFF  }
0xbb: {  	_ =	strace $0x90000048  }
0xbc: {  	_ =	sfence  }
0xbd: {  	s30 =	sld [smem:$0x0];
	_ =	sdelay $0x2  }
0xbe: {  	s31 =	sshll.u32 s1, $0xD;
	s1 =	sshrl.u32 s1, $0x2  }
0xbf: {  	s3 =	sand.u32 $0x4000, s31;
	s1 =	sadd.s32 s1, s30  }
0xc0: {  	s0 =	sor.u32 s3, s0;
	s1 =	sshll.u32 s1, $0x11  }
0xc1: {  	s0 =	sor.u32 s1, s0  }
0xc2: {  	s0 =	sadd.s32 $0x8F2B, s0  }
0xc3: {  	[sflag:s0] =	ssyncadd.remote.s32 $0x1  }
0xc4: {  	_ =	sfence.sel $0xFFFF  }
0xc5: {  	[dreg:$0x0] =	wrdreg $0xFFFFFFFF;
	(pc) =	sbr.abs _section_cstart, $3  }
0xc6: {  	[dreg:$0x1] =	wrdreg $0xFFFFFFFF  }
0xc7: {  	_ =	task.clear_ibuf [dreg:s10], $0x2FFFF;
	_ =	strace $0x9FFFFFFF  }
0xc8: {  	(tm) =	ssettm $0x7FFFFFFF  }
0xc9: {  	_ =	shalt  }
tec
execute0_lowered:
.L_overlay_start_1:
0x0: {  	(tag) =	ssettag $0x1  }
0x1: {  	s9 =	rddreg [dreg:$0x0]  }
0x2: {  	s2 =	rddreg [dreg:$0x1]  }
0x3: {  	s0 =	rddreg [dreg:$0x2];
	s1 =	srdreg.scid;
	v0 =	vimm.s32 $0x76543210;
	v1 =	vimm.s32 $0xFEDCBA98  }
0x4: {  	s3 =	stileid.u32;
	s6 =	simm.s32 $0x0;
	v2 =	vimm.s32 $0xBA98FEDC;
	v3 =	vimm.s32 $0x32107654;
	v4 =	vimm.s32 $0xDCFE98BA;
	s24 =	simm.s32 $0x1  }
0x5: {  	v5 =	vimm.s32 $0x54761032;
	v6 =	vimm.s32 $0xEFCDAB89;
	s1 =	sand.u32 $0x1, s1;
	s3 =	sshll.u32 s3, $0x1;
	[smem:$0x7FF] =	sst s6  }
0x6: {  	v7 =	vimm.s32 $0x67452301;
	vm0 =	vmmov $0xffff;
	vm1 =	vmmov $0x1;
	s28 =	sadd.s32 $0x200, s9;
	s29 =	sadd.s32 $0x400, s9;
	s30 =	sadd.s32 $0x600, s9  }
0x7: {  	vm2 =	vcmask $0x318;
	vm3 =	vcmask $0x718;
	vm4 =	vcmask $0xB18;
	s11 =	sadd.s32 $0x800, s9;
	s12 =	sadd.s32 $0xA00, s9;
	s13 =	sadd.s32 $0xC00, s9  }
0x8: {  	vm5 =	vcmask $0xF18;
	s14 =	sadd.s32 $0xE00, s9;
	s15 =	sadd.s32 $0x200, s2;
	s16 =	sadd.s32 $0x400, s2;
	v1 =	vunpack.c.l.s4.s8 v1;
	v2 =	vunpack.c.l.s4.s8 v2  }
0x9: {  	s17 =	sadd.s32 $0x600, s2;
	s18 =	sadd.s32 $0x800, s2;
	s19 =	sadd.s32 $0xA00, s2;
	v3 =	vunpack.c.l.s4.s8 v3;
	v4 =	vunpack.c.l.s4.s8 v4;
	v5 =	vunpack.c.l.s4.s8 v5  }
0xa: {  	s20 =	sadd.s32 $0xC00, s2;
	v6 =	vunpack.c.l.s4.s8 v6;
	v7 =	vunpack.c.l.s4.s8 v7;
	_ =	strace $0x80000047;
	[dreg:$0x7] =	wrdreg s28;
	v2 =	vunpack.c.0.s8.s32 v2  }
0xb: {  	s21 =	sadd.s32 $0xE00, s2;
	s3 =	sor.u32 s1, s3;
	[dreg:$0x8] =	wrdreg s29;
	v3 =	vunpack.c.0.s8.s32 v3;
	v4 =	vunpack.c.0.s8.s32 v4;
	v5 =	vunpack.c.0.s8.s32 v5  }
0xc: {  	v0 =	vunpack.c.l.s4.s8 v0;
	s1 =	ssub.s32 $0x2, s1;
	[dreg:$0x9] =	wrdreg s30;
	s4 =	sshll.u32 s3, $0xA;
	v6 =	vunpack.c.0.s8.s32 v6;
	v7 =	vunpack.c.0.s8.s32 v7  }
.Ltmp0:
0xd: {  	s3 =	sshll.u32 s3, $0xB;
	v1 =	vunpack.c.0.s8.s32 v1;
	s4 =	sadd.s32 s4, s0;
	v3 =	vcombine.low v3, v2;
	v4 =	vcombine.low v5, v4;
	(pc) =	sbr.rel .LBB2_1-.Ltmp0, $4  }
0xe: {  	s5 =	sshrl.u32 s1, $0x1;
	s0 =	sadd.s32 s3, s0;
	s26 =	sadd.s32 $0x1E00, s4;
	v2 =	vlaneseq.u32;
	v5 =	vunpack.c.0.s8.s32 v0;
	v6 =	vcombine.low v7, v6  }
0xf: {  	s1 =	ssub.s32 s1, s5;
	s0 =	sadd.s32 $0x9E00, s0;
	v7 =	vand.u32 $0xF, v1;
	[dreg:$0x6] =	wrdreg s26;
	v0 =	vand.u32 $0x3, v2;
	v2 =	vshrl.u32 v2, $0x2  }
0x10: {  	vm6 =	vcmask $0x1318;
	s2 =	simm.s32 $0x3;
	s31 =	smax.u32 s1, $0x1;
	[dreg:$0xa] =	wrdreg s0;
	v1 =	vmul.u32 $0x8, v2;
	v2 =	vcombine.low v7, v5  }
0x11: {  	s1 =	simm.s32 $0x0;
	[dreg:$0xb] =	wrdreg s31;
	s26 =	simm.s32 $0x2;
	v3 =	vand.u32 $0xF, v3;
	v4 =	vand.u32 $0xF, v4;
	v5 =	vand.u32 $0xF, v6  }
.LBB2_12:
0x12: {  	s0 =	rddreg [dreg:$0xa];
	s1 =	simm.s32 $0x14000;
	s2 =	simm.s32 $0x3  }
0x13: {  	[hbm4b:s0+s6] =	stream.linear.scatter [tilespmem:s1], [sflag:$0x3], $0x4000, $0x38;
	[tilespmem:$0x18000] =	vst v63  }
0x14: {  	_ =	swait.ge [sflag:s2], $0x4000  }
0x15: {  	s30 =	rddreg [dreg:$0xc]  }
0x16: {  	s31 =	rddreg [dreg:$0xb];
	s1 =	sadd.s32 $0x1, s30  }
0x17: {  	p0 =	sne.s32 s1, s31  }
.Ltmp1:
0x18: {  	_ = 	snop;
	(pc) =	sbr.rel @!p0 .LBB2_13-.Ltmp1, $3  }
0x19: {  	_ =	sdelay $0x1  }
0x1a: {  	[sflag:s2] =	ssyncset.done $0x0  }
0x1b: {  	[sflag:s2] =	ssyncadd.s32 $0xFFFFC000  }
.LBB2_1:
0x1c: {  	[dreg:$0xc] =	wrdreg s1  }
0x1d: {  	s0 =	rddreg [dreg:$0x6];
	s4 =	simm.s32 $0x12000  }
0x1e: {  	[tilespmem:s4], [sflag:$0x3] =	stream.linear.gather [hbm4b:s0+s6], $0x2000, $0x38;
	[tilespmem:$0x18000] =	vst v63  }
0x1f: {  	_ =	swait.ge [sflag:s2], $0x2000  }
0x20: {  	[sflag:s2] =	ssyncset.done $0x0  }
0x21: {  	[sflag:s2] =	ssyncadd.s32 $0xFFFFE000  }
0x22: {  	s7 =	simm.s32 $0x10000;
	s5 =	rddreg [dreg:$0x3]  }
0x23: {  	[tilespmem:s7], [sflag:$0x3] =	stream.linear.gather [hbm4b:s5+s6], $0x1000, $0x38;
	[tilespmem:$0x18000] =	vst v63  }
0x24: {  	_ =	swait.ge [sflag:s2], $0x1000  }
0x25: {  	[sflag:s2] =	ssyncset.done $0x0  }
0x26: {  	[sflag:s2] =	ssyncadd.s32 $0xFFFFF000  }
0x27: {  	s10 =	simm.s32 $0x11000;
	s8 =	rddreg [dreg:$0x4]  }
0x28: {  	[tilespmem:s10], [sflag:$0x3] =	stream.linear.gather [hbm4b:s8+s6], $0x1000, $0x38;
	[tilespmem:$0x18000] =	vst v63  }
0x29: {  	_ =	swait.ge [sflag:s2], $0x1000  }
0x2a: {  	[sflag:s2] =	ssyncset.done $0x0  }
0x2b: {  	[sflag:s2] =	ssyncadd.s32 $0xFFFFF000  }
0x2c: {  	v6 =	vld.msk [tilespmem:$0x12000], $0xf;
	_ =	sdelay $0x4  }
0x2d: {  	v7 =	vshll.u32 v6, $0x5  }
0x2e: {  	v6 =	vand.u32 $0x7, v6;
	v7 =	vand.u32 $0xFFFFFF00, v7  }
0x2f: {  	v6 =	vor.u32 v6, v7  }
0x30: {  	v6 =	vperm.xlane v6, v0;
	_ =	sdelay $0x1  }
0x31: {  	v6 =	vadd.s32 v1, v6;
	_ =	sdelay $0x4  }
0x32: {  	[tilespmem:s6], [sflag:$0x1] =	stream.indirect_vreg.gather [hbm4b:s9+s6], $0x80, v6, vm0, $0xb8;
	[tilespmem:$0x18000] =	vst v63  }
0x33: {  	s22 =	simm.s32 $0x800;
	s1 =	rddreg [dreg:$0x7]  }
0x34: {  	[tilespmem:s22], [sflag:$0x1] =	stream.indirect_vreg.gather [hbm4b:s1+s6], $0x80, v6, vm0, $0xb8;
	[tilespmem:$0x18000] =	vst v63  }
0x35: {  	s23 =	simm.s32 $0x1000;
	s2 =	rddreg [dreg:$0x8]  }
0x36: {  	[tilespmem:s23], [sflag:$0x1] =	stream.indirect_vreg.gather [hbm4b:s2+s6], $0x80, v6, vm0, $0xb8;
	[tilespmem:$0x18000] =	vst v63  }
0x37: {  	s25 =	simm.s32 $0x1800;
	s3 =	rddreg [dreg:$0x9]  }
0x38: {  	[tilespmem:s25], [sflag:$0x1] =	stream.indirect_vreg.gather [hbm4b:s3+s6], $0x80, v6, vm0, $0xb8;
	[tilespmem:$0x18000] =	vst v63  }
0x39: {  	s29 =	simm.s32 $0x2000  }
0x3a: {  	[tilespmem:s29], [sflag:$0x1] =	stream.indirect_vreg.gather [hbm4b:s11+s6], $0x80, v6, vm0, $0xb8;
	[tilespmem:$0x18000] =	vst v63  }
0x3b: {  	s30 =	simm.s32 $0x2800  }
0x3c: {  	[tilespmem:s30], [sflag:$0x1] =	stream.indirect_vreg.gather [hbm4b:s12+s6], $0x80, v6, vm0, $0xb8;
	[tilespmem:$0x18000] =	vst v63  }
0x3d: {  	s31 =	simm.s32 $0x3000  }
0x3e: {  	[tilespmem:s31], [sflag:$0x1] =	stream.indirect_vreg.gather [hbm4b:s13+s6], $0x80, v6, vm0, $0xb8;
	[tilespmem:$0x18000] =	vst v63  }
0x3f: {  	s4 =	simm.s32 $0x3800  }
0x40: {  	[tilespmem:s4], [sflag:$0x1] =	stream.indirect_vreg.gather [hbm4b:s14+s6], $0x80, v6, vm0, $0xb8;
	[tilespmem:$0x18000] =	vst v63  }
0x41: {  	v6 =	vld.msk [tilespmem:$0x12000], $0xf;
	_ =	sdelay $0x4  }
0x42: {  	v7 =	vshll.u32 v6, $0x5  }
0x43: {  	v6 =	vand.u32 $0x7, v6;
	v7 =	vand.u32 $0xFFFFFF00, v7  }
0x44: {  	v6 =	vor.u32 v6, v7  }
0x45: {  	v6 =	vperm.xlane v6, v0;
	_ =	sdelay $0x1  }
0x46: {  	v6 =	vadd.s32 v1, v6;
	_ =	sdelay $0x3  }
0x47: {  	s0 =	rddreg [dreg:$0x1];
	s4 =	simm.s32 $0x8000  }
0x48: {  	[tilespmem:s4], [sflag:$0x1] =	stream.indirect_vreg.gather [hbm4b:s0+s6], $0x80, v6, vm0, $0xb8;
	[tilespmem:$0x18000] =	vst v63  }
0x49: {  	s5 =	simm.s32 $0x8800  }
0x4a: {  	[tilespmem:s5], [sflag:$0x1] =	stream.indirect_vreg.gather [hbm4b:s15+s6], $0x80, v6, vm0, $0xb8;
	[tilespmem:$0x18000] =	vst v63  }
0x4b: {  	s7 =	simm.s32 $0x9000  }
0x4c: {  	[tilespmem:s7], [sflag:$0x1] =	stream.indirect_vreg.gather [hbm4b:s16+s6], $0x80, v6, vm0, $0xb8;
	[tilespmem:$0x18000] =	vst v63  }
0x4d: {  	s8 =	simm.s32 $0x9800  }
0x4e: {  	[tilespmem:s8], [sflag:$0x1] =	stream.indirect_vreg.gather [hbm4b:s17+s6], $0x80, v6, vm0, $0xb8;
	[tilespmem:$0x18000] =	vst v63  }
0x4f: {  	s10 =	simm.s32 $0xA000  }
0x50: {  	[tilespmem:s10], [sflag:$0x1] =	stream.indirect_vreg.gather [hbm4b:s18+s6], $0x80, v6, vm0, $0xb8;
	[tilespmem:$0x18000] =	vst v63  }
0x51: {  	s22 =	simm.s32 $0xA800  }
0x52: {  	[tilespmem:s22], [sflag:$0x1] =	stream.indirect_vreg.gather [hbm4b:s19+s6], $0x80, v6, vm0, $0xb8;
	[tilespmem:$0x18000] =	vst v63  }
0x53: {  	s23 =	simm.s32 $0xB000  }
0x54: {  	[tilespmem:s23], [sflag:$0x1] =	stream.indirect_vreg.gather [hbm4b:s20+s6], $0x80, v6, vm0, $0xb8;
	[tilespmem:$0x18000] =	vst v63  }
0x55: {  	s25 =	simm.s32 $0xB800  }
0x56: {  	[tilespmem:s25], [sflag:$0x1] =	stream.indirect_vreg.gather [hbm4b:s21+s6], $0x80, v6, vm0, $0xb8;
	[tilespmem:$0x18000] =	vst v63  }
0x57: {  	v6 =	vld.msk [tilespmem:$0x12080], $0xf;
	_ =	sdelay $0x4  }
0x58: {  	v7 =	vshll.u32 v6, $0x5  }
0x59: {  	v6 =	vand.u32 $0x7, v6;
	v7 =	vand.u32 $0xFFFFFF00, v7  }
0x5a: {  	v6 =	vor.u32 v6, v7  }
0x5b: {  	v6 =	vperm.xlane v6, v0;
	_ =	sdelay $0x1  }
0x5c: {  	v6 =	vadd.s32 v1, v6;
	_ =	sdelay $0x3  }
0x5d: {  	s29 =	simm.s32 $0x4000  }
0x5e: {  	[tilespmem:s29], [sflag:$0x2] =	stream.indirect_vreg.gather [hbm4b:s9+s6], $0x80, v6, vm0, $0xb8;
	[tilespmem:$0x18000] =	vst v63  }
0x5f: {  	s30 =	simm.s32 $0x4800  }
0x60: {  	[tilespmem:s30], [sflag:$0x2] =	stream.indirect_vreg.gather [hbm4b:s1+s6], $0x80, v6, vm0, $0xb8;
	[tilespmem:$0x18000] =	vst v63  }
0x61: {  	s31 =	simm.s32 $0x5000  }
0x62: {  	[tilespmem:s31], [sflag:$0x2] =	stream.indirect_vreg.gather [hbm4b:s2+s6], $0x80, v6, vm0, $0xb8;
	[tilespmem:$0x18000] =	vst v63  }
0x63: {  	s2 =	simm.s32 $0x5800  }
0x64: {  	[tilespmem:s2], [sflag:$0x2] =	stream.indirect_vreg.gather [hbm4b:s3+s6], $0x80, v6, vm0, $0xb8;
	[tilespmem:$0x18000] =	vst v63  }
0x65: {  	s3 =	simm.s32 $0x6000  }
0x66: {  	[tilespmem:s3], [sflag:$0x2] =	stream.indirect_vreg.gather [hbm4b:s11+s6], $0x80, v6, vm0, $0xb8;
	[tilespmem:$0x18000] =	vst v63  }
0x67: {  	s4 =	simm.s32 $0x6800  }
0x68: {  	[tilespmem:s4], [sflag:$0x2] =	stream.indirect_vreg.gather [hbm4b:s12+s6], $0x80, v6, vm0, $0xb8;
	[tilespmem:$0x18000] =	vst v63  }
0x69: {  	s5 =	simm.s32 $0x7000  }
0x6a: {  	[tilespmem:s5], [sflag:$0x2] =	stream.indirect_vreg.gather [hbm4b:s13+s6], $0x80, v6, vm0, $0xb8;
	[tilespmem:$0x18000] =	vst v63  }
0x6b: {  	s7 =	simm.s32 $0x7800  }
0x6c: {  	[tilespmem:s7], [sflag:$0x2] =	stream.indirect_vreg.gather [hbm4b:s14+s6], $0x80, v6, vm0, $0xb8;
	[tilespmem:$0x18000] =	vst v63  }
0x6d: {  	v6 =	vld.msk [tilespmem:$0x12080], $0xf;
	_ =	sdelay $0x4  }
0x6e: {  	v7 =	vshll.u32 v6, $0x5  }
0x6f: {  	v6 =	vand.u32 $0x7, v6;
	v7 =	vand.u32 $0xFFFFFF00, v7  }
0x70: {  	v6 =	vor.u32 v6, v7  }
0x71: {  	v6 =	vperm.xlane v6, v0;
	_ =	sdelay $0x1  }
0x72: {  	v6 =	vadd.s32 v1, v6;
	_ =	sdelay $0x3  }
0x73: {  	s8 =	simm.s32 $0xC000  }
0x74: {  	[tilespmem:s8], [sflag:$0x2] =	stream.indirect_vreg.gather [hbm4b:s0+s6], $0x80, v6, vm0, $0xb8;
	[tilespmem:$0x18000] =	vst v63  }
0x75: {  	s10 =	simm.s32 $0xC800  }
0x76: {  	[tilespmem:s10], [sflag:$0x2] =	stream.indirect_vreg.gather [hbm4b:s15+s6], $0x80, v6, vm0, $0xb8;
	[tilespmem:$0x18000] =	vst v63  }
0x77: {  	s22 =	simm.s32 $0xD000  }
0x78: {  	[tilespmem:s22], [sflag:$0x2] =	stream.indirect_vreg.gather [hbm4b:s16+s6], $0x80, v6, vm0, $0xb8;
	[tilespmem:$0x18000] =	vst v63  }
0x79: {  	s23 =	simm.s32 $0xD800  }
0x7a: {  	[tilespmem:s23], [sflag:$0x2] =	stream.indirect_vreg.gather [hbm4b:s17+s6], $0x80, v6, vm0, $0xb8;
	[tilespmem:$0x18000] =	vst v63  }
0x7b: {  	s25 =	simm.s32 $0xE000  }
0x7c: {  	[tilespmem:s25], [sflag:$0x2] =	stream.indirect_vreg.gather [hbm4b:s18+s6], $0x80, v6, vm0, $0xb8;
	[tilespmem:$0x18000] =	vst v63  }
0x7d: {  	s29 =	simm.s32 $0xE800  }
0x7e: {  	[tilespmem:s29], [sflag:$0x2] =	stream.indirect_vreg.gather [hbm4b:s19+s6], $0x80, v6, vm0, $0xb8;
	[tilespmem:$0x18000] =	vst v63  }
0x7f: {  	s30 =	simm.s32 $0xF000  }
0x80: {  	[tilespmem:s30], [sflag:$0x2] =	stream.indirect_vreg.gather [hbm4b:s20+s6], $0x80, v6, vm0, $0xb8;
	[tilespmem:$0x18000] =	vst v63  }
0x81: {  	s28 =	simm.s32 $0x0;
	s31 =	simm.s32 $0xF800  }
0x82: {  	[tilespmem:s31], [sflag:$0x2] =	stream.indirect_vreg.gather [hbm4b:s21+s6], $0x80, v6, vm0, $0xb8;
	[tilespmem:$0x18000] =	vst v63  }
.LBB2_2:
0x83: {  	_ =	swait.ge [sflag:s24], $0x4000  }
0x84: {  	[sflag:s24] =	ssyncset.done $0x0  }
0x85: {  	[sflag:s24] =	ssyncadd.s32 $0xFFFFC000  }
0x86: {  	_ =	swait.ge [sflag:s24], $0x4000  }
0x87: {  	s0 =	simm.s32 $0x0;
	s3 =	simm.s32 $0x0;
	[sflag:s24] =	ssyncset.done $0x0  }
0x88: {  	s1 =	sand.u32 $0x40, s0;
	s4 =	sand.u32 $0x3E00, s0;
	[sflag:s24] =	ssyncadd.s32 $0xFFFFC000  }
0x89: {  	s5 =	sor.u32 s1, s4;
	s7 =	sor.u32 $0x30, s1;
	v7 =	vld [tilespmem:s3+$0x11000]  }
0x8a: {  	s22 =	sor.u32 s4, s7;
	v6 =	vld [tilespmem:s5+$0x8080]  }
0x8b: {  	s0 =	sand.u32 $0xF80, s0;
	s23 =	sor.u32 $0x20, s1;
	v8 =	vld [tilespmem:s22+$0x8080]  }
0x8c: {  	s25 =	sor.u32 s0, s23;
	v10 =	vld [tilespmem:s22+$0x80]  }
0x8d: {  	s23 =	sor.u32 s4, s23;
	v9 =	vld [tilespmem:s25+$0x11000]  }
0x8e: {  	v11 =	vld [tilespmem:s23+$0x8080]  }
0x8f: {  	v12 =	vld [tilespmem:s23+$0x8000]  }
0x90: {  	v13 =	vld [tilespmem:s23+$0x0]  }
0x91: {  	v14 =	vld [tilespmem:s25+$0x10000]  }
0x92: {  	s1 =	sor.u32 $0x10, s1;
	v15 =	vld [tilespmem:s5+$0x80]  }
0x93: {  	s4 =	sor.u32 s4, s1;
	v16 =	vld [tilespmem:s23+$0x80]  }
0x94: {  	s1 =	sor.u32 s0, s1;
	v17 =	vld [tilespmem:s4+$0x8080]  }
0x95: {  	v18 =	vld [tilespmem:s1+$0x10000]  }
0x96: {  	v21 =	vld [tilespmem:s4+$0x8000]  }
0x97: {  	s0 =	sor.u32 s0, s7;
	v23 =	vld [tilespmem:s1+$0x11000]  }
0x98: {  	v29 =	vld [tilespmem:s0+$0x10000]  }
0x99: {  	v19 =	vld [tilespmem:s5+$0x0];
	v22 =	vmul.f32 v6, v7  }
0x9a: {  	v20 =	vld [tilespmem:s5+$0x8000];
	v11 =	vmul.f32 v11, v9;
	v13 =	vmul.f32 v13, v14  }
0x9b: {  	v24 =	vld [tilespmem:s22+$0x8000];
	v12 =	vmul.f32 v12, v9;
	v9 =	vmul.f32 v16, v14  }
0x9c: {  	v6 =	vld [tilespmem:s3+$0x10000];
	v17 =	vmul.f32 v17, v23;
	v21 =	vmul.f32 v21, v23  }
0x9d: {  	s30 =	simm.s32 $0x40;
	v14 =	vld [tilespmem:s0+$0x11000];
	v33 =	vmul.f32 v10, v29;
	v16 =	vmul.f32 v22, v22  }
0x9e: {  	s31 =	simm.s32 $0x100;
	s2 =	simm.s32 $0x40;
	v27 =	vld [tilespmem:s4+$0x0];
	s0 =	sand.u32 $0x40, s30;
	v25 =	vmul.f32 v11, v13;
	v26 =	vmul.f32 v9, v12  }
0x9f: {  	v62 =	vld [tilespmem:s2+$0x10000];
	s3 =	sand.u32 $0x3E00, s31;
	s8 =	sor.u32 $0x30, s0;
	v28 =	vmul.f32 v9, v9;
	v11 =	vmul.f32 v11, v11  }
0xa0: {  	s10 =	sand.u32 $0xF80, s30;
	v23 =	vld [tilespmem:s22+$0x0];
	s23 =	sor.u32 $0x20, s0;
	v13 =	vmul.f32 v13, v13;
	s29 =	sor.u32 s3, s8;
	v12 =	vmul.f32 v12, v12  }
0xa1: {  	s25 =	sor.u32 s10, s23;
	v35 =	vmul.f32 v17, v17;
	v9 =	vld [tilespmem:s29+$0x8080];
	v19 =	vmul.f32 v19, v6  }
0xa2: {  	s1 =	sor.u32 s3, s23;
	v34 =	vld [tilespmem:s25+$0x11000];
	v30 =	vmul.f32 v15, v6;
	v31 =	vmul.f32 v8, v14  }
0xa3: {  	v36 =	vld [tilespmem:s1+$0x8080];
	v8 =	vmul.f32 v20, v7;
	v32 =	vmul.f32 v24, v14  }
0xa4: {  	v43 =	vld [tilespmem:s25+$0x10000];
	v20 =	vmul.f32 v27, v18;
	v24 =	vmul.f32 v21, v21  }
0xa5: {  	v46 =	vld [tilespmem:s1+$0x80];
	v23 =	vmul.f32 v23, v29;
	v27 =	vmul.f32 v31, v31  }
0xa6: {  	v38 =	vimm.f32 $0.0e+00;
	v15 =	vld [tilespmem:s4+$0x80];
	v10 =	vmul.f32 v32, v32;
	v37 =	vmul.f32 v30, v8  }
0xa7: {  	v40 =	vadd.f32 v16, v38;
	v6 =	vld [tilespmem:s2+$0x11000];
	s4 =	sor.u32 s0, s3;
	v8 =	vmul.f32 v8, v8;
	v16 =	vmul.f32 v19, v19  }
0xa8: {  	v14 =	vld [tilespmem:s4+$0x8080];
	v42 =	vmul.f32 v20, v20;
	v30 =	vmul.f32 v30, v30  }
0xa9: {  	s5 =	sor.u32 $0x10, s0;
	v39 =	vld [tilespmem:s1+$0x8000];
	v60 =	vadd.f32 v35, v40;
	v17 =	vmul.f32 v17, v20;
	v19 =	vmul.f32 v22, v19  }
0xaa: {  	s7 =	sor.u32 s3, s5;
	v41 =	vld [tilespmem:s1+$0x0];
	v36 =	vmul.f32 v36, v34;
	v61 =	vmul.f32 v46, v43;
	v44 =	vadd.f32 v8, v38  }
0xab: {  	v47 =	vld [tilespmem:s7+$0x8080];
	v20 =	vadd.f32 v16, v38;
	v48 =	vadd.f32 v30, v38;
	v30 =	vmul.f32 v23, v23  }
0xac: {  	v7 =	vld [tilespmem:s29+$0x80];
	v37 =	vadd.f32 v37, v38;
	v18 =	vmul.f32 v15, v18;
	v15 =	vmul.f32 v33, v33  }
0xad: {  	v29 =	vld [tilespmem:s7+$0x8000];
	v8 =	vmul.f32 v14, v6;
	v22 =	vadd.f32 v24, v44;
	v20 =	vadd.f32 v42, v20  }
0xae: {  	v45 =	vld [tilespmem:s4+$0x80];
	v21 =	vmul.f32 v18, v21;
	v58 =	vmul.f32 v18, v18;
	v18 =	vadd.f32 v19, v38  }
0xaf: {  	s30 =	sor.u32 s10, s5;
	v59 =	vld [tilespmem:s4+$0x0];
	v14 =	vmul.f32 v8, v8;
	v12 =	vadd.f32 v12, v22;
	v13 =	vadd.f32 v13, v20  }
0xb0: {  	v16 =	vld [tilespmem:s30+$0x10000];
	v22 =	vmul.f32 v41, v43;
	v19 =	vadd.f32 v21, v37;
	v17 =	vadd.f32 v17, v18  }
0xb1: {  	v24 =	vld [tilespmem:s4+$0x8000];
	v21 =	vmul.f32 v39, v34;
	v63 =	vadd.f32 v58, v48;
	v18 =	vadd.f32 v10, v12  }
0xb2: {  	v10 =	vmul.f32 v36, v22;
	v12 =	vadd.f32 v25, v17;
	v17 =	vmul.f32 v31, v23;
	v31 =	vld [tilespmem:s30+$0x11000]  }
0xb3: {  	s31 =	sor.u32 s10, s8;
	v34 =	vld [tilespmem:s7+$0x0];
	v20 =	vadd.f32 v30, v13;
	v13 =	vmul.f32 v36, v36;
	v23 =	vadd.f32 v11, v60  }
0xb4: {  	v30 =	vld [tilespmem:s31+$0x11000];
	v11 =	vmul.f32 v61, v21;
	v26 =	vadd.f32 v26, v19;
	v35 =	vadd.f32 v28, v63  }
0xb5: {  	v19 =	vadd.f32 v17, v12;
	v17 =	vmul.f32 v33, v32;
	v33 =	vld [tilespmem:s29+$0x8000];
	v12 =	vmul.f32 v61, v61  }
0xb6: {  	v25 =	vadd.f32 v27, v23;
	v23 =	vmul.f32 v59, v62;
	v27 =	vmul.f32 v45, v62;
	v32 =	vld [tilespmem:s7+$0x80]  }
0xb7: {  	s5 =	simm.s32 $0x80;
	s0 =	simm.s32 $0x200;
	v26 =	vadd.f32 v17, v26;
	v17 =	vmul.f32 v22, v22;
	v22 =	vld [tilespmem:s31+$0x10000];
	v28 =	vmul.f32 v47, v31  }
.LBB2_3:
0xb8: {  	s1 =	sand.u32 $0x40, s5  }
0xb9: {  	s30 =	sshra.s32 s0, $0x2;
	s31 =	sand.u32 $0x3E00, s0;
	v29 =	vmul.f32 v29, v31;
	v31 =	vld [tilespmem:s29+$0x0];
	v36 =	vmul.f32 v9, v30;
	v35 =	vadd.f32 v15, v35;
	s3 =	smov.u32 s5  }
0xba: {  	v15 =	vmul.f32 v24, v6;
	s25 =	sor.u32 s1, s31;
	s4 =	sor.u32 $0x10, s1;
	s22 =	sor.u32 $0x30, s1;
	v6 =	vld [tilespmem:s30+$0x11000];
	v33 =	vmul.f32 v33, v30  }
0xbb: {  	s23 =	sand.u32 $0xF80, s5;
	v24 =	vld [tilespmem:s25+$0x8080];
	s3 =	sor.u32 s31, s4;
	s29 =	sor.u32 s31, s22;
	v30 =	vmul.f32 v34, v16;
	v34 =	vmul.f32 v36, v36  }
0xbc: {  	s7 =	sadd.s32 $0x40, s5;
	v38 =	vmul.f32 v21, v21;
	s1 =	sor.u32 $0x20, s1;
	s4 =	sor.u32 s23, s4;
	v37 =	vmul.f32 v29, v29;
	v9 =	vld [tilespmem:s29+$0x8080]  }
0xbd: {  	p0 =	sne.s32 s5, $0xFC0;
	s2 =	sor.u32 s23, s1;
	s1 =	sor.u32 s31, s1;
	v39 =	vmul.f32 v7, v22;
	v40 =	vmul.f32 v33, v33;
	v7 =	vld [tilespmem:s29+$0x80]  }
0xbe: {  	v16 =	vmul.f32 v32, v16;
	v32 =	vmul.f32 v28, v28;
	v21 =	vld [tilespmem:s2+$0x11000]  }
0xbf: {  	v42 =	vmul.f32 v27, v15;
	v43 =	vmul.f32 v15, v15;
	v41 =	vld [tilespmem:s1+$0x8080]  }
0xc0: {  	v25 =	vadd.f32 v14, v25;
	v15 =	vmul.f32 v39, v39;
	v29 =	vmul.f32 v16, v29;
	v44 =	vld [tilespmem:s1+$0x8000]  }
0xc1: {  	v14 =	vmul.f32 v23, v23;
	v26 =	vadd.f32 v42, v26;
	v42 =	vmul.f32 v30, v30;
	v45 =	vld [tilespmem:s1+$0x0]  }
0xc2: {  	v27 =	vmul.f32 v27, v27;
	v18 =	vadd.f32 v43, v18;
	v28 =	vmul.f32 v28, v30;
	v46 =	vld [tilespmem:s2+$0x10000]  }
0xc3: {  	v20 =	vadd.f32 v14, v20;
	v22 =	vmul.f32 v31, v22;
	v24 =	vmul.f32 v24, v6;
	v43 =	vld [tilespmem:s25+$0x80]  }
0xc4: {  	v23 =	vmul.f32 v8, v23;
	v18 =	vadd.f32 v37, v18;
	v37 =	vmul.f32 v16, v16;
	v30 =	vld [tilespmem:s1+$0x80]  }
0xc5: {  	v27 =	vadd.f32 v27, v35;
	v35 =	vmul.f32 v22, v22;
	v14 =	vmul.f32 v24, v24;
	v8 =	vmovc v24;
	v47 =	vld [tilespmem:s3+$0x8080]  }
0xc6: {  	v19 =	vadd.f32 v23, v19;
	v23 =	vadd.f32 v29, v26;
	v41 =	vmul.f32 v41, v21;
	v16 =	vld [tilespmem:s4+$0x10000]  }
0xc7: {  	v20 =	vadd.f32 v42, v20;
	v18 =	vadd.f32 v38, v18;
	v21 =	vmul.f32 v44, v21;
	v48 =	vld [tilespmem:s25+$0x0]  }
0xc8: {  	v19 =	vadd.f32 v28, v19;
	v25 =	vadd.f32 v32, v25;
	v38 =	vmul.f32 v45, v46;
	v24 =	vld [tilespmem:s25+$0x8000]  }
0xc9: {  	v17 =	vadd.f32 v17, v20;
	v18 =	vadd.f32 v40, v18;
	v29 =	vld [tilespmem:s3+$0x8000];
	v26 =	vmul.f32 v30, v46  }
0xca: {  	v22 =	vmul.f32 v36, v22;
	v19 =	vadd.f32 v10, v19;
	v10 =	vmul.f32 v41, v38;
	v28 =	vld [tilespmem:s30+$0x10000]  }
0xcb: {  	v13 =	vadd.f32 v13, v25;
	v20 =	vadd.f32 v35, v17;
	s1 =	sor.u32 s23, s22;
	v31 =	vld [tilespmem:s4+$0x11000];
	v32 =	vmul.f32 v26, v21  }
.Ltmp2:
0xcc: {  	v17 =	vadd.f32 v11, v23;
	v19 =	vadd.f32 v22, v19;
	v22 =	vmul.f32 v39, v33;
	v30 =	vld [tilespmem:s1+$0x11000];
	(pc) =	sbr.rel @p0 .LBB2_3-.Ltmp2, $4  }
0xcd: {  	v27 =	vadd.f32 v37, v27;
	v25 =	vadd.f32 v34, v13;
	v33 =	vld [tilespmem:s29+$0x8000];
	v11 =	vmov v32  }
0xce: {  	v13 =	vmul.f32 v41, v41;
	v36 =	vmul.f32 v26, v26;
	v26 =	vadd.f32 v22, v17;
	v34 =	vld [tilespmem:s3+$0x0]  }
0xcf: {  	v35 =	vadd.f32 v12, v27;
	v17 =	vmul.f32 v38, v38;
	v23 =	vmul.f32 v48, v28;
	v22 =	vld [tilespmem:s1+$0x10000]  }
0xd0: {  	s0 =	sadd.s32 $0x100, s0;
	s5 =	smov.u32 s7;
	v12 =	vmov v36;
	v27 =	vmul.f32 v43, v28;
	v32 =	vld [tilespmem:s3+$0x80];
	v28 =	vmul.f32 v47, v31  }
0xd1: {  	v29 =	vmul.f32 v29, v31  }
0xd2: {  	v9 =	vmul.f32 v9, v30;
	v6 =	vmul.f32 v24, v6  }
0xd3: {  	v21 =	vmul.f32 v21, v21;
	v8 =	vmul.f32 v8, v23  }
0xd4: {  	v23 =	vmul.f32 v23, v23;
	v24 =	vmul.f32 v33, v30  }
0xd5: {  	v62 =	vmul.f32 v28, v28;
	v30 =	vmul.f32 v34, v16  }
0xd6: {  	v15 =	vadd.f32 v15, v35;
	v31 =	vmul.f32 v9, v9;
	v60 =	vmul.f32 v29, v29  }
0xd7: {  	v36 =	vld [tilespmem:s29+$0x0];
	v14 =	vadd.f32 v14, v25;
	v63 =	vmul.f32 v27, v6;
	v6 =	vmul.f32 v6, v6  }
0xd8: {  	v8 =	vadd.f32 v8, v19;
	v20 =	vadd.f32 v23, v20;
	v7 =	vmul.f32 v7, v22  }
0xd9: {  	v14 =	vadd.f32 v62, v14;
	v16 =	vmul.f32 v32, v16;
	v6 =	vadd.f32 v6, v18  }
0xda: {  	v26 =	vadd.f32 v63, v26;
	v18 =	vmul.f32 v27, v27;
	v27 =	vmul.f32 v28, v30  }
0xdb: {  	v19 =	vmul.f32 v30, v30;
	v25 =	vmul.f32 v16, v29;
	v6 =	vadd.f32 v60, v6  }
0xdc: {  	v22 =	vmul.f32 v36, v22;
	v15 =	vadd.f32 v18, v15;
	v8 =	vadd.f32 v27, v8  }
0xdd: {  	v61 =	vmul.f32 v24, v24;
	v19 =	vadd.f32 v19, v20;
	v18 =	vadd.f32 v25, v26  }
0xde: {  	v16 =	vmul.f32 v16, v16;
	v9 =	vmul.f32 v9, v22;
	v8 =	vadd.f32 v10, v8  }
0xdf: {  	v10 =	vadd.f32 v17, v19;
	v17 =	vmul.f32 v7, v24;
	v11 =	vadd.f32 v11, v18  }
0xe0: {  	v18 =	vmul.f32 v22, v22;
	v8 =	vadd.f32 v9, v8;
	v9 =	vadd.f32 v16, v15  }
0xe1: {  	v6 =	vadd.f32 v21, v6;
	v7 =	vmul.f32 v7, v7;
	v11 =	vadd.f32 v17, v11  }
0xe2: {  	v10 =	vadd.f32 v18, v10;
	v9 =	vadd.f32 v12, v9;
	v12 =	vperm.xlane v8, v2  }
0xe3: {  	v13 =	vadd.f32 v13, v14;
	v6 =	vadd.f32 v61, v6;
	v14 =	vperm.xlane v11, v2  }
0xe4: {  	v7 =	vadd.f32 v7, v9;
	v8 =	vadd.f32 v12, v8;
	v9 =	vperm.xlane v10, v2  }
0xe5: {  	v12 =	vadd.f32 v31, v13;
	v13 =	vperm.xlane v6, v2;
	v11 =	vadd.f32 v14, v11  }
0xe6: {  	v14 =	vperm.xlane v8, v3;
	v9 =	vadd.f32 v9, v10;
	v10 =	vperm.xlane v7, v2  }
0xe7: {  	v6 =	vadd.f32 v13, v6;
	v13 =	vperm.xlane v12, v2;
	v15 =	vperm.xlane v11, v3  }
0xe8: {  	v8 =	vadd.f32 v14, v8;
	v14 =	vperm.xlane v9, v3;
	v7 =	vadd.f32 v10, v7  }
0xe9: {  	v12 =	vadd.f32 v13, v12;
	v10 =	vadd.f32 v15, v11;
	v11 =	vperm.xlane v6, v3  }
0xea: {  	v13 =	vperm.xlane v8, v4;
	v9 =	vadd.f32 v14, v9;
	v14 =	vperm.xlane v7, v3  }
0xeb: {  	v15 =	vperm.xlane v10, v4;
	v6 =	vadd.f32 v11, v6;
	v11 =	vperm.xlane v12, v3  }
0xec: {  	v8 =	vadd.f32 v13, v8;
	v13 =	vperm.xlane v9, v4;
	v7 =	vadd.f32 v14, v7  }
0xed: {  	v10 =	vadd.f32 v15, v10;
	v14 =	vperm.xlane v6, v4;
	v11 =	vadd.f32 v11, v12  }
0xee: {  	v12 =	vperm.xlane v8, v5;
	v9 =	vadd.f32 v13, v9;
	v13 =	vperm.xlane v7, v4  }
0xef: {  	v15 =	vperm.xlane v10, v5;
	v6 =	vadd.f32 v14, v6;
	v14 =	vperm.xlane v11, v4  }
0xf0: {  	v8 =	vadd.f32 v12, v8;
	v12 =	vperm.xlane v9, v5;
	v7 =	vadd.f32 v13, v7  }
0xf1: {  	v10 =	vadd.f32 v15, v10;
	v13 =	vperm.xlane v6, v5;
	v11 =	vadd.f32 v14, v11  }
0xf2: {  	v8 =	vnsel vm1, $0x0, v8;
	v9 =	vadd.f32 v12, v9;
	v12 =	vperm.xlane v7, v5  }
0xf3: {  	v8 =	vsel vm2, v8, v10;
	v6 =	vadd.f32 v13, v6;
	v10 =	vperm.xlane v11, v5  }
0xf4: {  	v7 =	vadd.f32 v12, v7;
	v8 =	vsel vm3, v8, v9  }
0xf5: {  	v6 =	vsel vm4, v8, v6;
	v8 =	vadd.f32 v10, v11  }
0xf6: {  	s0 =	sshll.u32 s28, $0x9;
	p0 =	por $0x0, $0x0;
	v6 =	vsel vm5, v6, v7  }
0xf7: {  	s30 =	simm.s32 $0x0;
	s29 =	sand.u32 $0x3FFFFE00, s0;
	s0 =	simm.s32 $0x1;
	v6 =	vsel vm6, v6, v8  }
0xf8: {  	s1 =	sand.u32 $0xFC0, s30;
	s0 =	simm.s32 @!p0 $0x0;
	[tilespmem:s29+$0x14000] =	vst v6  }
0xf9: {  	s0 =	sshll.u32 s0, $0x6;
	v7 =	vld [tilespmem:s1+$0x11030]  }
0xfa: {  	s0 =	sadd.s32 $0x0, s0;
	v6 =	vld [tilespmem:s1+$0x10030]  }
0xfb: {  	s2 =	sadd.s32 $0x20, s0;
	v10 =	vld [tilespmem:s1+$0x11010]  }
0xfc: {  	s3 =	sor.u32 $0x100, s2;
	v8 =	vld [tilespmem:s1+$0x11020]  }
0xfd: {  	s2 =	sor.u32 $0x180, s2;
	v9 =	vld [tilespmem:s3+$0x0]  }
0xfe: {  	s4 =	sadd.s32 $0x10, s0;
	v12 =	vld [tilespmem:s2+$0x8000]  }
0xff: {  	s5 =	sor.u32 $0x180, s4;
	v11 =	vld [tilespmem:s1+$0x10010]  }
0x100: {  	s7 =	sor.u32 $0x100, s0;
	v14 =	vld [tilespmem:s5+$0x0]  }
0x101: {  	s4 =	sor.u32 $0x100, s4;
	v13 =	vld [tilespmem:s7+$0x8000]  }
0x102: {  	v15 =	vld [tilespmem:s4+$0x8000]  }
0x103: {  	v16 =	vld [tilespmem:s4+$0x0]  }
0x104: {  	s23 =	sor.u32 $0x180, s0;
	v17 =	vld [tilespmem:s5+$0x8000]  }
0x105: {  	s25 =	simm.s32 $0x0;
	v18 =	vld [tilespmem:s23+$0x8000]  }
0x106: {  	v26 =	vld [tilespmem:s25+$0x11000]  }
0x107: {  	v23 =	vld [tilespmem:s7+$0x0]  }
0x108: {  	v27 =	vimm.f32 $0.0e+00;
	v29 =	vld [tilespmem:s23+$0x0]  }
0x109: {  	s0 =	sadd.s32 $0x30, s0;
	v19 =	vimm.f32 $0.0e+00;
	v30 =	vld [tilespmem:s25+$0x10000];
	v15 =	vmul.f32 v15, v10;
	v14 =	vmul.f32 v14, v11  }
0x10a: {  	v21 =	vimm.f32 $0.0e+00;
	s4 =	sor.u32 $0x180, s0;
	v20 =	vld [tilespmem:s1+$0x10020];
	v11 =	vmul.f32 v16, v11;
	v32 =	vmul.f32 v17, v10  }
0x10b: {  	v24 =	vimm.f32 $0.0e+00;
	v31 =	vld [tilespmem:s4+$0x8000];
	v17 =	vmul.f32 v12, v8;
	v18 =	vmul.f32 v18, v26  }
0x10c: {  	v25 =	vld [tilespmem:s3+$0x8000];
	v12 =	vimm.f32 $0.0e+00;
	v16 =	vmul.f32 v14, v15;
	v14 =	vmul.f32 v14, v14  }
0x10d: {  	s31 =	simm.s32 $0x100;
	p0 =	por !p0, !p0;
	s0 =	sor.u32 $0x100, s0;
	v28 =	vld [tilespmem:s2+$0x0];
	v10 =	vmul.f32 v15, v15;
	v22 =	vmul.f32 v32, v11;
	v15 =	vimm.f32 $0.0e+00  }
.LBB2_5:
0x10e: {  	s1 =	simm.s32 $0x1  }
0x10f: {  	p1 =	sne.s32 s31, $0x3F00;
	v23 =	vmul.f32 v23, v30;
	v29 =	vmul.f32 v29, v30;
	v30 =	vld [tilespmem:s4+$0x0];
	s30 =	sadd.s32 $0x40, s30;
	s1 =	simm.s32 @!p0 $0x0  }
0x110: {  	v32 =	vmul.f32 v32, v32;
	s2 =	smov.u32 s31;
	s31 =	sadd.s32 $0x100, s31;
	v31 =	vmul.f32 v31, v7;
	s1 =	sshll.u32 s1, $0x6;
	v33 =	vld [tilespmem:s0+$0x0]  }
0x111: {  	v13 =	vmul.f32 v13, v26;
	s3 =	sand.u32 $0xFC0, s30;
	v26 =	vmul.f32 v23, v23;
	s1 =	sadd.s32 s1, s2;
	v34 =	vld [tilespmem:s0+$0x8000]  }
0x112: {  	s7 =	sshra.s32 s2, $0x2;
	v23 =	vmul.f32 v18, v23;
	v36 =	vmul.f32 v9, v20;
	s2 =	sor.u32 $0x100, s1;
	v35 =	vld [tilespmem:s3+$0x11030];
	s23 =	sadd.s32 $0x30, s1  }
0x113: {  	v9 =	vmul.f32 v29, v13;
	s5 =	sadd.s32 $0x10, s1;
	v26 =	vadd.f32 v26, v27;
	v27 =	vmul.f32 v29, v29;
	v37 =	vld [tilespmem:s3+$0x10030];
	s0 =	sor.u32 $0x100, s23  }
0x114: {  	s4 =	sor.u32 $0x180, s1;
	s1 =	sadd.s32 $0x20, s1;
	v19 =	vadd.f32 v23, v19;
	v29 =	vmul.f32 v13, v13;
	v23 =	vmul.f32 v17, v36;
	v38 =	vld [tilespmem:s3+$0x11010]  }
0x115: {  	v13 =	vadd.f32 v9, v21;
	v21 =	vmul.f32 v25, v8;
	v20 =	vmul.f32 v28, v20;
	s8 =	sor.u32 $0x180, s5;
	s25 =	sor.u32 $0x100, s1;
	s22 =	sor.u32 $0x180, s1;
	v8 =	vld [tilespmem:s3+$0x11020]  }
0x116: {  	v24 =	vadd.f32 v27, v24;
	v19 =	vadd.f32 v22, v19;
	v22 =	vmul.f32 v33, v6;
	v9 =	vld [tilespmem:s25+$0x0]  }
0x117: {  	v25 =	vmul.f32 v36, v36;
	v16 =	vadd.f32 v16, v13;
	v27 =	vmul.f32 v34, v7;
	v28 =	vld [tilespmem:s22+$0x8000];
	v7 =	vmovc v35  }
0x118: {  	v18 =	vmul.f32 v18, v18;
	s1 =	sor.u32 $0x100, s5;
	v14 =	vadd.f32 v14, v24;
	v24 =	vmul.f32 v20, v20;
	v33 =	vld [tilespmem:s3+$0x10010]  }
0x119: {  	v17 =	vmul.f32 v17, v17;
	v35 =	vmul.f32 v27, v27;
	v34 =	vld [tilespmem:s8+$0x0]  }
0x11a: {  	v11 =	vmul.f32 v11, v11;
	v15 =	vadd.f32 v18, v15;
	v18 =	vadd.f32 v23, v19;
	v13 =	vld [tilespmem:s2+$0x8000]  }
0x11b: {  	v19 =	vmul.f32 v20, v21;
	v24 =	vadd.f32 v24, v14;
	v14 =	vmul.f32 v22, v22;
	v36 =	vld [tilespmem:s1+$0x8000]  }
0x11c: {  	v39 =	vmul.f32 v31, v31;
	v12 =	vadd.f32 v29, v12;
	v20 =	vmul.f32 v30, v6;
	v6 =	vmovc v37;
	v23 =	vld [tilespmem:s2+$0x0]  }
0x11d: {  	v11 =	vadd.f32 v11, v26;
	v22 =	vmul.f32 v31, v22;
	v37 =	vld [tilespmem:s1+$0x0]  }
0x11e: {  	v10 =	vadd.f32 v10, v12;
	v12 =	vadd.f32 v32, v15;
	v15 =	vmul.f32 v21, v21;
	v40 =	vld [tilespmem:s4+$0x8000]  }
0x11f: {  	v16 =	vadd.f32 v19, v16;
	v19 =	vadd.f32 v22, v18;
	v18 =	vmul.f32 v20, v27;
	v32 =	vld [tilespmem:s8+$0x8000]  }
0x120: {  	v25 =	vadd.f32 v25, v11;
	v10 =	vadd.f32 v15, v10;
	v29 =	vld [tilespmem:s4+$0x0];
	v22 =	vmul.f32 v36, v38  }
0x121: {  	v15 =	vadd.f32 v17, v12;
	v17 =	vmul.f32 v20, v20;
	v34 =	vmul.f32 v34, v33;
	v26 =	vld [tilespmem:s7+$0x11000]  }
.Ltmp3:
0x122: {  	v27 =	vadd.f32 v14, v25;
	v21 =	vadd.f32 v18, v16;
	s4 =	sor.u32 $0x180, s23;
	v30 =	vld [tilespmem:s7+$0x10000];
	v11 =	vmul.f32 v37, v33;
	(pc) =	sbr.rel @p1 .LBB2_5-.Ltmp3, $4  }
0x123: {  	v12 =	vadd.f32 v35, v10;
	v15 =	vadd.f32 v39, v15;
	v16 =	vmul.f32 v34, v22;
	v31 =	vld [tilespmem:s4+$0x8000]  }
0x124: {  	v24 =	vadd.f32 v17, v24;
	v14 =	vmul.f32 v34, v34;
	v32 =	vmul.f32 v32, v38;
	v20 =	vld [tilespmem:s3+$0x10020]  }
0x125: {  	v17 =	vmul.f32 v28, v8;
	v10 =	vmul.f32 v22, v22;
	v25 =	vld [tilespmem:s25+$0x8000]  }
0x126: {  	p0 =	por !p0, !p0;
	v18 =	vmul.f32 v40, v26;
	v22 =	vmul.f32 v32, v11;
	v28 =	vld [tilespmem:s22+$0x0]  }
0x127: {  	v23 =	vmul.f32 v23, v30;
	v29 =	vmul.f32 v29, v30  }
0x128: {  	v30 =	vmul.f32 v32, v32;
	v13 =	vmul.f32 v13, v26  }
0x129: {  	v11 =	vmul.f32 v11, v11;
	v31 =	vmul.f32 v31, v7  }
0x12a: {  	v55 =	vmul.f32 v23, v23;
	v23 =	vmul.f32 v18, v23  }
0x12b: {  	v9 =	vmul.f32 v9, v20;
	v34 =	vmul.f32 v29, v13  }
0x12c: {  	v33 =	vld [tilespmem:s0+$0x8000];
	v29 =	vmul.f32 v29, v29;
	v13 =	vmul.f32 v13, v13  }
0x12d: {  	v26 =	vld [tilespmem:s0+$0x0];
	v18 =	vmul.f32 v18, v18;
	v8 =	vmul.f32 v25, v8;
	v27 =	vadd.f32 v55, v27  }
0x12e: {  	v19 =	vadd.f32 v23, v19;
	v23 =	vmul.f32 v17, v9;
	v21 =	vadd.f32 v34, v21  }
0x12f: {  	v25 =	vld [tilespmem:s4+$0x0];
	v20 =	vmul.f32 v28, v20;
	v24 =	vadd.f32 v29, v24;
	v9 =	vmul.f32 v9, v9  }
0x130: {  	v17 =	vmul.f32 v17, v17;
	v15 =	vadd.f32 v18, v15;
	v12 =	vadd.f32 v13, v12  }
0x131: {  	v7 =	vmul.f32 v33, v7;
	v19 =	vadd.f32 v22, v19;
	v16 =	vadd.f32 v16, v21  }
0x132: {  	v22 =	vmul.f32 v26, v6;
	v14 =	vadd.f32 v14, v24;
	v11 =	vadd.f32 v11, v27  }
0x133: {  	v21 =	vmul.f32 v20, v20;
	v10 =	vadd.f32 v10, v12;
	v12 =	vadd.f32 v30, v15  }
0x134: {  	v18 =	vadd.f32 v23, v19;
	v19 =	vmul.f32 v20, v8;
	v6 =	vmul.f32 v25, v6  }
0x135: {  	v24 =	vmul.f32 v7, v7;
	v13 =	vadd.f32 v21, v14;
	v14 =	vmul.f32 v31, v22  }
0x136: {  	v8 =	vmul.f32 v8, v8;
	v15 =	vadd.f32 v19, v16;
	v7 =	vmul.f32 v6, v7  }
0x137: {  	v9 =	vadd.f32 v9, v11;
	v16 =	vmul.f32 v22, v22;
	v14 =	vadd.f32 v14, v18  }
0x138: {  	v11 =	vmul.f32 v31, v31;
	v8 =	vadd.f32 v8, v10;
	v7 =	vadd.f32 v7, v15  }
0x139: {  	v6 =	vmul.f32 v6, v6;
	v9 =	vadd.f32 v16, v9;
	v10 =	vperm.xlane v14, v2  }
0x13a: {  	v12 =	vadd.f32 v17, v12;
	v8 =	vadd.f32 v24, v8;
	v15 =	vperm.xlane v7, v2  }
0x13b: {  	v6 =	vadd.f32 v6, v13;
	v10 =	vadd.f32 v10, v14;
	v13 =	vperm.xlane v9, v2  }
0x13c: {  	v11 =	vadd.f32 v11, v12;
	v12 =	vperm.xlane v8, v2;
	v7 =	vadd.f32 v15, v7  }
0x13d: {  	v14 =	vperm.xlane v10, v3;
	v9 =	vadd.f32 v13, v9;
	v13 =	vperm.xlane v6, v2  }
0x13e: {  	v8 =	vadd.f32 v12, v8;
	v12 =	vperm.xlane v11, v2;
	v15 =	vperm.xlane v7, v3  }
0x13f: {  	v10 =	vadd.f32 v14, v10;
	v14 =	vperm.xlane v9, v3;
	v6 =	vadd.f32 v13, v6  }
0x140: {  	v13 =	vperm.xlane v8, v3;
	v11 =	vadd.f32 v12, v11;
	v7 =	vadd.f32 v15, v7  }
0x141: {  	v12 =	vperm.xlane v10, v4;
	v9 =	vadd.f32 v14, v9;
	v14 =	vperm.xlane v6, v3  }
0x142: {  	v8 =	vadd.f32 v13, v8;
	v13 =	vperm.xlane v11, v3;
	v15 =	vperm.xlane v7, v4  }
0x143: {  	v10 =	vadd.f32 v12, v10;
	v12 =	vperm.xlane v9, v4;
	v6 =	vadd.f32 v14, v6  }
0x144: {  	v14 =	vperm.xlane v8, v4;
	v11 =	vadd.f32 v13, v11;
	v7 =	vadd.f32 v15, v7  }
0x145: {  	v13 =	vperm.xlane v10, v5;
	v9 =	vadd.f32 v12, v9;
	v12 =	vperm.xlane v6, v4  }
0x146: {  	v8 =	vadd.f32 v14, v8;
	v14 =	vperm.xlane v11, v4;
	v15 =	vperm.xlane v7, v5  }
0x147: {  	v10 =	vadd.f32 v13, v10;
	v13 =	vperm.xlane v9, v5;
	v6 =	vadd.f32 v12, v6  }
0x148: {  	v12 =	vperm.xlane v8, v5;
	v11 =	vadd.f32 v14, v11;
	v7 =	vadd.f32 v15, v7  }
0x149: {  	v10 =	vnsel vm1, $0x0, v10;
	v9 =	vadd.f32 v13, v9;
	v13 =	vperm.xlane v6, v5  }
0x14a: {  	v8 =	vadd.f32 v12, v8;
	v7 =	vsel vm2, v10, v7;
	v10 =	vperm.xlane v11, v5  }
0x14b: {  	v6 =	vadd.f32 v13, v6;
	v7 =	vsel vm3, v7, v9  }
0x14c: {  	v7 =	vsel vm4, v7, v8;
	v8 =	vadd.f32 v10, v11  }
0x14d: {  	v6 =	vsel vm5, v7, v6  }
0x14e: {  	s30 =	sshll.u32 s28, $0xA;
	p0 =	seq.s32 s28, $0x1F;
	v6 =	vsel vm6, v6, v8  }
0x14f: {  	s0 =	sshrl.u32 @!p0 s30, $0x2;
	[tilespmem:s29+$0x14080] =	vst v6  }
0x150: {  	v6 =	vld.msk @!p0 [tilespmem:s0+$0x12100], $0xf;
	_ =	sdelay $0x4  }
0x151: {  	v7 =	vshll.u32 @!p0 v6, $0x5  }
0x152: {  	v8 =	vlaneseq.u32 @!p0;
	v6 =	vand.u32 @!p0 $0x7, v6;
	v7 =	vand.u32 @!p0 $0xFFFFFF00, v7  }
0x153: {  	v6 =	vor.u32 @!p0 v6, v7;
	v7 =	vand.u32 @!p0 $0x3, v8;
	v8 =	vshrl.u32 @!p0 v8, $0x2  }
0x154: {  	v6 =	vperm.xlane @!p0 v6, v7;
	v8 =	vmul.u32 @!p0 $0x8, v8;
	_ =	sdelay $0x1  }
0x155: {  	v6 =	vadd.s32 @!p0 v8, v6;
	_ =	sdelay $0x3  }
0x156: {  	vm7 =	vmmov @!p0 $0xffff;
	s1 =	simm.s32 @!p0 $0x0  }
0x157: {  	[tilespmem:s1], [sflag:$0x1] =	stream.indirect_vreg.gather @!p0 [hbm4b:s9+s1], $0x80, v6, vm7, $0xb8;
	[tilespmem:$0x18000] =	vst v63  }
0x158: {  	s3 =	rddreg [dreg:$0x7];
	s2 =	simm.s32 @!p0 $0x800  }
0x159: {  	[tilespmem:s2], [sflag:$0x1] =	stream.indirect_vreg.gather @!p0 [hbm4b:s3+s1], $0x80, v6, vm7, $0xb8;
	[tilespmem:$0x18000] =	vst v63  }
0x15a: {  	s2 =	simm.s32 @!p0 $0x1000;
	s3 =	rddreg [dreg:$0x8]  }
0x15b: {  	[tilespmem:s2], [sflag:$0x1] =	stream.indirect_vreg.gather @!p0 [hbm4b:s3+s1], $0x80, v6, vm7, $0xb8;
	[tilespmem:$0x18000] =	vst v63  }
0x15c: {  	s2 =	simm.s32 @!p0 $0x1800;
	s3 =	rddreg [dreg:$0x9]  }
0x15d: {  	[tilespmem:s2], [sflag:$0x1] =	stream.indirect_vreg.gather @!p0 [hbm4b:s3+s1], $0x80, v6, vm7, $0xb8;
	[tilespmem:$0x18000] =	vst v63  }
0x15e: {  	s2 =	simm.s32 @!p0 $0x2000  }
0x15f: {  	[tilespmem:s2], [sflag:$0x1] =	stream.indirect_vreg.gather @!p0 [hbm4b:s11+s1], $0x80, v6, vm7, $0xb8;
	[tilespmem:$0x18000] =	vst v63  }
0x160: {  	s2 =	simm.s32 @!p0 $0x2800  }
0x161: {  	[tilespmem:s2], [sflag:$0x1] =	stream.indirect_vreg.gather @!p0 [hbm4b:s12+s1], $0x80, v6, vm7, $0xb8;
	[tilespmem:$0x18000] =	vst v63  }
0x162: {  	s2 =	simm.s32 @!p0 $0x3000  }
0x163: {  	[tilespmem:s2], [sflag:$0x1] =	stream.indirect_vreg.gather @!p0 [hbm4b:s13+s1], $0x80, v6, vm7, $0xb8;
	[tilespmem:$0x18000] =	vst v63  }
0x164: {  	s2 =	simm.s32 @!p0 $0x3800  }
0x165: {  	[tilespmem:s2], [sflag:$0x1] =	stream.indirect_vreg.gather @!p0 [hbm4b:s14+s1], $0x80, v6, vm7, $0xb8;
	[tilespmem:$0x18000] =	vst v63  }
0x166: {  	v6 =	vld.msk @!p0 [tilespmem:s0+$0x12100], $0xf;
	_ =	sdelay $0x4  }
0x167: {  	v9 =	vshll.u32 @!p0 v6, $0x5  }
0x168: {  	v6 =	vand.u32 @!p0 $0x7, v6;
	v9 =	vand.u32 @!p0 $0xFFFFFF00, v9  }
0x169: {  	v6 =	vor.u32 @!p0 v6, v9  }
0x16a: {  	v6 =	vperm.xlane @!p0 v6, v7;
	_ =	sdelay $0x1  }
0x16b: {  	v6 =	vadd.s32 @!p0 v8, v6;
	_ =	sdelay $0x3  }
0x16c: {  	s2 =	rddreg [dreg:$0x1];
	s0 =	simm.s32 @!p0 $0x8000  }
0x16d: {  	[tilespmem:s0], [sflag:$0x1] =	stream.indirect_vreg.gather @!p0 [hbm4b:s2+s1], $0x80, v6, vm7, $0xb8;
	[tilespmem:$0x18000] =	vst v63  }
0x16e: {  	s0 =	simm.s32 @!p0 $0x8800  }
0x16f: {  	[tilespmem:s0], [sflag:$0x1] =	stream.indirect_vreg.gather @!p0 [hbm4b:s15+s1], $0x80, v6, vm7, $0xb8;
	[tilespmem:$0x18000] =	vst v63  }
0x170: {  	s0 =	simm.s32 @!p0 $0x9000  }
0x171: {  	[tilespmem:s0], [sflag:$0x1] =	stream.indirect_vreg.gather @!p0 [hbm4b:s16+s1], $0x80, v6, vm7, $0xb8;
	[tilespmem:$0x18000] =	vst v63  }
0x172: {  	s0 =	simm.s32 @!p0 $0x9800  }
0x173: {  	[tilespmem:s0], [sflag:$0x1] =	stream.indirect_vreg.gather @!p0 [hbm4b:s17+s1], $0x80, v6, vm7, $0xb8;
	[tilespmem:$0x18000] =	vst v63  }
0x174: {  	s0 =	simm.s32 @!p0 $0xA000  }
0x175: {  	[tilespmem:s0], [sflag:$0x1] =	stream.indirect_vreg.gather @!p0 [hbm4b:s18+s1], $0x80, v6, vm7, $0xb8;
	[tilespmem:$0x18000] =	vst v63  }
0x176: {  	s0 =	simm.s32 @!p0 $0xA800  }
0x177: {  	[tilespmem:s0], [sflag:$0x1] =	stream.indirect_vreg.gather @!p0 [hbm4b:s19+s1], $0x80, v6, vm7, $0xb8;
	[tilespmem:$0x18000] =	vst v63  }
0x178: {  	s0 =	simm.s32 @!p0 $0xB000  }
0x179: {  	[tilespmem:s0], [sflag:$0x1] =	stream.indirect_vreg.gather @!p0 [hbm4b:s20+s1], $0x80, v6, vm7, $0xb8;
	[tilespmem:$0x18000] =	vst v63  }
0x17a: {  	s0 =	simm.s32 @!p0 $0xB800  }
0x17b: {  	[tilespmem:s0], [sflag:$0x1] =	stream.indirect_vreg.gather @!p0 [hbm4b:s21+s1], $0x80, v6, vm7, $0xb8;
	[tilespmem:$0x18000] =	vst v63  }
0x17c: {  	_ =	swait.ge [sflag:s26], $0x4000  }
0x17d: {  	[sflag:s26] =	ssyncset.done $0x0  }
0x17e: {  	[sflag:s26] =	ssyncadd.s32 $0xFFFFC000  }
0x17f: {  	s2 =	simm.s32 $0x0;
	_ =	swait.ge [sflag:s26], $0x4000  }
0x180: {  	s22 =	simm.s32 $0x0;
	s3 =	sand.u32 $0x40, s2;
	[sflag:s26] =	ssyncset.done $0x0  }
0x181: {  	s23 =	sand.u32 $0xF80, s2;
	s25 =	sor.u32 $0x20, s3;
	[sflag:s26] =	ssyncadd.s32 $0xFFFFC000  }
0x182: {  	s5 =	sor.u32 s23, s25;
	v7 =	vld [tilespmem:s22+$0x11000]  }
0x183: {  	s0 =	sand.u32 $0x3E00, s2;
	v6 =	vld [tilespmem:s5+$0x11000]  }
0x184: {  	s7 =	sor.u32 s3, s0;
	v8 =	vld [tilespmem:s5+$0x10000]  }
0x185: {  	s4 =	sor.u32 s0, s25;
	v9 =	vld [tilespmem:s7+$0xC080]  }
0x186: {  	v10 =	vld [tilespmem:s4+$0xC080]  }
0x187: {  	v11 =	vld [tilespmem:s4+$0xC000]  }
0x188: {  	v12 =	vld [tilespmem:s4+$0x4000]  }
0x189: {  	v13 =	vld [tilespmem:s7+$0x4080]  }
0x18a: {  	v14 =	vld [tilespmem:s4+$0x4080]  }
0x18b: {  	s8 =	sor.u32 $0x30, s3;
	v15 =	vld [tilespmem:s7+$0x4000]  }
0x18c: {  	s10 =	smov.u32 s9;
	s1 =	sor.u32 $0x10, s3;
	s9 =	sor.u32 s0, s8;
	v16 =	vld [tilespmem:s7+$0xC000]  }
0x18d: {  	s0 =	sor.u32 s0, s1;
	v18 =	vld [tilespmem:s9+$0x4080]  }
0x18e: {  	v19 =	vld [tilespmem:s0+$0xC080]  }
0x18f: {  	v21 =	vld [tilespmem:s0+$0xC000]  }
0x190: {  	s1 =	sor.u32 s23, s1;
	v22 =	vld [tilespmem:s22+$0x10000]  }
0x191: {  	v23 =	vld [tilespmem:s1+$0x11000];
	s22 =	sor.u32 s23, s8  }
0x192: {  	v29 =	vld [tilespmem:s22+$0x10000]  }
0x193: {  	v17 =	vld [tilespmem:s9+$0xC080];
	v9 =	vmul.f32 v9, v7;
	v10 =	vmul.f32 v10, v6  }
0x194: {  	v20 =	vld [tilespmem:s1+$0x10000];
	s23 =	simm.s32 $0x40;
	v12 =	vmul.f32 v12, v8;
	v11 =	vmul.f32 v11, v6  }
0x195: {  	v25 =	vld [tilespmem:s9+$0xC000];
	s8 =	simm.s32 $0x100;
	s1 =	sand.u32 $0x40, s23;
	v6 =	vmul.f32 v14, v8;
	v15 =	vmul.f32 v15, v22  }
0x196: {  	s25 =	simm.s32 $0x40;
	v27 =	vld [tilespmem:s0+$0x4000];
	s4 =	sand.u32 $0x3E00, s8;
	s7 =	sor.u32 $0x20, s1;
	v19 =	vmul.f32 v19, v23;
	v21 =	vmul.f32 v21, v23  }
0x197: {  	v59 =	vld [tilespmem:s25+$0x10000];
	s2 =	sor.u32 s4, s7;
	v7 =	vmul.f32 v16, v7;
	v57 =	vmul.f32 v18, v29  }
0x198: {  	v36 =	vld [tilespmem:s2+$0xC000];
	v14 =	vmul.f32 v9, v9;
	v24 =	vmul.f32 v10, v12  }
0x199: {  	v38 =	vld [tilespmem:s2+$0x4000];
	v26 =	vmul.f32 v6, v11;
	v28 =	vmul.f32 v6, v6  }
0x19a: {  	v39 =	vld [tilespmem:s2+$0x4080];
	v10 =	vmul.f32 v10, v10;
	v30 =	vmul.f32 v12, v12  }
0x19b: {  	v8 =	vld [tilespmem:s22+$0x11000];
	v12 =	vmul.f32 v13, v22;
	v16 =	vmul.f32 v21, v21  }
0x19c: {  	v23 =	vld [tilespmem:s9+$0x4000];
	v11 =	vmul.f32 v11, v11;
	v58 =	vmul.f32 v19, v19  }
0x19d: {  	v13 =	vld [tilespmem:s0+$0x4080];
	v41 =	vmul.f32 v15, v15;
	v9 =	vmul.f32 v9, v15  }
0x19e: {  	v37 =	vimm.f32 $0.0e+00;
	s22 =	sor.u32 s1, s4;
	v6 =	vld [tilespmem:s25+$0x11000];
	v35 =	vmul.f32 v12, v7;
	v7 =	vmul.f32 v7, v7  }
0x19f: {  	v22 =	vld [tilespmem:s22+$0xC080];
	v40 =	vadd.f32 v14, v37;
	v14 =	vmul.f32 v57, v57;
	v43 =	vmul.f32 v12, v12  }
0x1a0: {  	v44 =	vld [tilespmem:s22+$0x4080];
	s0 =	sand.u32 $0xF80, s23;
	v17 =	vmul.f32 v17, v8;
	v25 =	vmul.f32 v25, v8  }
0x1a1: {  	v45 =	vld [tilespmem:s22+$0x4000];
	s23 =	sor.u32 $0x10, s1;
	s1 =	sor.u32 $0x30, s1;
	s9 =	sor.u32 s0, s7;
	v9 =	vadd.f32 v9, v37;
	v8 =	vmul.f32 v27, v20;
	v23 =	vmul.f32 v23, v29  }
0x1a2: {  	s31 =	sor.u32 s4, s1;
	v31 =	vld [tilespmem:s9+$0x10000];
	v35 =	vadd.f32 v35, v37;
	v56 =	vmul.f32 v17, v17;
	v18 =	vmul.f32 v25, v25  }
0x1a3: {  	v15 =	vld [tilespmem:s31+$0xC080];
	v12 =	vadd.f32 v7, v37;
	v13 =	vmul.f32 v13, v20;
	v42 =	vmul.f32 v8, v8  }
0x1a4: {  	v27 =	vld [tilespmem:s9+$0x11000];
	v43 =	vadd.f32 v43, v37;
	v8 =	vmul.f32 v19, v8;
	v7 =	vmul.f32 v22, v6  }
0x1a5: {  	v20 =	vld [tilespmem:s2+$0xC080];
	v19 =	vadd.f32 v41, v37;
	v48 =	vmul.f32 v23, v23;
	v17 =	vmul.f32 v17, v23  }
0x1a6: {  	s25 =	sor.u32 s0, s23;
	v33 =	vld [tilespmem:s31+$0xC000];
	v46 =	vadd.f32 v16, v12;
	v21 =	vmul.f32 v13, v21;
	v47 =	vmul.f32 v13, v13  }
0x1a7: {  	v29 =	vld [tilespmem:s25+$0x11000];
	s2 =	sor.u32 s4, s23;
	v12 =	vmul.f32 v7, v7;
	v19 =	vadd.f32 v42, v19;
	v9 =	vadd.f32 v8, v9  }
0x1a8: {  	v62 =	vld [tilespmem:s2+$0xC080];
	v61 =	vmul.f32 v39, v31;
	v11 =	vadd.f32 v11, v46;
	v35 =	vadd.f32 v21, v35  }
0x1a9: {  	v22 =	vld [tilespmem:s22+$0xC000];
	v21 =	vmul.f32 v36, v27;
	v19 =	vadd.f32 v30, v19;
	v63 =	vadd.f32 v47, v43  }
0x1aa: {  	v16 =	vld [tilespmem:s25+$0x10000];
	v60 =	vmul.f32 v20, v27;
	v27 =	vmul.f32 v38, v31;
	v20 =	vadd.f32 v58, v40  }
0x1ab: {  	v34 =	vld [tilespmem:s2+$0x4000];
	v18 =	vadd.f32 v18, v11;
	v11 =	vadd.f32 v24, v9;
	v24 =	vmul.f32 v45, v59  }
0x1ac: {  	s0 =	sor.u32 s0, s1;
	v30 =	vld [tilespmem:s2+$0xC000];
	v9 =	vmul.f32 v61, v21;
	v23 =	vadd.f32 v26, v35;
	v35 =	vadd.f32 v28, v63  }
0x1ad: {  	v31 =	vld [tilespmem:s0+$0x11000];
	v28 =	vmul.f32 v62, v29;
	v8 =	vmul.f32 v60, v27;
	v10 =	vadd.f32 v10, v20  }
0x1ae: {  	v32 =	vld [tilespmem:s2+$0x4080];
	v20 =	vadd.f32 v48, v19;
	v19 =	vadd.f32 v17, v11;
	v17 =	vmul.f32 v57, v25  }
0x1af: {  	v13 =	vld [tilespmem:s31+$0x4080];
	v11 =	vmul.f32 v60, v60;
	v25 =	vadd.f32 v56, v10;
	v10 =	vmul.f32 v61, v61  }
0x1b0: {  	s7 =	simm.s32 $0x80;
	v26 =	vadd.f32 v17, v23;
	v17 =	vmul.f32 v27, v27;
	v23 =	vld [tilespmem:s0+$0x10000];
	v27 =	vmul.f32 v44, v59;
	s0 =	simm.s32 $0x200  }
.LBB2_7:
0x1b1: {  	s1 =	sand.u32 $0x40, s7  }
0x1b2: {  	s22 =	sshra.s32 s0, $0x2;
	s2 =	sand.u32 $0x3E00, s0;
	v29 =	vmul.f32 v30, v29;
	v30 =	vld [tilespmem:s31+$0x4000];
	v36 =	vmul.f32 v15, v31;
	v35 =	vadd.f32 v14, v35;
	s3 =	smov.u32 s7  }
0x1b3: {  	v14 =	vmul.f32 v22, v6;
	s5 =	sor.u32 s1, s2;
	s4 =	sor.u32 $0x10, s1;
	s23 =	sor.u32 $0x30, s1;
	v6 =	vld [tilespmem:s22+$0x11000];
	v33 =	vmul.f32 v33, v31  }
0x1b4: {  	s25 =	sand.u32 $0xF80, s7;
	v22 =	vld [tilespmem:s5+$0xC080];
	s3 =	sor.u32 s2, s4;
	s31 =	sor.u32 s2, s23;
	v31 =	vmul.f32 v34, v16;
	v34 =	vmul.f32 v36, v36  }
0x1b5: {  	v38 =	vmul.f32 v21, v21;
	s8 =	sor.u32 $0x20, s1;
	s1 =	sadd.s32 $0x40, s7;
	s4 =	sor.u32 s25, s4;
	v37 =	vmul.f32 v29, v29;
	v15 =	vld [tilespmem:s31+$0xC080]  }
0x1b6: {  	p1 =	sne.s32 s7, $0xFC0;
	s9 =	sor.u32 s25, s8;
	s2 =	sor.u32 s2, s8;
	v39 =	vmul.f32 v13, v23;
	v40 =	vmul.f32 v33, v33;
	v13 =	vld [tilespmem:s31+$0x4080]  }
0x1b7: {  	v16 =	vmul.f32 v32, v16;
	v32 =	vmul.f32 v28, v28;
	v21 =	vld [tilespmem:s9+$0x11000]  }
0x1b8: {  	v42 =	vmul.f32 v27, v14;
	v43 =	vmul.f32 v14, v14;
	v41 =	vld [tilespmem:s2+$0xC080]  }
0x1b9: {  	v25 =	vadd.f32 v12, v25;
	v14 =	vmul.f32 v39, v39;
	v29 =	vmul.f32 v16, v29;
	v44 =	vld [tilespmem:s2+$0xC000]  }
0x1ba: {  	v12 =	vmul.f32 v24, v24;
	v26 =	vadd.f32 v42, v26;
	v42 =	vmul.f32 v31, v31;
	v45 =	vld [tilespmem:s2+$0x4000]  }
0x1bb: {  	v27 =	vmul.f32 v27, v27;
	v18 =	vadd.f32 v43, v18;
	v28 =	vmul.f32 v28, v31;
	v46 =	vld [tilespmem:s9+$0x10000]  }
0x1bc: {  	v20 =	vadd.f32 v12, v20;
	v23 =	vmul.f32 v30, v23;
	v22 =	vmul.f32 v22, v6;
	v43 =	vld [tilespmem:s5+$0x4080]  }
0x1bd: {  	v24 =	vmul.f32 v7, v24;
	v18 =	vadd.f32 v37, v18;
	v37 =	vmul.f32 v16, v16;
	v31 =	vld [tilespmem:s2+$0x4080]  }
0x1be: {  	v27 =	vadd.f32 v27, v35;
	v35 =	vmul.f32 v23, v23;
	v12 =	vmul.f32 v22, v22;
	v7 =	vmovc v22;
	v47 =	vld [tilespmem:s3+$0xC080]  }
0x1bf: {  	v19 =	vadd.f32 v24, v19;
	v24 =	vadd.f32 v29, v26;
	v41 =	vmul.f32 v41, v21;
	v16 =	vld [tilespmem:s4+$0x10000]  }
0x1c0: {  	v20 =	vadd.f32 v42, v20;
	v18 =	vadd.f32 v38, v18;
	v21 =	vmul.f32 v44, v21;
	v48 =	vld [tilespmem:s5+$0x4000]  }
0x1c1: {  	v19 =	vadd.f32 v28, v19;
	v25 =	vadd.f32 v32, v25;
	v38 =	vmul.f32 v45, v46;
	v22 =	vld [tilespmem:s5+$0xC000]  }
0x1c2: {  	v17 =	vadd.f32 v17, v20;
	v18 =	vadd.f32 v40, v18;
	v30 =	vld [tilespmem:s3+$0xC000];
	v26 =	vmul.f32 v31, v46  }
0x1c3: {  	v23 =	vmul.f32 v36, v23;
	v19 =	vadd.f32 v8, v19;
	v8 =	vmul.f32 v41, v38;
	v28 =	vld [tilespmem:s22+$0x10000]  }
0x1c4: {  	v11 =	vadd.f32 v11, v25;
	v20 =	vadd.f32 v35, v17;
	s2 =	sor.u32 s25, s23;
	v29 =	vld [tilespmem:s4+$0x11000];
	v32 =	vmul.f32 v26, v21  }
.Ltmp4:
0x1c5: {  	v17 =	vadd.f32 v9, v24;
	v19 =	vadd.f32 v23, v19;
	v23 =	vmul.f32 v39, v33;
	v31 =	vld [tilespmem:s2+$0x11000];
	(pc) =	sbr.rel @p1 .LBB2_7-.Ltmp4, $4  }
0x1c6: {  	v27 =	vadd.f32 v37, v27;
	v25 =	vadd.f32 v34, v11;
	v33 =	vld [tilespmem:s31+$0xC000];
	v9 =	vmov v32  }
0x1c7: {  	v11 =	vmul.f32 v41, v41;
	v36 =	vmul.f32 v26, v26;
	v26 =	vadd.f32 v23, v17;
	v34 =	vld [tilespmem:s3+$0x4000]  }
0x1c8: {  	v35 =	vadd.f32 v10, v27;
	v17 =	vmul.f32 v38, v38;
	v24 =	vmul.f32 v48, v28;
	v23 =	vld [tilespmem:s2+$0x10000]  }
0x1c9: {  	s0 =	sadd.s32 $0x100, s0;
	s7 =	smov.u32 s1;
	v10 =	vmov v36;
	v27 =	vmul.f32 v43, v28;
	v32 =	vld [tilespmem:s3+$0x4080];
	v28 =	vmul.f32 v47, v29  }
0x1ca: {  	v29 =	vmul.f32 v30, v29  }
0x1cb: {  	v15 =	vmul.f32 v15, v31;
	v6 =	vmul.f32 v22, v6  }
0x1cc: {  	v21 =	vmul.f32 v21, v21;
	v7 =	vmul.f32 v7, v24  }
0x1cd: {  	v24 =	vmul.f32 v24, v24;
	v22 =	vmul.f32 v33, v31  }
0x1ce: {  	v62 =	vmul.f32 v28, v28;
	v30 =	vmul.f32 v34, v16  }
0x1cf: {  	v14 =	vadd.f32 v14, v35;
	v31 =	vmul.f32 v15, v15;
	v60 =	vmul.f32 v29, v29  }
0x1d0: {  	v36 =	vld [tilespmem:s31+$0x4000];
	v12 =	vadd.f32 v12, v25;
	v63 =	vmul.f32 v27, v6;
	v6 =	vmul.f32 v6, v6  }
0x1d1: {  	v7 =	vadd.f32 v7, v19;
	v20 =	vadd.f32 v24, v20;
	v13 =	vmul.f32 v13, v23  }
0x1d2: {  	v12 =	vadd.f32 v62, v12;
	v16 =	vmul.f32 v32, v16;
	v6 =	vadd.f32 v6, v18  }
0x1d3: {  	v26 =	vadd.f32 v63, v26;
	v18 =	vmul.f32 v27, v27;
	v27 =	vmul.f32 v28, v30  }
0x1d4: {  	v19 =	vmul.f32 v30, v30;
	v25 =	vmul.f32 v16, v29;
	v6 =	vadd.f32 v60, v6  }
0x1d5: {  	v23 =	vmul.f32 v36, v23;
	v14 =	vadd.f32 v18, v14;
	v7 =	vadd.f32 v27, v7  }
0x1d6: {  	v61 =	vmul.f32 v22, v22;
	v19 =	vadd.f32 v19, v20;
	v18 =	vadd.f32 v25, v26  }
0x1d7: {  	v16 =	vmul.f32 v16, v16;
	v7 =	vadd.f32 v8, v7;
	v8 =	vmul.f32 v15, v23  }
0x1d8: {  	v15 =	vadd.f32 v17, v19;
	v17 =	vmul.f32 v13, v22;
	v9 =	vadd.f32 v9, v18  }
0x1d9: {  	v18 =	vmul.f32 v23, v23;
	v7 =	vadd.f32 v8, v7;
	v8 =	vadd.f32 v16, v14  }
0x1da: {  	v6 =	vadd.f32 v21, v6;
	v13 =	vmul.f32 v13, v13;
	v9 =	vadd.f32 v17, v9  }
0x1db: {  	v14 =	vadd.f32 v18, v15;
	v8 =	vadd.f32 v10, v8;
	v10 =	vperm.xlane v7, v2  }
0x1dc: {  	v11 =	vadd.f32 v11, v12;
	v6 =	vadd.f32 v61, v6;
	v12 =	vperm.xlane v9, v2  }
0x1dd: {  	v8 =	vadd.f32 v13, v8;
	v7 =	vadd.f32 v10, v7;
	v10 =	vperm.xlane v14, v2  }
0x1de: {  	v11 =	vadd.f32 v31, v11;
	v9 =	vadd.f32 v12, v9;
	v12 =	vperm.xlane v6, v2  }
0x1df: {  	v13 =	vperm.xlane v7, v3;
	v10 =	vadd.f32 v10, v14;
	v14 =	vperm.xlane v8, v2  }
0x1e0: {  	v15 =	vperm.xlane v9, v3;
	v6 =	vadd.f32 v12, v6;
	v12 =	vperm.xlane v11, v2  }
0x1e1: {  	v7 =	vadd.f32 v13, v7;
	v13 =	vperm.xlane v10, v3;
	v8 =	vadd.f32 v14, v8  }
0x1e2: {  	v9 =	vadd.f32 v15, v9;
	v14 =	vperm.xlane v6, v3;
	v11 =	vadd.f32 v12, v11  }
0x1e3: {  	v12 =	vperm.xlane v7, v4;
	v10 =	vadd.f32 v13, v10;
	v13 =	vperm.xlane v8, v3  }
0x1e4: {  	v15 =	vperm.xlane v9, v4;
	v6 =	vadd.f32 v14, v6;
	v14 =	vperm.xlane v11, v3  }
0x1e5: {  	v7 =	vadd.f32 v12, v7;
	v12 =	vperm.xlane v10, v4;
	v8 =	vadd.f32 v13, v8  }
0x1e6: {  	v9 =	vadd.f32 v15, v9;
	v13 =	vperm.xlane v6, v4;
	v11 =	vadd.f32 v14, v11  }
0x1e7: {  	v14 =	vperm.xlane v7, v5;
	v10 =	vadd.f32 v12, v10;
	v12 =	vperm.xlane v8, v4  }
0x1e8: {  	v15 =	vperm.xlane v9, v5;
	v6 =	vadd.f32 v13, v6;
	v13 =	vperm.xlane v11, v4  }
0x1e9: {  	v7 =	vadd.f32 v14, v7;
	v14 =	vperm.xlane v10, v5;
	v8 =	vadd.f32 v12, v8  }
0x1ea: {  	v9 =	vadd.f32 v15, v9;
	v12 =	vperm.xlane v6, v5;
	v11 =	vadd.f32 v13, v11  }
0x1eb: {  	v7 =	vnsel vm1, $0x0, v7;
	v10 =	vadd.f32 v14, v10;
	v13 =	vperm.xlane v8, v5  }
0x1ec: {  	v7 =	vsel vm2, v7, v9;
	v6 =	vadd.f32 v12, v6;
	v9 =	vperm.xlane v11, v5  }
0x1ed: {  	v8 =	vadd.f32 v13, v8;
	v7 =	vsel vm3, v7, v10  }
0x1ee: {  	v6 =	vsel vm4, v7, v6;
	v7 =	vadd.f32 v9, v11  }
0x1ef: {  	v6 =	vsel vm5, v6, v8  }
0x1f0: {  	p1 =	por $0x0, $0x0;
	s31 =	simm.s32 $0x0;
	s0 =	simm.s32 $0x1;
	v6 =	vsel vm6, v6, v7  }
0x1f1: {  	s0 =	simm.s32 @!p1 $0x0;
	s1 =	sand.u32 $0xFC0, s31;
	[tilespmem:s29+$0x14100] =	vst v6  }
0x1f2: {  	s0 =	sshll.u32 s0, $0x6;
	v7 =	vld [tilespmem:s1+$0x11030]  }
0x1f3: {  	s0 =	sadd.s32 $0x0, s0;
	v6 =	vld [tilespmem:s1+$0x10030]  }
0x1f4: {  	s2 =	sadd.s32 $0x20, s0;
	v10 =	vld [tilespmem:s1+$0x11010]  }
0x1f5: {  	s3 =	sor.u32 $0x100, s2;
	v8 =	vld [tilespmem:s1+$0x11020]  }
0x1f6: {  	s2 =	sor.u32 $0x180, s2;
	v9 =	vld [tilespmem:s3+$0x4000]  }
0x1f7: {  	s4 =	sadd.s32 $0x10, s0;
	v12 =	vld [tilespmem:s2+$0xC000]  }
0x1f8: {  	s5 =	sor.u32 $0x180, s4;
	v11 =	vld [tilespmem:s1+$0x10010]  }
0x1f9: {  	s7 =	sor.u32 $0x100, s0;
	v14 =	vld [tilespmem:s5+$0x4000]  }
0x1fa: {  	s4 =	sor.u32 $0x100, s4;
	v13 =	vld [tilespmem:s7+$0xC000]  }
0x1fb: {  	v15 =	vld [tilespmem:s4+$0xC000]  }
0x1fc: {  	v16 =	vld [tilespmem:s4+$0x4000]  }
0x1fd: {  	s22 =	sor.u32 $0x180, s0;
	v17 =	vld [tilespmem:s5+$0xC000]  }
0x1fe: {  	s23 =	simm.s32 $0x0;
	v18 =	vld [tilespmem:s22+$0xC000]  }
0x1ff: {  	v26 =	vld [tilespmem:s23+$0x11000]  }
0x200: {  	v23 =	vld [tilespmem:s7+$0x4000]  }
0x201: {  	v24 =	vimm.f32 $0.0e+00;
	v29 =	vld [tilespmem:s22+$0x4000]  }
0x202: {  	s25 =	sadd.s32 $0x30, s0;
	v27 =	vimm.f32 $0.0e+00;
	v30 =	vld [tilespmem:s23+$0x10000];
	v15 =	vmul.f32 v15, v10;
	v14 =	vmul.f32 v14, v11  }
0x203: {  	v19 =	vimm.f32 $0.0e+00;
	s5 =	sor.u32 $0x180, s25;
	v20 =	vld [tilespmem:s1+$0x10020];
	v11 =	vmul.f32 v16, v11;
	v32 =	vmul.f32 v17, v10  }
0x204: {  	v21 =	vimm.f32 $0.0e+00;
	v31 =	vld [tilespmem:s5+$0xC000];
	v17 =	vmul.f32 v12, v8;
	v18 =	vmul.f32 v18, v26  }
0x205: {  	v25 =	vld [tilespmem:s3+$0xC000];
	v12 =	vimm.f32 $0.0e+00;
	v16 =	vmul.f32 v14, v15;
	v14 =	vmul.f32 v14, v14  }
0x206: {  	p1 =	por !p1, !p1;
	s0 =	simm.s32 $0x100;
	s3 =	sor.u32 $0x100, s25;
	v28 =	vld [tilespmem:s2+$0x4000];
	v10 =	vmul.f32 v15, v15;
	v22 =	vmul.f32 v32, v11;
	v15 =	vimm.f32 $0.0e+00  }
.LBB2_9:
0x207: {  	s1 =	simm.s32 $0x1  }
0x208: {  	p2 =	sne.s32 s0, $0x3F00;
	v23 =	vmul.f32 v23, v30;
	v29 =	vmul.f32 v29, v30;
	v30 =	vld [tilespmem:s5+$0x4000];
	s31 =	sadd.s32 $0x40, s31;
	s1 =	simm.s32 @!p1 $0x0  }
0x209: {  	v32 =	vmul.f32 v32, v32;
	s2 =	smov.u32 s0;
	s0 =	sadd.s32 $0x100, s0;
	v31 =	vmul.f32 v31, v7;
	s1 =	sshll.u32 s1, $0x6;
	v33 =	vld [tilespmem:s3+$0x4000]  }
0x20a: {  	v13 =	vmul.f32 v13, v26;
	s7 =	sand.u32 $0xFC0, s31;
	v26 =	vmul.f32 v23, v23;
	s1 =	sadd.s32 s1, s2;
	v34 =	vld [tilespmem:s3+$0xC000]  }
0x20b: {  	s22 =	sshra.s32 s2, $0x2;
	v23 =	vmul.f32 v18, v23;
	v36 =	vmul.f32 v9, v20;
	s2 =	sor.u32 $0x100, s1;
	v35 =	vld [tilespmem:s7+$0x11030];
	s25 =	sadd.s32 $0x30, s1  }
0x20c: {  	v9 =	vmul.f32 v29, v13;
	s8 =	sadd.s32 $0x10, s1;
	v26 =	vadd.f32 v26, v27;
	v27 =	vmul.f32 v29, v29;
	v37 =	vld [tilespmem:s7+$0x10030];
	s3 =	sor.u32 $0x100, s25  }
0x20d: {  	s5 =	sor.u32 $0x180, s1;
	s1 =	sadd.s32 $0x20, s1;
	v19 =	vadd.f32 v23, v19;
	v29 =	vmul.f32 v13, v13;
	v23 =	vmul.f32 v17, v36;
	v38 =	vld [tilespmem:s7+$0x11010]  }
0x20e: {  	v13 =	vadd.f32 v9, v21;
	v21 =	vmul.f32 v25, v8;
	v20 =	vmul.f32 v28, v20;
	s9 =	sor.u32 $0x180, s8;
	s4 =	sor.u32 $0x100, s1;
	s23 =	sor.u32 $0x180, s1;
	v8 =	vld [tilespmem:s7+$0x11020]  }
0x20f: {  	v24 =	vadd.f32 v27, v24;
	v19 =	vadd.f32 v22, v19;
	v22 =	vmul.f32 v33, v6;
	v9 =	vld [tilespmem:s4+$0x4000]  }
0x210: {  	v25 =	vmul.f32 v36, v36;
	v16 =	vadd.f32 v16, v13;
	v27 =	vmul.f32 v34, v7;
	v28 =	vld [tilespmem:s23+$0xC000];
	v7 =	vmovc v35  }
0x211: {  	v18 =	vmul.f32 v18, v18;
	s1 =	sor.u32 $0x100, s8;
	v14 =	vadd.f32 v14, v24;
	v24 =	vmul.f32 v20, v20;
	v33 =	vld [tilespmem:s7+$0x10010]  }
0x212: {  	v17 =	vmul.f32 v17, v17;
	v35 =	vmul.f32 v27, v27;
	v34 =	vld [tilespmem:s9+$0x4000]  }
0x213: {  	v11 =	vmul.f32 v11, v11;
	v15 =	vadd.f32 v18, v15;
	v18 =	vadd.f32 v23, v19;
	v13 =	vld [tilespmem:s2+$0xC000]  }
0x214: {  	v19 =	vmul.f32 v20, v21;
	v24 =	vadd.f32 v24, v14;
	v14 =	vmul.f32 v22, v22;
	v36 =	vld [tilespmem:s1+$0xC000]  }
0x215: {  	v39 =	vmul.f32 v31, v31;
	v12 =	vadd.f32 v29, v12;
	v20 =	vmul.f32 v30, v6;
	v6 =	vmovc v37;
	v23 =	vld [tilespmem:s2+$0x4000]  }
0x216: {  	v11 =	vadd.f32 v11, v26;
	v22 =	vmul.f32 v31, v22;
	v37 =	vld [tilespmem:s1+$0x4000]  }
0x217: {  	v10 =	vadd.f32 v10, v12;
	v12 =	vadd.f32 v32, v15;
	v15 =	vmul.f32 v21, v21;
	v40 =	vld [tilespmem:s5+$0xC000]  }
0x218: {  	v16 =	vadd.f32 v19, v16;
	v19 =	vadd.f32 v22, v18;
	v18 =	vmul.f32 v20, v27;
	v32 =	vld [tilespmem:s9+$0xC000]  }
0x219: {  	v25 =	vadd.f32 v25, v11;
	v10 =	vadd.f32 v15, v10;
	v29 =	vld [tilespmem:s5+$0x4000];
	v22 =	vmul.f32 v36, v38  }
0x21a: {  	v15 =	vadd.f32 v17, v12;
	v17 =	vmul.f32 v20, v20;
	v34 =	vmul.f32 v34, v33;
	v26 =	vld [tilespmem:s22+$0x11000]  }
.Ltmp5:
0x21b: {  	v27 =	vadd.f32 v14, v25;
	v21 =	vadd.f32 v18, v16;
	s5 =	sor.u32 $0x180, s25;
	v30 =	vld [tilespmem:s22+$0x10000];
	v11 =	vmul.f32 v37, v33;
	(pc) =	sbr.rel @p2 .LBB2_9-.Ltmp5, $4  }
0x21c: {  	v12 =	vadd.f32 v35, v10;
	v15 =	vadd.f32 v39, v15;
	v16 =	vmul.f32 v34, v22;
	v31 =	vld [tilespmem:s5+$0xC000]  }
0x21d: {  	v24 =	vadd.f32 v17, v24;
	v14 =	vmul.f32 v34, v34;
	v32 =	vmul.f32 v32, v38;
	v20 =	vld [tilespmem:s7+$0x10020]  }
0x21e: {  	v17 =	vmul.f32 v28, v8;
	v10 =	vmul.f32 v22, v22;
	v25 =	vld [tilespmem:s4+$0xC000]  }
0x21f: {  	p1 =	por !p1, !p1;
	v18 =	vmul.f32 v40, v26;
	v22 =	vmul.f32 v32, v11;
	v28 =	vld [tilespmem:s23+$0x4000]  }
0x220: {  	v23 =	vmul.f32 v23, v30;
	v29 =	vmul.f32 v29, v30  }
0x221: {  	v59 =	vmul.f32 v32, v32;
	v13 =	vmul.f32 v13, v26  }
0x222: {  	v11 =	vmul.f32 v11, v11;
	v31 =	vmul.f32 v31, v7  }
0x223: {  	v32 =	vmul.f32 v18, v18;
	v61 =	vmul.f32 v23, v23  }
0x224: {  	v23 =	vmul.f32 v18, v23;
	v9 =	vmul.f32 v9, v20  }
0x225: {  	v60 =	vld [tilespmem:s3+$0x4000];
	v34 =	vmul.f32 v29, v13;
	v29 =	vmul.f32 v29, v29  }
0x226: {  	v33 =	vld [tilespmem:s3+$0xC000];
	v13 =	vmul.f32 v13, v13;
	v8 =	vmul.f32 v25, v8;
	v15 =	vadd.f32 v32, v15  }
0x227: {  	v43 =	vmul.f32 v31, v31;
	v27 =	vadd.f32 v61, v27;
	v19 =	vadd.f32 v23, v19  }
0x228: {  	v62 =	vmul.f32 v17, v9;
	v21 =	vadd.f32 v34, v21;
	v63 =	vmul.f32 v28, v20;
	v28 =	vld [tilespmem:s5+$0x4000]  }
0x229: {  	v24 =	vadd.f32 v29, v24;
	v9 =	vmul.f32 v9, v9;
	v12 =	vadd.f32 v13, v12  }
0x22a: {  	v29 =	vmul.f32 v60, v6;
	v40 =	vadd.f32 v59, v15;
	v19 =	vadd.f32 v22, v19  }
0x22b: {  	v7 =	vmul.f32 v33, v7;
	v16 =	vadd.f32 v16, v21;
	v14 =	vadd.f32 v14, v24  }
0x22c: {  	v33 =	vmul.f32 v63, v63;
	v37 =	vmul.f32 v63, v8;
	v11 =	vadd.f32 v11, v27  }
0x22d: {  	v10 =	vadd.f32 v10, v12;
	v8 =	vmul.f32 v8, v8;
	v6 =	vmul.f32 v28, v6  }
0x22e: {  	v35 =	vmul.f32 v7, v7;
	v39 =	vmul.f32 v31, v29;
	v36 =	vadd.f32 v62, v19  }
0x22f: {  	v38 =	vadd.f32 v33, v14;
	v41 =	vadd.f32 v37, v16;
	v7 =	vmul.f32 v6, v7  }
0x230: {  	v42 =	vmul.f32 v29, v29;
	v9 =	vadd.f32 v9, v11;
	v14 =	vadd.f32 v39, v36  }
0x231: {  	v34 =	vmul.f32 v17, v17;
	v8 =	vadd.f32 v8, v10;
	v7 =	vadd.f32 v7, v41  }
0x232: {  	v9 =	vadd.f32 v42, v9;
	v6 =	vmul.f32 v6, v6;
	v44 =	vperm.xlane v14, v2  }
0x233: {  	v12 =	vadd.f32 v34, v40;
	v8 =	vadd.f32 v35, v8;
	v15 =	vperm.xlane v7, v2  }
0x234: {  	v45 =	vperm.xlane v9, v2;
	v6 =	vadd.f32 v6, v38;
	v10 =	vadd.f32 v44, v14  }
0x235: {  	v11 =	vadd.f32 v43, v12;
	v46 =	vperm.xlane v8, v2;
	v7 =	vadd.f32 v15, v7  }
0x236: {  	v9 =	vadd.f32 v45, v9;
	v47 =	vperm.xlane v6, v2;
	v14 =	vperm.xlane v10, v3  }
0x237: {  	v48 =	vperm.xlane v11, v2;
	v8 =	vadd.f32 v46, v8;
	v15 =	vperm.xlane v7, v3  }
0x238: {  	v49 =	vperm.xlane v9, v3;
	v6 =	vadd.f32 v47, v6;
	v10 =	vadd.f32 v14, v10  }
0x239: {  	v11 =	vadd.f32 v48, v11;
	v50 =	vperm.xlane v8, v3;
	v7 =	vadd.f32 v15, v7  }
0x23a: {  	v9 =	vadd.f32 v49, v9;
	v52 =	vperm.xlane v6, v3;
	v51 =	vperm.xlane v10, v4  }
0x23b: {  	v53 =	vperm.xlane v11, v3;
	v8 =	vadd.f32 v50, v8;
	v15 =	vperm.xlane v7, v4  }
0x23c: {  	v54 =	vperm.xlane v9, v4;
	v6 =	vadd.f32 v52, v6;
	v10 =	vadd.f32 v51, v10  }
0x23d: {  	v11 =	vadd.f32 v53, v11;
	v55 =	vperm.xlane v8, v4;
	v7 =	vadd.f32 v15, v7  }
0x23e: {  	v9 =	vadd.f32 v54, v9;
	v57 =	vperm.xlane v6, v4;
	v56 =	vperm.xlane v10, v5  }
0x23f: {  	v58 =	vperm.xlane v11, v4;
	v8 =	vadd.f32 v55, v8;
	v15 =	vperm.xlane v7, v5  }
0x240: {  	v59 =	vperm.xlane v9, v5;
	v6 =	vadd.f32 v57, v6;
	v10 =	vadd.f32 v56, v10  }
0x241: {  	v11 =	vadd.f32 v58, v11;
	v60 =	vperm.xlane v8, v5;
	v7 =	vadd.f32 v15, v7  }
0x242: {  	v9 =	vadd.f32 v59, v9;
	v61 =	vperm.xlane v6, v5;
	v10 =	vnsel vm1, $0x0, v10  }
0x243: {  	v62 =	vperm.xlane v11, v5;
	v8 =	vadd.f32 v60, v8;
	v7 =	vsel vm2, v10, v7  }
.Ltmp6:
0x244: {  	v6 =	vadd.f32 v61, v6;
	v7 =	vsel vm3, v7, v9;
	(pc) =	sbr.rel @p0 .LBB2_12-.Ltmp6, $4  }
0x245: {  	v63 =	vadd.f32 v62, v11;
	v7 =	vsel vm4, v7, v8  }
0x246: {  	v6 =	vsel vm5, v7, v6  }
0x247: {  	v6 =	vsel vm6, v6, v63  }
0x248: {  	s9 =	smov.u32 s10;
	[tilespmem:s29+$0x14180] =	vst v6  }
0x249: {  	s0 =	sshrl.u32 s30, $0x2  }
0x24a: {  	v6 =	vld.msk [tilespmem:s0+$0x12180], $0xf;
	_ =	sdelay $0x4  }
0x24b: {  	v7 =	vshll.u32 v6, $0x5  }
0x24c: {  	v6 =	vand.u32 $0x7, v6;
	v7 =	vand.u32 $0xFFFFFF00, v7  }
0x24d: {  	v6 =	vor.u32 v6, v7  }
0x24e: {  	v6 =	vperm.xlane v6, v0;
	_ =	sdelay $0x1  }
0x24f: {  	v6 =	vadd.s32 v1, v6;
	_ =	sdelay $0x3  }
0x250: {  	s1 =	simm.s32 $0x4000  }
0x251: {  	[tilespmem:s1], [sflag:$0x2] =	stream.indirect_vreg.gather [hbm4b:s9+s6], $0x80, v6, vm0, $0xb8;
	[tilespmem:$0x18000] =	vst v63  }
0x252: {  	s23 =	rddreg [dreg:$0x7];
	s2 =	simm.s32 $0x4800  }
0x253: {  	[tilespmem:s2], [sflag:$0x2] =	stream.indirect_vreg.gather [hbm4b:s23+s6], $0x80, v6, vm0, $0xb8;
	[tilespmem:$0x18000] =	vst v63  }
0x254: {  	s25 =	rddreg [dreg:$0x8];
	s29 =	simm.s32 $0x5000  }
0x255: {  	[tilespmem:s29], [sflag:$0x2] =	stream.indirect_vreg.gather [hbm4b:s25+s6], $0x80, v6, vm0, $0xb8;
	[tilespmem:$0x18000] =	vst v63  }
0x256: {  	s30 =	rddreg [dreg:$0x9];
	s31 =	simm.s32 $0x5800  }
0x257: {  	[tilespmem:s31], [sflag:$0x2] =	stream.indirect_vreg.gather [hbm4b:s30+s6], $0x80, v6, vm0, $0xb8;
	[tilespmem:$0x18000] =	vst v63  }
0x258: {  	s2 =	simm.s32 $0x6000  }
0x259: {  	[tilespmem:s2], [sflag:$0x2] =	stream.indirect_vreg.gather [hbm4b:s11+s6], $0x80, v6, vm0, $0xb8;
	[tilespmem:$0x18000] =	vst v63  }
0x25a: {  	s3 =	simm.s32 $0x6800  }
0x25b: {  	[tilespmem:s3], [sflag:$0x2] =	stream.indirect_vreg.gather [hbm4b:s12+s6], $0x80, v6, vm0, $0xb8;
	[tilespmem:$0x18000] =	vst v63  }
0x25c: {  	s4 =	simm.s32 $0x7000  }
0x25d: {  	[tilespmem:s4], [sflag:$0x2] =	stream.indirect_vreg.gather [hbm4b:s13+s6], $0x80, v6, vm0, $0xb8;
	[tilespmem:$0x18000] =	vst v63  }
0x25e: {  	s5 =	simm.s32 $0x7800  }
0x25f: {  	[tilespmem:s5], [sflag:$0x2] =	stream.indirect_vreg.gather [hbm4b:s14+s6], $0x80, v6, vm0, $0xb8;
	[tilespmem:$0x18000] =	vst v63  }
0x260: {  	v6 =	vld.msk [tilespmem:s0+$0x12180], $0xf;
	_ =	sdelay $0x4  }
0x261: {  	v7 =	vshll.u32 v6, $0x5  }
0x262: {  	v6 =	vand.u32 $0x7, v6;
	v7 =	vand.u32 $0xFFFFFF00, v7  }
0x263: {  	v6 =	vor.u32 v6, v7  }
0x264: {  	v6 =	vperm.xlane v6, v0;
	_ =	sdelay $0x1  }
0x265: {  	v6 =	vadd.s32 v1, v6;
	_ =	sdelay $0x3  }
0x266: {  	s7 =	rddreg [dreg:$0x1];
	s8 =	simm.s32 $0xC000  }
0x267: {  	[tilespmem:s8], [sflag:$0x2] =	stream.indirect_vreg.gather [hbm4b:s7+s6], $0x80, v6, vm0, $0xb8;
	[tilespmem:$0x18000] =	vst v63  }
0x268: {  	s10 =	simm.s32 $0xC800  }
0x269: {  	[tilespmem:s10], [sflag:$0x2] =	stream.indirect_vreg.gather [hbm4b:s15+s6], $0x80, v6, vm0, $0xb8;
	[tilespmem:$0x18000] =	vst v63  }
0x26a: {  	s22 =	simm.s32 $0xD000  }
0x26b: {  	[tilespmem:s22], [sflag:$0x2] =	stream.indirect_vreg.gather [hbm4b:s16+s6], $0x80, v6, vm0, $0xb8;
	[tilespmem:$0x18000] =	vst v63  }
0x26c: {  	s23 =	simm.s32 $0xD800  }
0x26d: {  	[tilespmem:s23], [sflag:$0x2] =	stream.indirect_vreg.gather [hbm4b:s17+s6], $0x80, v6, vm0, $0xb8;
	[tilespmem:$0x18000] =	vst v63  }
0x26e: {  	s25 =	simm.s32 $0xE000  }
0x26f: {  	[tilespmem:s25], [sflag:$0x2] =	stream.indirect_vreg.gather [hbm4b:s18+s6], $0x80, v6, vm0, $0xb8;
	[tilespmem:$0x18000] =	vst v63  }
0x270: {  	s29 =	simm.s32 $0xE800  }
0x271: {  	[tilespmem:s29], [sflag:$0x2] =	stream.indirect_vreg.gather [hbm4b:s19+s6], $0x80, v6, vm0, $0xb8;
	[tilespmem:$0x18000] =	vst v63  }
.Ltmp7:
0x272: {  	_ = 	snop;
	(pc) =	sbr.rel .LBB2_2-.Ltmp7, $4  }
0x273: {  	s30 =	simm.s32 $0xF000  }
0x274: {  	[tilespmem:s30], [sflag:$0x2] =	stream.indirect_vreg.gather [hbm4b:s20+s6], $0x80, v6, vm0, $0xb8;
	[tilespmem:$0x18000] =	vst v63  }
0x275: {  	s28 =	sadd.s32 $0x1, s28;
	s31 =	simm.s32 $0xF800  }
0x276: {  	[tilespmem:s31], [sflag:$0x2] =	stream.indirect_vreg.gather [hbm4b:s21+s6], $0x80, v6, vm0, $0xb8;
	[tilespmem:$0x18000] =	vst v63  }
.LBB2_13:
0x277: {  	_ =	sfence.sel $0x180000  }
0x278: {  	[bflag:$0x0] =	sbarrier.arrive $0xFFFF  }
0x279: {  	_ =	strace $0x90000047  }
0x27a: {  	s0 =	stileid.u32;
	[bflag:$0x2] =	sbarrier.arrive $0xFFFF  }
0x27b: {  	p0 =	sne.s32 s0, $0x0;
	s0 =	rddreg [dreg:$0x5]  }
0x27c: {  	s0 =	sadd.s32 @!p0 $0x100000, s0  }
0x27d: {  	[sflag:s0] =	ssyncadd.tile.s32 @!p0 $0x1;
	_ =	shalt  }
.Lfunc_end2:
_tile_overlayer_lowered:
.L_overlay_start_2:
0x27e: {  	(tag) =	ssettag $0x2  }
0x27f: {  	s0 =	rddreg [dreg:$0x0];
	s2 =	stileid.u32  }
0x280: {  	s1 =	rddreg [dreg:$0x1];
	p0 =	sne.s32 s2, $0x0  }
0x281: {  	s3 =	rddreg [dreg:$0x2];
	[bflag:$0x3] =	sbarrier.arrive $0xFFFF;
	s2 =	simm.s32 @!p0 $0x1C03  }
0x282: {  	[timem:s3], [sflag:s2] =	dma.local @!p0 [hbm:s0], s1  }
0x283: {  	s0 =	simm.s32 @!p0 $0x3  }
0x284: {  	_ =	swait.ge @!p0 [sflag:s0], s1  }
0x285: {  	s1 =	ssub.s32 @!p0 $0x0, s1;
	[sflag:s0] =	ssyncset.done @!p0 $0x0  }
0x286: {  	[sflag:s0] =	ssyncadd.s32 @!p0 s1  }
0x287: {  	[bflag:$0x3] =	sbarrier.arrive $0xFFFF  }
0x288: {  	_ =	shalt  }

</sc_bundles>
